<compile_context>
chip_gen: v7x
topology: tpu7x:2x2x1
jax: 0.10.2.dev20260603
libtpu: 0.0.44.dev20260713+nightly
codegen_flags: <defaults>
</compile_context>

<pallas_src>
import functools
import math

import jax
import jax.numpy as jnp
from jax import lax
from jax.experimental import pallas as pl
from jax.experimental.pallas import tpu as pltpu
from jax.experimental.pallas import tpu_sc as plsc

D_MODEL = 64
SCALE = math.sqrt(D_MODEL)

_info = plsc.get_sparse_core_info()
NC = _info.num_cores
NS = _info.num_subcores
LANES = _info.num_lanes
NW = NC * NS

V = 1000000
N_POS = 50
N_SEQ = 16384
N_IC = N_SEQ // 128
UIC = 2
UB = 128 * UIC
NBUF = 3

_mesh = plsc.VectorSubcoreMesh(core_axis_name="c", subcore_axis_name="s")


@functools.partial(
    pl.kernel,
    mesh=_mesh,
    compiler_params=pltpu.CompilerParams(
        use_tc_tiling_on_sc=False, needs_layout_passes=False),
    out_type=jax.ShapeDtypeStruct((N_POS, 8, N_IC, 8, 128), jnp.float32),
    scratch_types=[
        pltpu.VMEM((NBUF, UB), jnp.int32),
        pltpu.VMEM((NBUF, UB, D_MODEL), jnp.float32),
        pltpu.VMEM((NBUF, UIC, 8, 8, 129), jnp.float32),
        pltpu.SemaphoreType.DMA,
        pltpu.SemaphoreType.DMA,
        pltpu.SemaphoreType.DMA,
        pltpu.SemaphoreType.DMA,
        pltpu.SemaphoreType.DMA,
        pltpu.SemaphoreType.DMA,
        pltpu.SemaphoreType.DMA,
        pltpu.SemaphoreType.DMA,
        pltpu.SemaphoreType.DMA,
    ],
)
def _emb(x_t_hbm, table_hbm, out_hbm, xv, gbuf, outb,
         xs0, xs1, xs2, gs0, gs1, gs2, os0, os1, os2):
    wid = lax.axis_index("s") * NC + lax.axis_index("c")
    iota = lax.iota(jnp.int32, LANES)
    n_units = (N_POS * N_IC) // (UIC * NW)
    xsems = (xs0, xs1, xs2)
    gsems = (gs0, gs1, gs2)
    osems = (os0, os1, os2)

    def ji(t):
        u = t * NW + wid
        return u // (N_IC // UIC), (u % (N_IC // UIC)) * UIC

    def xv_copy(t, b):
        j, ic0 = ji(t)
        return pltpu.make_async_copy(
            x_t_hbm.at[j, pl.ds(ic0 * 128, UB)], xv.at[b], xsems[b])

    def gather(t, b):
        return pltpu.make_async_copy(
            table_hbm.at[xv.at[b]], gbuf.at[b], gsems[b])

    def out_copy(t, b, ich):
        j, ic0 = ji(t)
        return pltpu.make_async_copy(
            outb.at[b, ich, pl.ds(0, 8), pl.ds(0, 8), pl.ds(0, 128)],
            out_hbm.at[j, pl.ds(0, 8), ic0 + ich], osems[b])

    qhi = [lax.shift_right_logical(iota + qg * LANES, 3)
           for qg in range(D_MODEL // LANES)]
    qlo = [lax.bitwise_and(iota + qg * LANES,
                           jnp.full((LANES,), 7, jnp.int32))
           for qg in range(D_MODEL // LANES)]

    def transpose(b):
        @plsc.parallel_loop(0, UB, unroll=8)
        def l_body(l):
            ich = jnp.full((LANES,), l // 128, jnp.int32)
            col = jnp.full((LANES,), l % 128, jnp.int32)
            for qg in range(D_MODEL // LANES):
                vec = gbuf[b, l, pl.ds(qg * LANES, LANES)] * SCALE
                plsc.store_scatter(
                    outb.at[b], [ich, qhi[qg], qlo[qg], col], vec)

    xv_copy(0, 0).start()
    xv_copy(0, 0).wait()
    gather(0, 0).start()
    xv_copy(1, 1).start()

    def unit(t, carry):
        def body(b):
            nb = (b + 1) % NBUF
            nnb = (b + 2) % NBUF

            @pl.when(t + 2 < n_units)
            def _():
                xv_copy(t + 2, nnb).start()

            @pl.when(t + 1 < n_units)
            def _():
                xv_copy(t + 1, nb).wait()
                gather(t + 1, nb).start()

            @pl.when(t >= NBUF)
            def _():
                for ich in range(UIC):
                    out_copy(t - NBUF, b, ich).wait()

            gather(t, b).wait()
            transpose(b)
            for ich in range(UIC):
                out_copy(t, b, ich).start()

        b = lax.rem(t, NBUF)
        for bb in range(NBUF):
            @pl.when(b == bb)
            def _():
                body(bb)

        return carry

    lax.fori_loop(0, n_units, unit, 0)
    for t in range(n_units - NBUF, n_units):
        for ich in range(UIC):
            out_copy(t, t % NBUF, ich).wait()


def kernel(x, lut):
    out5 = _emb(x.T, lut)
    out_t = out5.transpose(0, 1, 3, 2, 4).reshape(N_POS, D_MODEL, N_SEQ)
    return out_t.transpose(2, 0, 1)

# --- scband reference (transcript-rebuilt; emitter-appended) ---
"""Pipeline reference for scband-embeddings-16071767622028 (READ-ONLY COPY).

The authoritative reference and input builder live on the scoring server;
editing this copy changes nothing except your own understanding.
"""

import jax, jax.numpy as jnp
import numpy as np
import math

N_TOKEN = 1000000
D_MODEL = 64

def setup_inputs(seed: int = 0) -> dict:
    key = jax.random.key(seed)
    k_idx, k_lut = jax.random.split(key)
    x = jax.random.randint(k_idx, (16384, 50), 0, N_TOKEN, dtype=jnp.int64) if jax.config.jax_enable_x64 else jax.random.randint(k_idx, (16384, 50), 0, N_TOKEN, dtype=jnp.int32)
    lut = jax.random.normal(k_lut, (N_TOKEN, D_MODEL), dtype=jnp.float32)
    return {"x": x, "lut": lut}

def reference(x, lut):
    # Embeddings.forward: self.lut(x) * math.sqrt(self.d_model)
    emb = jnp.take(lut, x, axis=0)
    return emb * math.sqrt(D_MODEL)

if __name__ == "__main__":
    import jax
    _d = setup_inputs()
    print(jax.jit(kernel)(*tuple(_d.values())))

</pallas_src>

<mosaic_0001>
#map = affine_map<(d0, d1) -> (0, 0)>
#map1 = affine_map<(d0, d1) -> (0, 0, 0, 0, 0)>
module attributes {stable_mosaic.version = 14 : i64} {
  func.func @_emb(%arg0: i32, %arg1: i32, %arg2: memref<50x16384xi32, #tpu.memory_space<hbm>>, %arg3: memref<1000000x64xf32, #tpu.memory_space<hbm>>, %arg4: memref<50x8x128x8x128xf32, #tpu.memory_space<hbm>>, %arg5: memref<3x256xi32, #tpu.memory_space<vmem>>, %arg6: memref<3x256x64xf32, #tpu.memory_space<vmem>>, %arg7: memref<3x2x8x8x129xf32, #tpu.memory_space<vmem>>, %arg8: memref<!tpu.dma_semaphore, #tpu.memory_space<semaphore_mem>>, %arg9: memref<!tpu.dma_semaphore, #tpu.memory_space<semaphore_mem>>, %arg10: memref<!tpu.dma_semaphore, #tpu.memory_space<semaphore_mem>>, %arg11: memref<!tpu.dma_semaphore, #tpu.memory_space<semaphore_mem>>, %arg12: memref<!tpu.dma_semaphore, #tpu.memory_space<semaphore_mem>>, %arg13: memref<!tpu.dma_semaphore, #tpu.memory_space<semaphore_mem>>, %arg14: memref<!tpu.dma_semaphore, #tpu.memory_space<semaphore_mem>>, %arg15: memref<!tpu.dma_semaphore, #tpu.memory_space<semaphore_mem>>, %arg16: memref<!tpu.dma_semaphore, #tpu.memory_space<semaphore_mem>>) attributes {dimension_semantics = [#tpu.dimension_semantics<core_parallel>, #tpu.dimension_semantics<subcore_parallel>], iteration_bounds = array<i64: 2, 16>, scalar_prefetch = 0 : i64, scratch_operands = 12 : i64, tpu.core_type = #tpu.core_type<sc_vector_subcore>, window_params = [{transform_indices = #map}, {transform_indices = #map}, {transform_indices = #map1}]} {
    %mul3A = arith.constant 2 : i32
    %mul3A_0 = arith.muli %arg1, %mul3A : i32
    %add3A = arith.addi %mul3A_0, %arg0 : i32
    %iota3A = tpu.iota {dimensions = array<i32: 0>} : vector<16xi32>
    %add3A_1 = arith.constant 0 : i32
    %add3A_2 = vector.broadcast %add3A_1 : i32 to vector<16xi32>
    %add3A_3 = arith.addi %iota3A, %add3A_2 : vector<16xi32>
    %shift_right_logical3A = arith.constant 3 : i32
    %shift_right_logical3A_4 = vector.broadcast %shift_right_logical3A : i32 to vector<16xi32>
    %shift_right_logical3A_5 = arith.shrui %add3A_3, %shift_right_logical3A_4 : vector<16xi32>
    %add3A_6 = arith.constant 16 : i32
    %add3A_7 = vector.broadcast %add3A_6 : i32 to vector<16xi32>
    %add3A_8 = arith.addi %iota3A, %add3A_7 : vector<16xi32>
    %shift_right_logical3A_9 = arith.constant 3 : i32
    %shift_right_logical3A_10 = vector.broadcast %shift_right_logical3A_9 : i32 to vector<16xi32>
    %shift_right_logical3A_11 = arith.shrui %add3A_8, %shift_right_logical3A_10 : vector<16xi32>
    %add3A_12 = arith.constant 32 : i32
    %add3A_13 = vector.broadcast %add3A_12 : i32 to vector<16xi32>
    %add3A_14 = arith.addi %iota3A, %add3A_13 : vector<16xi32>
    %shift_right_logical3A_15 = arith.constant 3 : i32
    %shift_right_logical3A_16 = vector.broadcast %shift_right_logical3A_15 : i32 to vector<16xi32>
    %shift_right_logical3A_17 = arith.shrui %add3A_14, %shift_right_logical3A_16 : vector<16xi32>
    %add3A_18 = arith.constant 48 : i32
    %add3A_19 = vector.broadcast %add3A_18 : i32 to vector<16xi32>
    %add3A_20 = arith.addi %iota3A, %add3A_19 : vector<16xi32>
    %shift_right_logical3A_21 = arith.constant 3 : i32
    %shift_right_logical3A_22 = vector.broadcast %shift_right_logical3A_21 : i32 to vector<16xi32>
    %shift_right_logical3A_23 = arith.shrui %add3A_20, %shift_right_logical3A_22 : vector<16xi32>
    %add3A_24 = arith.constant 0 : i32
    %add3A_25 = vector.broadcast %add3A_24 : i32 to vector<16xi32>
    %add3A_26 = arith.addi %iota3A, %add3A_25 : vector<16xi32>
    %broadcast_in_dim3A = arith.constant 7 : i32
    %broadcast_in_dim3A_27 = vector.broadcast %broadcast_in_dim3A : i32 to vector<16xi32>
    %and3A = arith.andi %add3A_26, %broadcast_in_dim3A_27 : vector<16xi32>
    %add3A_28 = arith.constant 16 : i32
    %add3A_29 = vector.broadcast %add3A_28 : i32 to vector<16xi32>
    %add3A_30 = arith.addi %iota3A, %add3A_29 : vector<16xi32>
    %broadcast_in_dim3A_31 = arith.constant 7 : i32
    %broadcast_in_dim3A_32 = vector.broadcast %broadcast_in_dim3A_31 : i32 to vector<16xi32>
    %and3A_33 = arith.andi %add3A_30, %broadcast_in_dim3A_32 : vector<16xi32>
    %add3A_34 = arith.constant 32 : i32
    %add3A_35 = vector.broadcast %add3A_34 : i32 to vector<16xi32>
    %add3A_36 = arith.addi %iota3A, %add3A_35 : vector<16xi32>
    %broadcast_in_dim3A_37 = arith.constant 7 : i32
    %broadcast_in_dim3A_38 = vector.broadcast %broadcast_in_dim3A_37 : i32 to vector<16xi32>
    %and3A_39 = arith.andi %add3A_36, %broadcast_in_dim3A_38 : vector<16xi32>
    %add3A_40 = arith.constant 48 : i32
    %add3A_41 = vector.broadcast %add3A_40 : i32 to vector<16xi32>
    %add3A_42 = arith.addi %iota3A, %add3A_41 : vector<16xi32>
    %broadcast_in_dim3A_43 = arith.constant 7 : i32
    %broadcast_in_dim3A_44 = vector.broadcast %broadcast_in_dim3A_43 : i32 to vector<16xi32>
    %and3A_45 = arith.andi %add3A_42, %broadcast_in_dim3A_44 : vector<16xi32>
    %add3A_46 = arith.constant 0 : i32
    %add3A_47 = arith.addi %add3A_46, %add3A : i32
    %jit3A = arith.constant 64 : i32
    %div3A = arith.divsi %add3A_47, %jit3A : i32
    %sign3A = arith.constant 0 : i32
    %sign3A_48 = arith.cmpi sgt, %add3A_47, %sign3A : i32
    %sign3A_49 = arith.extui %sign3A_48 : i1 to i32
    %sign3A_50 = arith.constant 0 : i32
    %sign3A_51 = arith.cmpi slt, %add3A_47, %sign3A_50 : i32
    %sign3A_52 = arith.extui %sign3A_51 : i1 to i32
    %sign3A_53 = arith.subi %sign3A_49, %sign3A_52 : i32
    %sign3A_54 = arith.constant 0 : i32
    %sign3A_55 = arith.cmpi sgt, %jit3A, %sign3A_54 : i32
    %sign3A_56 = arith.extui %sign3A_55 : i1 to i32
    %sign3A_57 = arith.constant 0 : i32
    %sign3A_58 = arith.cmpi slt, %jit3A, %sign3A_57 : i32
    %sign3A_59 = arith.extui %sign3A_58 : i1 to i32
    %sign3A_60 = arith.subi %sign3A_56, %sign3A_59 : i32
    %ne3A = arith.cmpi ne, %sign3A_53, %sign3A_60 : i32
    %rem3A = arith.remsi %add3A_47, %jit3A : i32
    %ne3A_61 = arith.constant 0 : i32
    %ne3A_62 = arith.cmpi ne, %rem3A, %ne3A_61 : i32
    %and3A_63 = arith.andi %ne3A, %ne3A_62 : i1
    %sub3A = arith.constant 1 : i32
    %sub3A_64 = arith.subi %div3A, %sub3A : i32
    %select_n3A = arith.select %and3A_63, %sub3A_64, %div3A : i32
    %jit3A_65 = arith.constant 64 : i32
    %eq3A = arith.constant 0 : i32
    %eq3A_66 = arith.cmpi eq, %jit3A_65, %eq3A : i32
    %jit3A_67 = arith.constant 1 : i32
    %select_n3A_68 = arith.select %eq3A_66, %jit3A_67, %jit3A_65 : i32
    %rem3A_69 = arith.remsi %add3A_47, %select_n3A_68 : i32
    %ne3A_70 = arith.constant 0 : i32
    %ne3A_71 = arith.cmpi ne, %rem3A_69, %ne3A_70 : i32
    %lt3A = arith.constant 0 : i32
    %lt3A_72 = arith.cmpi slt, %rem3A_69, %lt3A : i32
    %lt3A_73 = arith.constant 0 : i32
    %lt3A_74 = arith.cmpi slt, %select_n3A_68, %lt3A_73 : i32
    %ne3A_75 = arith.xori %lt3A_72, %lt3A_74 : i1
    %and3A_76 = arith.andi %ne3A_75, %ne3A_71 : i1
    %add3A_77 = arith.addi %rem3A_69, %select_n3A_68 : i32
    %select_n3A_78 = arith.select %and3A_76, %add3A_77, %rem3A_69 : i32
    %mul3A_79 = arith.constant 2 : i32
    %mul3A_80 = arith.muli %select_n3A_78, %mul3A_79 : i32
    %mul3A_81 = arith.constant 128 : i32
    %mul3A_82 = arith.muli %mul3A_80, %mul3A_81 : i32
    %dma_start3A = arith.constant 0 : i32
    %dma_start3A_83 = arith.constant 0 : i32
    %dma_start3A_84 = tpu.memref_slice %arg5[%dma_start3A, %dma_start3A_83] : memref<3x256xi32, #tpu.memory_space<vmem>> -> memref<1x256xi32, #tpu.memory_space<vmem>>
    %dma_start3A_85 = tpu.memref_squeeze %dma_start3A_84 : memref<1x256xi32, #tpu.memory_space<vmem>> -> memref<256xi32, #tpu.memory_space<vmem>>
    %dma_start3A_86 = tpu.memref_slice %arg2[%select_n3A, %mul3A_82] : memref<50x16384xi32, #tpu.memory_space<hbm>> -> memref<1x256xi32, #tpu.memory_space<hbm>>
    %dma_start3A_87 = tpu.memref_squeeze %dma_start3A_86 : memref<1x256xi32, #tpu.memory_space<hbm>> -> memref<256xi32, #tpu.memory_space<hbm>>
    %dma_start3A_88 = arith.constant 0 : i32
    %dma_start3A_89 = tpu.memref_slice %arg5[%dma_start3A, %dma_start3A_88] : memref<3x256xi32, #tpu.memory_space<vmem>> -> memref<1x256xi32, #tpu.memory_space<vmem>>
    %dma_start3A_90 = tpu.memref_squeeze %dma_start3A_89 : memref<1x256xi32, #tpu.memory_space<vmem>> -> memref<256xi32, #tpu.memory_space<vmem>>
    %dma_start3A_91 = tpu.memref_slice %arg2[%select_n3A, %mul3A_82] : memref<50x16384xi32, #tpu.memory_space<hbm>> -> memref<1x256xi32, #tpu.memory_space<hbm>>
    %dma_start3A_92 = tpu.memref_squeeze %dma_start3A_91 : memref<1x256xi32, #tpu.memory_space<hbm>> -> memref<256xi32, #tpu.memory_space<hbm>>
    tpu.enqueue_dma source(%dma_start3A_92 : memref<256xi32, #tpu.memory_space<hbm>>) target(%dma_start3A_90 : memref<256xi32, #tpu.memory_space<vmem>>) target_semaphore(%arg8 : memref<!tpu.dma_semaphore, #tpu.memory_space<semaphore_mem>>)
    %add3A_93 = arith.constant 0 : i32
    %add3A_94 = arith.addi %add3A_93, %add3A : i32
    %jit3A_95 = arith.constant 64 : i32
    %div3A_96 = arith.divsi %add3A_94, %jit3A_95 : i32
    %sign3A_97 = arith.constant 0 : i32
    %sign3A_98 = arith.cmpi sgt, %add3A_94, %sign3A_97 : i32
    %sign3A_99 = arith.extui %sign3A_98 : i1 to i32
    %sign3A_100 = arith.constant 0 : i32
    %sign3A_101 = arith.cmpi slt, %add3A_94, %sign3A_100 : i32
    %sign3A_102 = arith.extui %sign3A_101 : i1 to i32
    %sign3A_103 = arith.subi %sign3A_99, %sign3A_102 : i32
    %sign3A_104 = arith.constant 0 : i32
    %sign3A_105 = arith.cmpi sgt, %jit3A_95, %sign3A_104 : i32
    %sign3A_106 = arith.extui %sign3A_105 : i1 to i32
    %sign3A_107 = arith.constant 0 : i32
    %sign3A_108 = arith.cmpi slt, %jit3A_95, %sign3A_107 : i32
    %sign3A_109 = arith.extui %sign3A_108 : i1 to i32
    %sign3A_110 = arith.subi %sign3A_106, %sign3A_109 : i32
    %ne3A_111 = arith.cmpi ne, %sign3A_103, %sign3A_110 : i32
    %rem3A_112 = arith.remsi %add3A_94, %jit3A_95 : i32
    %ne3A_113 = arith.constant 0 : i32
    %ne3A_114 = arith.cmpi ne, %rem3A_112, %ne3A_113 : i32
    %and3A_115 = arith.andi %ne3A_111, %ne3A_114 : i1
    %sub3A_116 = arith.constant 1 : i32
    %sub3A_117 = arith.subi %div3A_96, %sub3A_116 : i32
    %select_n3A_118 = arith.select %and3A_115, %sub3A_117, %div3A_96 : i32
    %jit3A_119 = arith.constant 64 : i32
    %eq3A_120 = arith.constant 0 : i32
    %eq3A_121 = arith.cmpi eq, %jit3A_119, %eq3A_120 : i32
    %jit3A_122 = arith.constant 1 : i32
    %select_n3A_123 = arith.select %eq3A_121, %jit3A_122, %jit3A_119 : i32
    %rem3A_124 = arith.remsi %add3A_94, %select_n3A_123 : i32
    %ne3A_125 = arith.constant 0 : i32
    %ne3A_126 = arith.cmpi ne, %rem3A_124, %ne3A_125 : i32
    %lt3A_127 = arith.constant 0 : i32
    %lt3A_128 = arith.cmpi slt, %rem3A_124, %lt3A_127 : i32
    %lt3A_129 = arith.constant 0 : i32
    %lt3A_130 = arith.cmpi slt, %select_n3A_123, %lt3A_129 : i32
    %ne3A_131 = arith.xori %lt3A_128, %lt3A_130 : i1
    %and3A_132 = arith.andi %ne3A_131, %ne3A_126 : i1
    %add3A_133 = arith.addi %rem3A_124, %select_n3A_123 : i32
    %select_n3A_134 = arith.select %and3A_132, %add3A_133, %rem3A_124 : i32
    %mul3A_135 = arith.constant 2 : i32
    %mul3A_136 = arith.muli %select_n3A_134, %mul3A_135 : i32
    %mul3A_137 = arith.constant 128 : i32
    %mul3A_138 = arith.muli %mul3A_136, %mul3A_137 : i32
    %dma_wait3A = arith.constant 0 : i32
    %dma_wait3A_139 = arith.constant 0 : i32
    %dma_wait3A_140 = tpu.memref_slice %arg5[%dma_wait3A, %dma_wait3A_139] : memref<3x256xi32, #tpu.memory_space<vmem>> -> memref<1x256xi32, #tpu.memory_space<vmem>>
    %dma_wait3A_141 = tpu.memref_squeeze %dma_wait3A_140 : memref<1x256xi32, #tpu.memory_space<vmem>> -> memref<256xi32, #tpu.memory_space<vmem>>
    %dma_wait3A_142 = tpu.memref_slice %arg2[%select_n3A_118, %mul3A_138] : memref<50x16384xi32, #tpu.memory_space<hbm>> -> memref<1x256xi32, #tpu.memory_space<hbm>>
    %dma_wait3A_143 = tpu.memref_squeeze %dma_wait3A_142 : memref<1x256xi32, #tpu.memory_space<hbm>> -> memref<256xi32, #tpu.memory_space<hbm>>
    %dma_wait3A_144 = arith.constant 0 : i32
    %dma_wait3A_145 = tpu.memref_slice %arg5[%dma_wait3A, %dma_wait3A_144] : memref<3x256xi32, #tpu.memory_space<vmem>> -> memref<1x256xi32, #tpu.memory_space<vmem>>
    %dma_wait3A_146 = tpu.memref_squeeze %dma_wait3A_145 : memref<1x256xi32, #tpu.memory_space<vmem>> -> memref<256xi32, #tpu.memory_space<vmem>>
    %dma_wait3A_147 = tpu.memref_slice %arg2[%select_n3A_118, %mul3A_138] : memref<50x16384xi32, #tpu.memory_space<hbm>> -> memref<1x256xi32, #tpu.memory_space<hbm>>
    %dma_wait3A_148 = tpu.memref_squeeze %dma_wait3A_147 : memref<1x256xi32, #tpu.memory_space<hbm>> -> memref<256xi32, #tpu.memory_space<hbm>>
    tpu.wait_dma2 semaphore(%arg8 : memref<!tpu.dma_semaphore, #tpu.memory_space<semaphore_mem>>) src(%dma_wait3A_148 : memref<256xi32, #tpu.memory_space<hbm>>) dst(%dma_wait3A_146 : memref<256xi32, #tpu.memory_space<vmem>>)
    %dma_start3A_149 = arith.constant 0 : i32
    %dma_start3A_150 = arith.constant 0 : i32
    %dma_start3A_151 = arith.constant 0 : i32
    %dma_start3A_152 = arith.constant 0 : i32
    %dma_start3A_153 = tpu.memref_slice %arg6[%dma_start3A_150, %dma_start3A_151, %dma_start3A_152] : memref<3x256x64xf32, #tpu.memory_space<vmem>> -> memref<1x256x64xf32, #tpu.memory_space<vmem>>
    %dma_start3A_154 = tpu.memref_squeeze %dma_start3A_153 : memref<1x256x64xf32, #tpu.memory_space<vmem>> -> memref<256x64xf32, #tpu.memory_space<vmem>>
    %dma_start3A_155 = arith.constant 0 : i32
    %dma_start3A_156 = tpu.memref_slice %arg5[%dma_start3A_149, %dma_start3A_155] : memref<3x256xi32, #tpu.memory_space<vmem>> -> memref<1x256xi32, #tpu.memory_space<vmem>>
    %dma_start3A_157 = tpu.memref_squeeze %dma_start3A_156 : memref<1x256xi32, #tpu.memory_space<vmem>> -> memref<256xi32, #tpu.memory_space<vmem>>
    %dma_start3A_158 = arith.constant 0 : i32
    %dma_start3A_159 = arith.constant 0 : i32
    %dma_start3A_160 = tpu.memref_slice %arg3[%dma_start3A_158, %dma_start3A_159] : memref<1000000x64xf32, #tpu.memory_space<hbm>> -> memref<1000000x64xf32, #tpu.memory_space<hbm>>
    tpu.enqueue_indirect_dma source(%dma_start3A_160 : memref<1000000x64xf32, #tpu.memory_space<hbm>>) target(%dma_start3A_154 : memref<256x64xf32, #tpu.memory_space<vmem>>) offsets(%dma_start3A_157 : memref<256xi32, #tpu.memory_space<vmem>>) semaphore(%arg11 : memref<!tpu.dma_semaphore, #tpu.memory_space<semaphore_mem>>)
    %add3A_161 = arith.constant 32 : i32
    %add3A_162 = arith.addi %add3A_161, %add3A : i32
    %jit3A_163 = arith.constant 64 : i32
    %div3A_164 = arith.divsi %add3A_162, %jit3A_163 : i32
    %sign3A_165 = arith.constant 0 : i32
    %sign3A_166 = arith.cmpi sgt, %add3A_162, %sign3A_165 : i32
    %sign3A_167 = arith.extui %sign3A_166 : i1 to i32
    %sign3A_168 = arith.constant 0 : i32
    %sign3A_169 = arith.cmpi slt, %add3A_162, %sign3A_168 : i32
    %sign3A_170 = arith.extui %sign3A_169 : i1 to i32
    %sign3A_171 = arith.subi %sign3A_167, %sign3A_170 : i32
    %sign3A_172 = arith.constant 0 : i32
    %sign3A_173 = arith.cmpi sgt, %jit3A_163, %sign3A_172 : i32
    %sign3A_174 = arith.extui %sign3A_173 : i1 to i32
    %sign3A_175 = arith.constant 0 : i32
    %sign3A_176 = arith.cmpi slt, %jit3A_163, %sign3A_175 : i32
    %sign3A_177 = arith.extui %sign3A_176 : i1 to i32
    %sign3A_178 = arith.subi %sign3A_174, %sign3A_177 : i32
    %ne3A_179 = arith.cmpi ne, %sign3A_171, %sign3A_178 : i32
    %rem3A_180 = arith.remsi %add3A_162, %jit3A_163 : i32
    %ne3A_181 = arith.constant 0 : i32
    %ne3A_182 = arith.cmpi ne, %rem3A_180, %ne3A_181 : i32
    %and3A_183 = arith.andi %ne3A_179, %ne3A_182 : i1
    %sub3A_184 = arith.constant 1 : i32
    %sub3A_185 = arith.subi %div3A_164, %sub3A_184 : i32
    %select_n3A_186 = arith.select %and3A_183, %sub3A_185, %div3A_164 : i32
    %jit3A_187 = arith.constant 64 : i32
    %eq3A_188 = arith.constant 0 : i32
    %eq3A_189 = arith.cmpi eq, %jit3A_187, %eq3A_188 : i32
    %jit3A_190 = arith.constant 1 : i32
    %select_n3A_191 = arith.select %eq3A_189, %jit3A_190, %jit3A_187 : i32
    %rem3A_192 = arith.remsi %add3A_162, %select_n3A_191 : i32
    %ne3A_193 = arith.constant 0 : i32
    %ne3A_194 = arith.cmpi ne, %rem3A_192, %ne3A_193 : i32
    %lt3A_195 = arith.constant 0 : i32
    %lt3A_196 = arith.cmpi slt, %rem3A_192, %lt3A_195 : i32
    %lt3A_197 = arith.constant 0 : i32
    %lt3A_198 = arith.cmpi slt, %select_n3A_191, %lt3A_197 : i32
    %ne3A_199 = arith.xori %lt3A_196, %lt3A_198 : i1
    %and3A_200 = arith.andi %ne3A_199, %ne3A_194 : i1
    %add3A_201 = arith.addi %rem3A_192, %select_n3A_191 : i32
    %select_n3A_202 = arith.select %and3A_200, %add3A_201, %rem3A_192 : i32
    %mul3A_203 = arith.constant 2 : i32
    %mul3A_204 = arith.muli %select_n3A_202, %mul3A_203 : i32
    %mul3A_205 = arith.constant 128 : i32
    %mul3A_206 = arith.muli %mul3A_204, %mul3A_205 : i32
    %dma_start3A_207 = arith.constant 1 : i32
    %dma_start3A_208 = arith.constant 0 : i32
    %dma_start3A_209 = tpu.memref_slice %arg5[%dma_start3A_207, %dma_start3A_208] : memref<3x256xi32, #tpu.memory_space<vmem>> -> memref<1x256xi32, #tpu.memory_space<vmem>>
    %dma_start3A_210 = tpu.memref_squeeze %dma_start3A_209 : memref<1x256xi32, #tpu.memory_space<vmem>> -> memref<256xi32, #tpu.memory_space<vmem>>
    %dma_start3A_211 = tpu.memref_slice %arg2[%select_n3A_186, %mul3A_206] : memref<50x16384xi32, #tpu.memory_space<hbm>> -> memref<1x256xi32, #tpu.memory_space<hbm>>
    %dma_start3A_212 = tpu.memref_squeeze %dma_start3A_211 : memref<1x256xi32, #tpu.memory_space<hbm>> -> memref<256xi32, #tpu.memory_space<hbm>>
    %dma_start3A_213 = arith.constant 0 : i32
    %dma_start3A_214 = tpu.memref_slice %arg5[%dma_start3A_207, %dma_start3A_213] : memref<3x256xi32, #tpu.memory_space<vmem>> -> memref<1x256xi32, #tpu.memory_space<vmem>>
    %dma_start3A_215 = tpu.memref_squeeze %dma_start3A_214 : memref<1x256xi32, #tpu.memory_space<vmem>> -> memref<256xi32, #tpu.memory_space<vmem>>
    %dma_start3A_216 = tpu.memref_slice %arg2[%select_n3A_186, %mul3A_206] : memref<50x16384xi32, #tpu.memory_space<hbm>> -> memref<1x256xi32, #tpu.memory_space<hbm>>
    %dma_start3A_217 = tpu.memref_squeeze %dma_start3A_216 : memref<1x256xi32, #tpu.memory_space<hbm>> -> memref<256xi32, #tpu.memory_space<hbm>>
    tpu.enqueue_dma source(%dma_start3A_217 : memref<256xi32, #tpu.memory_space<hbm>>) target(%dma_start3A_215 : memref<256xi32, #tpu.memory_space<vmem>>) target_semaphore(%arg9 : memref<!tpu.dma_semaphore, #tpu.memory_space<semaphore_mem>>)
    %scan3A = arith.constant 0 : i32
    %scan3A_218 = arith.constant 0 : i32
    %scan3A_219 = arith.constant 100 : i32
    %scan3A_220 = arith.addi %scan3A_218, %scan3A_219 : i32
    %scan3A_221 = arith.constant 1 : i32
    scf.for %scan3A_631 = %scan3A_218 to %scan3A_220 step %scan3A_221  : i32 {
      %rem3A_632 = arith.constant 3 : i32
      %rem3A_633 = arith.remsi %scan3A_631, %rem3A_632 : i32
      %eq3A_634 = arith.constant 0 : i32
      %eq3A_635 = arith.cmpi eq, %rem3A_633, %eq3A_634 : i32
      %convert_element_type3A = arith.extui %eq3A_635 : i1 to i32
      %cond3A = arith.constant 0 : i32
      %cond3A_636 = arith.cmpi ne, %convert_element_type3A, %cond3A : i32
      scf.if %cond3A_636 {
        %add3A_647 = arith.constant 2 : i32
        %add3A_648 = arith.addi %scan3A_631, %add3A_647 : i32
        %lt3A_649 = arith.constant 100 : i32
        %lt3A_650 = arith.cmpi slt, %add3A_648, %lt3A_649 : i32
        %convert_element_type3A_651 = arith.extui %lt3A_650 : i1 to i32
        %cond3A_652 = arith.constant 0 : i32
        %cond3A_653 = arith.cmpi ne, %convert_element_type3A_651, %cond3A_652 : i32
        scf.if %cond3A_653 {
          %add3A_817 = arith.constant 2 : i32
          %add3A_818 = arith.addi %scan3A_631, %add3A_817 : i32
          %mul3A_819 = arith.constant 32 : i32
          %mul3A_820 = arith.muli %add3A_818, %mul3A_819 : i32
          %add3A_821 = arith.addi %mul3A_820, %add3A : i32
          %jit3A_822 = arith.constant 64 : i32
          %div3A_823 = arith.divsi %add3A_821, %jit3A_822 : i32
          %sign3A_824 = arith.constant 0 : i32
          %sign3A_825 = arith.cmpi sgt, %add3A_821, %sign3A_824 : i32
          %sign3A_826 = arith.extui %sign3A_825 : i1 to i32
          %sign3A_827 = arith.constant 0 : i32
          %sign3A_828 = arith.cmpi slt, %add3A_821, %sign3A_827 : i32
          %sign3A_829 = arith.extui %sign3A_828 : i1 to i32
          %sign3A_830 = arith.subi %sign3A_826, %sign3A_829 : i32
          %sign3A_831 = arith.constant 0 : i32
          %sign3A_832 = arith.cmpi sgt, %jit3A_822, %sign3A_831 : i32
          %sign3A_833 = arith.extui %sign3A_832 : i1 to i32
          %sign3A_834 = arith.constant 0 : i32
          %sign3A_835 = arith.cmpi slt, %jit3A_822, %sign3A_834 : i32
          %sign3A_836 = arith.extui %sign3A_835 : i1 to i32
          %sign3A_837 = arith.subi %sign3A_833, %sign3A_836 : i32
          %ne3A_838 = arith.cmpi ne, %sign3A_830, %sign3A_837 : i32
          %rem3A_839 = arith.remsi %add3A_821, %jit3A_822 : i32
          %ne3A_840 = arith.constant 0 : i32
          %ne3A_841 = arith.cmpi ne, %rem3A_839, %ne3A_840 : i32
          %and3A_842 = arith.andi %ne3A_838, %ne3A_841 : i1
          %sub3A_843 = arith.constant 1 : i32
          %sub3A_844 = arith.subi %div3A_823, %sub3A_843 : i32
          %select_n3A_845 = arith.select %and3A_842, %sub3A_844, %div3A_823 : i32
          %jit3A_846 = arith.constant 64 : i32
          %eq3A_847 = arith.constant 0 : i32
          %eq3A_848 = arith.cmpi eq, %jit3A_846, %eq3A_847 : i32
          %jit3A_849 = arith.constant 1 : i32
          %select_n3A_850 = arith.select %eq3A_848, %jit3A_849, %jit3A_846 : i32
          %rem3A_851 = arith.remsi %add3A_821, %select_n3A_850 : i32
          %ne3A_852 = arith.constant 0 : i32
          %ne3A_853 = arith.cmpi ne, %rem3A_851, %ne3A_852 : i32
          %lt3A_854 = arith.constant 0 : i32
          %lt3A_855 = arith.cmpi slt, %rem3A_851, %lt3A_854 : i32
          %lt3A_856 = arith.constant 0 : i32
          %lt3A_857 = arith.cmpi slt, %select_n3A_850, %lt3A_856 : i32
          %ne3A_858 = arith.xori %lt3A_855, %lt3A_857 : i1
          %and3A_859 = arith.andi %ne3A_858, %ne3A_853 : i1
          %add3A_860 = arith.addi %rem3A_851, %select_n3A_850 : i32
          %select_n3A_861 = arith.select %and3A_859, %add3A_860, %rem3A_851 : i32
          %mul3A_862 = arith.constant 2 : i32
          %mul3A_863 = arith.muli %select_n3A_861, %mul3A_862 : i32
          %mul3A_864 = arith.constant 128 : i32
          %mul3A_865 = arith.muli %mul3A_863, %mul3A_864 : i32
          %dma_start3A_866 = arith.constant 2 : i32
          %dma_start3A_867 = arith.constant 0 : i32
          %dma_start3A_868 = tpu.memref_slice %arg5[%dma_start3A_866, %dma_start3A_867] : memref<3x256xi32, #tpu.memory_space<vmem>> -> memref<1x256xi32, #tpu.memory_space<vmem>>
          %dma_start3A_869 = tpu.memref_squeeze %dma_start3A_868 : memref<1x256xi32, #tpu.memory_space<vmem>> -> memref<256xi32, #tpu.memory_space<vmem>>
          %dma_start3A_870 = tpu.memref_slice %arg2[%select_n3A_845, %mul3A_865] : memref<50x16384xi32, #tpu.memory_space<hbm>> -> memref<1x256xi32, #tpu.memory_space<hbm>>
          %dma_start3A_871 = tpu.memref_squeeze %dma_start3A_870 : memref<1x256xi32, #tpu.memory_space<hbm>> -> memref<256xi32, #tpu.memory_space<hbm>>
          %dma_start3A_872 = arith.constant 0 : i32
          %dma_start3A_873 = tpu.memref_slice %arg5[%dma_start3A_866, %dma_start3A_872] : memref<3x256xi32, #tpu.memory_space<vmem>> -> memref<1x256xi32, #tpu.memory_space<vmem>>
          %dma_start3A_874 = tpu.memref_squeeze %dma_start3A_873 : memref<1x256xi32, #tpu.memory_space<vmem>> -> memref<256xi32, #tpu.memory_space<vmem>>
          %dma_start3A_875 = tpu.memref_slice %arg2[%select_n3A_845, %mul3A_865] : memref<50x16384xi32, #tpu.memory_space<hbm>> -> memref<1x256xi32, #tpu.memory_space<hbm>>
          %dma_start3A_876 = tpu.memref_squeeze %dma_start3A_875 : memref<1x256xi32, #tpu.memory_space<hbm>> -> memref<256xi32, #tpu.memory_space<hbm>>
          tpu.enqueue_dma source(%dma_start3A_876 : memref<256xi32, #tpu.memory_space<hbm>>) target(%dma_start3A_874 : memref<256xi32, #tpu.memory_space<vmem>>) target_semaphore(%arg10 : memref<!tpu.dma_semaphore, #tpu.memory_space<semaphore_mem>>)
        } else {
        }
        %add3A_654 = arith.constant 1 : i32
        %add3A_655 = arith.addi %scan3A_631, %add3A_654 : i32
        %lt3A_656 = arith.constant 100 : i32
        %lt3A_657 = arith.cmpi slt, %add3A_655, %lt3A_656 : i32
        %convert_element_type3A_658 = arith.extui %lt3A_657 : i1 to i32
        %cond3A_659 = arith.constant 0 : i32
        %cond3A_660 = arith.cmpi ne, %convert_element_type3A_658, %cond3A_659 : i32
        scf.if %cond3A_660 {
          %add3A_817 = arith.constant 1 : i32
          %add3A_818 = arith.addi %scan3A_631, %add3A_817 : i32
          %mul3A_819 = arith.constant 32 : i32
          %mul3A_820 = arith.muli %add3A_818, %mul3A_819 : i32
          %add3A_821 = arith.addi %mul3A_820, %add3A : i32
          %jit3A_822 = arith.constant 64 : i32
          %div3A_823 = arith.divsi %add3A_821, %jit3A_822 : i32
          %sign3A_824 = arith.constant 0 : i32
          %sign3A_825 = arith.cmpi sgt, %add3A_821, %sign3A_824 : i32
          %sign3A_826 = arith.extui %sign3A_825 : i1 to i32
          %sign3A_827 = arith.constant 0 : i32
          %sign3A_828 = arith.cmpi slt, %add3A_821, %sign3A_827 : i32
          %sign3A_829 = arith.extui %sign3A_828 : i1 to i32
          %sign3A_830 = arith.subi %sign3A_826, %sign3A_829 : i32
          %sign3A_831 = arith.constant 0 : i32
          %sign3A_832 = arith.cmpi sgt, %jit3A_822, %sign3A_831 : i32
          %sign3A_833 = arith.extui %sign3A_832 : i1 to i32
          %sign3A_834 = arith.constant 0 : i32
          %sign3A_835 = arith.cmpi slt, %jit3A_822, %sign3A_834 : i32
          %sign3A_836 = arith.extui %sign3A_835 : i1 to i32
          %sign3A_837 = arith.subi %sign3A_833, %sign3A_836 : i32
          %ne3A_838 = arith.cmpi ne, %sign3A_830, %sign3A_837 : i32
          %rem3A_839 = arith.remsi %add3A_821, %jit3A_822 : i32
          %ne3A_840 = arith.constant 0 : i32
          %ne3A_841 = arith.cmpi ne, %rem3A_839, %ne3A_840 : i32
          %and3A_842 = arith.andi %ne3A_838, %ne3A_841 : i1
          %sub3A_843 = arith.constant 1 : i32
          %sub3A_844 = arith.subi %div3A_823, %sub3A_843 : i32
          %select_n3A_845 = arith.select %and3A_842, %sub3A_844, %div3A_823 : i32
          %jit3A_846 = arith.constant 64 : i32
          %eq3A_847 = arith.constant 0 : i32
          %eq3A_848 = arith.cmpi eq, %jit3A_846, %eq3A_847 : i32
          %jit3A_849 = arith.constant 1 : i32
          %select_n3A_850 = arith.select %eq3A_848, %jit3A_849, %jit3A_846 : i32
          %rem3A_851 = arith.remsi %add3A_821, %select_n3A_850 : i32
          %ne3A_852 = arith.constant 0 : i32
          %ne3A_853 = arith.cmpi ne, %rem3A_851, %ne3A_852 : i32
          %lt3A_854 = arith.constant 0 : i32
          %lt3A_855 = arith.cmpi slt, %rem3A_851, %lt3A_854 : i32
          %lt3A_856 = arith.constant 0 : i32
          %lt3A_857 = arith.cmpi slt, %select_n3A_850, %lt3A_856 : i32
          %ne3A_858 = arith.xori %lt3A_855, %lt3A_857 : i1
          %and3A_859 = arith.andi %ne3A_858, %ne3A_853 : i1
          %add3A_860 = arith.addi %rem3A_851, %select_n3A_850 : i32
          %select_n3A_861 = arith.select %and3A_859, %add3A_860, %rem3A_851 : i32
          %mul3A_862 = arith.constant 2 : i32
          %mul3A_863 = arith.muli %select_n3A_861, %mul3A_862 : i32
          %mul3A_864 = arith.constant 128 : i32
          %mul3A_865 = arith.muli %mul3A_863, %mul3A_864 : i32
          %dma_wait3A_866 = arith.constant 1 : i32
          %dma_wait3A_867 = arith.constant 0 : i32
          %dma_wait3A_868 = tpu.memref_slice %arg5[%dma_wait3A_866, %dma_wait3A_867] : memref<3x256xi32, #tpu.memory_space<vmem>> -> memref<1x256xi32, #tpu.memory_space<vmem>>
          %dma_wait3A_869 = tpu.memref_squeeze %dma_wait3A_868 : memref<1x256xi32, #tpu.memory_space<vmem>> -> memref<256xi32, #tpu.memory_space<vmem>>
          %dma_wait3A_870 = tpu.memref_slice %arg2[%select_n3A_845, %mul3A_865] : memref<50x16384xi32, #tpu.memory_space<hbm>> -> memref<1x256xi32, #tpu.memory_space<hbm>>
          %dma_wait3A_871 = tpu.memref_squeeze %dma_wait3A_870 : memref<1x256xi32, #tpu.memory_space<hbm>> -> memref<256xi32, #tpu.memory_space<hbm>>
          %dma_wait3A_872 = arith.constant 0 : i32
          %dma_wait3A_873 = tpu.memref_slice %arg5[%dma_wait3A_866, %dma_wait3A_872] : memref<3x256xi32, #tpu.memory_space<vmem>> -> memref<1x256xi32, #tpu.memory_space<vmem>>
          %dma_wait3A_874 = tpu.memref_squeeze %dma_wait3A_873 : memref<1x256xi32, #tpu.memory_space<vmem>> -> memref<256xi32, #tpu.memory_space<vmem>>
          %dma_wait3A_875 = tpu.memref_slice %arg2[%select_n3A_845, %mul3A_865] : memref<50x16384xi32, #tpu.memory_space<hbm>> -> memref<1x256xi32, #tpu.memory_space<hbm>>
          %dma_wait3A_876 = tpu.memref_squeeze %dma_wait3A_875 : memref<1x256xi32, #tpu.memory_space<hbm>> -> memref<256xi32, #tpu.memory_space<hbm>>
          tpu.wait_dma2 semaphore(%arg9 : memref<!tpu.dma_semaphore, #tpu.memory_space<semaphore_mem>>) src(%dma_wait3A_876 : memref<256xi32, #tpu.memory_space<hbm>>) dst(%dma_wait3A_874 : memref<256xi32, #tpu.memory_space<vmem>>)
          %add3A_877 = arith.constant 1 : i32
          %add3A_878 = arith.addi %scan3A_631, %add3A_877 : i32
          %dma_start3A_879 = arith.constant 1 : i32
          %dma_start3A_880 = arith.constant 1 : i32
          %dma_start3A_881 = arith.constant 0 : i32
          %dma_start3A_882 = arith.constant 0 : i32
          %dma_start3A_883 = tpu.memref_slice %arg6[%dma_start3A_880, %dma_start3A_881, %dma_start3A_882] : memref<3x256x64xf32, #tpu.memory_space<vmem>> -> memref<1x256x64xf32, #tpu.memory_space<vmem>>
          %dma_start3A_884 = tpu.memref_squeeze %dma_start3A_883 : memref<1x256x64xf32, #tpu.memory_space<vmem>> -> memref<256x64xf32, #tpu.memory_space<vmem>>
          %dma_start3A_885 = arith.constant 0 : i32
          %dma_start3A_886 = tpu.memref_slice %arg5[%dma_start3A_879, %dma_start3A_885] : memref<3x256xi32, #tpu.memory_space<vmem>> -> memref<1x256xi32, #tpu.memory_space<vmem>>
          %dma_start3A_887 = tpu.memref_squeeze %dma_start3A_886 : memref<1x256xi32, #tpu.memory_space<vmem>> -> memref<256xi32, #tpu.memory_space<vmem>>
          %dma_start3A_888 = arith.constant 0 : i32
          %dma_start3A_889 = arith.constant 0 : i32
          %dma_start3A_890 = tpu.memref_slice %arg3[%dma_start3A_888, %dma_start3A_889] : memref<1000000x64xf32, #tpu.memory_space<hbm>> -> memref<1000000x64xf32, #tpu.memory_space<hbm>>
          tpu.enqueue_indirect_dma source(%dma_start3A_890 : memref<1000000x64xf32, #tpu.memory_space<hbm>>) target(%dma_start3A_884 : memref<256x64xf32, #tpu.memory_space<vmem>>) offsets(%dma_start3A_887 : memref<256xi32, #tpu.memory_space<vmem>>) semaphore(%arg12 : memref<!tpu.dma_semaphore, #tpu.memory_space<semaphore_mem>>)
        } else {
        }
        %ge3A = arith.constant 3 : i32
        %ge3A_661 = arith.cmpi sge, %scan3A_631, %ge3A : i32
        %convert_element_type3A_662 = arith.extui %ge3A_661 : i1 to i32
        %cond3A_663 = arith.constant 0 : i32
        %cond3A_664 = arith.cmpi ne, %convert_element_type3A_662, %cond3A_663 : i32
        scf.if %cond3A_664 {
          %sub3A_817 = arith.constant 3 : i32
          %sub3A_818 = arith.subi %scan3A_631, %sub3A_817 : i32
          %mul3A_819 = arith.constant 32 : i32
          %mul3A_820 = arith.muli %sub3A_818, %mul3A_819 : i32
          %add3A_821 = arith.addi %mul3A_820, %add3A : i32
          %jit3A_822 = arith.constant 64 : i32
          %div3A_823 = arith.divsi %add3A_821, %jit3A_822 : i32
          %sign3A_824 = arith.constant 0 : i32
          %sign3A_825 = arith.cmpi sgt, %add3A_821, %sign3A_824 : i32
          %sign3A_826 = arith.extui %sign3A_825 : i1 to i32
          %sign3A_827 = arith.constant 0 : i32
          %sign3A_828 = arith.cmpi slt, %add3A_821, %sign3A_827 : i32
          %sign3A_829 = arith.extui %sign3A_828 : i1 to i32
          %sign3A_830 = arith.subi %sign3A_826, %sign3A_829 : i32
          %sign3A_831 = arith.constant 0 : i32
          %sign3A_832 = arith.cmpi sgt, %jit3A_822, %sign3A_831 : i32
          %sign3A_833 = arith.extui %sign3A_832 : i1 to i32
          %sign3A_834 = arith.constant 0 : i32
          %sign3A_835 = arith.cmpi slt, %jit3A_822, %sign3A_834 : i32
          %sign3A_836 = arith.extui %sign3A_835 : i1 to i32
          %sign3A_837 = arith.subi %sign3A_833, %sign3A_836 : i32
          %ne3A_838 = arith.cmpi ne, %sign3A_830, %sign3A_837 : i32
          %rem3A_839 = arith.remsi %add3A_821, %jit3A_822 : i32
          %ne3A_840 = arith.constant 0 : i32
          %ne3A_841 = arith.cmpi ne, %rem3A_839, %ne3A_840 : i32
          %and3A_842 = arith.andi %ne3A_838, %ne3A_841 : i1
          %sub3A_843 = arith.constant 1 : i32
          %sub3A_844 = arith.subi %div3A_823, %sub3A_843 : i32
          %select_n3A_845 = arith.select %and3A_842, %sub3A_844, %div3A_823 : i32
          %jit3A_846 = arith.constant 64 : i32
          %eq3A_847 = arith.constant 0 : i32
          %eq3A_848 = arith.cmpi eq, %jit3A_846, %eq3A_847 : i32
          %jit3A_849 = arith.constant 1 : i32
          %select_n3A_850 = arith.select %eq3A_848, %jit3A_849, %jit3A_846 : i32
          %rem3A_851 = arith.remsi %add3A_821, %select_n3A_850 : i32
          %ne3A_852 = arith.constant 0 : i32
          %ne3A_853 = arith.cmpi ne, %rem3A_851, %ne3A_852 : i32
          %lt3A_854 = arith.constant 0 : i32
          %lt3A_855 = arith.cmpi slt, %rem3A_851, %lt3A_854 : i32
          %lt3A_856 = arith.constant 0 : i32
          %lt3A_857 = arith.cmpi slt, %select_n3A_850, %lt3A_856 : i32
          %ne3A_858 = arith.xori %lt3A_855, %lt3A_857 : i1
          %and3A_859 = arith.andi %ne3A_858, %ne3A_853 : i1
          %add3A_860 = arith.addi %rem3A_851, %select_n3A_850 : i32
          %select_n3A_861 = arith.select %and3A_859, %add3A_860, %rem3A_851 : i32
          %mul3A_862 = arith.constant 2 : i32
          %mul3A_863 = arith.muli %select_n3A_861, %mul3A_862 : i32
          %add3A_864 = arith.constant 0 : i32
          %add3A_865 = arith.addi %mul3A_863, %add3A_864 : i32
          %dma_wait3A_866 = arith.constant 0 : i32
          %dma_wait3A_867 = arith.constant 0 : i32
          %dma_wait3A_868 = arith.constant 0 : i32
          %dma_wait3A_869 = arith.constant 0 : i32
          %dma_wait3A_870 = arith.constant 0 : i32
          %dma_wait3A_871 = tpu.memref_slice %arg7[%dma_wait3A_866, %dma_wait3A_867, %dma_wait3A_868, %dma_wait3A_869, %dma_wait3A_870] : memref<3x2x8x8x129xf32, #tpu.memory_space<vmem>> -> memref<1x1x8x8x128xf32, #tpu.memory_space<vmem>>
          %dma_wait3A_872 = tpu.memref_squeeze %dma_wait3A_871 : memref<1x1x8x8x128xf32, #tpu.memory_space<vmem>> -> memref<8x8x128xf32, #tpu.memory_space<vmem>>
          %dma_wait3A_873 = arith.constant 0 : i32
          %dma_wait3A_874 = arith.constant 0 : i32
          %dma_wait3A_875 = arith.constant 0 : i32
          %dma_wait3A_876 = tpu.memref_slice %arg4[%select_n3A_845, %dma_wait3A_873, %add3A_865, %dma_wait3A_874, %dma_wait3A_875] : memref<50x8x128x8x128xf32, #tpu.memory_space<hbm>> -> memref<1x8x1x8x128xf32, #tpu.memory_space<hbm>>
          %dma_wait3A_877 = tpu.memref_squeeze %dma_wait3A_876 : memref<1x8x1x8x128xf32, #tpu.memory_space<hbm>> -> memref<8x8x128xf32, #tpu.memory_space<hbm>>
          %dma_wait3A_878 = arith.constant 0 : i32
          %dma_wait3A_879 = arith.constant 0 : i32
          %dma_wait3A_880 = arith.constant 0 : i32
          %dma_wait3A_881 = tpu.memref_slice %arg4[%select_n3A_845, %dma_wait3A_878, %add3A_865, %dma_wait3A_879, %dma_wait3A_880] : memref<50x8x128x8x128xf32, #tpu.memory_space<hbm>> -> memref<1x8x1x8x128xf32, #tpu.memory_space<hbm>>
          %dma_wait3A_882 = tpu.memref_squeeze %dma_wait3A_881 : memref<1x8x1x8x128xf32, #tpu.memory_space<hbm>> -> memref<8x8x128xf32, #tpu.memory_space<hbm>>
          %dma_wait3A_883 = arith.constant 0 : i32
          %dma_wait3A_884 = arith.constant 0 : i32
          %dma_wait3A_885 = arith.constant 0 : i32
          %dma_wait3A_886 = tpu.memref_slice %arg7[%dma_wait3A_866, %dma_wait3A_867, %dma_wait3A_883, %dma_wait3A_884, %dma_wait3A_885] : memref<3x2x8x8x129xf32, #tpu.memory_space<vmem>> -> memref<1x1x8x8x128xf32, #tpu.memory_space<vmem>>
          %dma_wait3A_887 = tpu.memref_squeeze %dma_wait3A_886 : memref<1x1x8x8x128xf32, #tpu.memory_space<vmem>> -> memref<8x8x128xf32, #tpu.memory_space<vmem>>
          tpu.wait_dma2 semaphore(%arg14 : memref<!tpu.dma_semaphore, #tpu.memory_space<semaphore_mem>>) src(%dma_wait3A_887 : memref<8x8x128xf32, #tpu.memory_space<vmem>>) dst(%dma_wait3A_882 : memref<8x8x128xf32, #tpu.memory_space<hbm>>)
          %sub3A_888 = arith.constant 3 : i32
          %sub3A_889 = arith.subi %scan3A_631, %sub3A_888 : i32
          %mul3A_890 = arith.constant 32 : i32
          %mul3A_891 = arith.muli %sub3A_889, %mul3A_890 : i32
          %add3A_892 = arith.addi %mul3A_891, %add3A : i32
          %jit3A_893 = arith.constant 64 : i32
          %div3A_894 = arith.divsi %add3A_892, %jit3A_893 : i32
          %sign3A_895 = arith.constant 0 : i32
          %sign3A_896 = arith.cmpi sgt, %add3A_892, %sign3A_895 : i32
          %sign3A_897 = arith.extui %sign3A_896 : i1 to i32
          %sign3A_898 = arith.constant 0 : i32
          %sign3A_899 = arith.cmpi slt, %add3A_892, %sign3A_898 : i32
          %sign3A_900 = arith.extui %sign3A_899 : i1 to i32
          %sign3A_901 = arith.subi %sign3A_897, %sign3A_900 : i32
          %sign3A_902 = arith.constant 0 : i32
          %sign3A_903 = arith.cmpi sgt, %jit3A_893, %sign3A_902 : i32
          %sign3A_904 = arith.extui %sign3A_903 : i1 to i32
          %sign3A_905 = arith.constant 0 : i32
          %sign3A_906 = arith.cmpi slt, %jit3A_893, %sign3A_905 : i32
          %sign3A_907 = arith.extui %sign3A_906 : i1 to i32
          %sign3A_908 = arith.subi %sign3A_904, %sign3A_907 : i32
          %ne3A_909 = arith.cmpi ne, %sign3A_901, %sign3A_908 : i32
          %rem3A_910 = arith.remsi %add3A_892, %jit3A_893 : i32
          %ne3A_911 = arith.constant 0 : i32
          %ne3A_912 = arith.cmpi ne, %rem3A_910, %ne3A_911 : i32
          %and3A_913 = arith.andi %ne3A_909, %ne3A_912 : i1
          %sub3A_914 = arith.constant 1 : i32
          %sub3A_915 = arith.subi %div3A_894, %sub3A_914 : i32
          %select_n3A_916 = arith.select %and3A_913, %sub3A_915, %div3A_894 : i32
          %jit3A_917 = arith.constant 64 : i32
          %eq3A_918 = arith.constant 0 : i32
          %eq3A_919 = arith.cmpi eq, %jit3A_917, %eq3A_918 : i32
          %jit3A_920 = arith.constant 1 : i32
          %select_n3A_921 = arith.select %eq3A_919, %jit3A_920, %jit3A_917 : i32
          %rem3A_922 = arith.remsi %add3A_892, %select_n3A_921 : i32
          %ne3A_923 = arith.constant 0 : i32
          %ne3A_924 = arith.cmpi ne, %rem3A_922, %ne3A_923 : i32
          %lt3A_925 = arith.constant 0 : i32
          %lt3A_926 = arith.cmpi slt, %rem3A_922, %lt3A_925 : i32
          %lt3A_927 = arith.constant 0 : i32
          %lt3A_928 = arith.cmpi slt, %select_n3A_921, %lt3A_927 : i32
          %ne3A_929 = arith.xori %lt3A_926, %lt3A_928 : i1
          %and3A_930 = arith.andi %ne3A_929, %ne3A_924 : i1
          %add3A_931 = arith.addi %rem3A_922, %select_n3A_921 : i32
          %select_n3A_932 = arith.select %and3A_930, %add3A_931, %rem3A_922 : i32
          %mul3A_933 = arith.constant 2 : i32
          %mul3A_934 = arith.muli %select_n3A_932, %mul3A_933 : i32
          %add3A_935 = arith.constant 1 : i32
          %add3A_936 = arith.addi %mul3A_934, %add3A_935 : i32
          %dma_wait3A_937 = arith.constant 0 : i32
          %dma_wait3A_938 = arith.constant 1 : i32
          %dma_wait3A_939 = arith.constant 0 : i32
          %dma_wait3A_940 = arith.constant 0 : i32
          %dma_wait3A_941 = arith.constant 0 : i32
          %dma_wait3A_942 = tpu.memref_slice %arg7[%dma_wait3A_937, %dma_wait3A_938, %dma_wait3A_939, %dma_wait3A_940, %dma_wait3A_941] : memref<3x2x8x8x129xf32, #tpu.memory_space<vmem>> -> memref<1x1x8x8x128xf32, #tpu.memory_space<vmem>>
          %dma_wait3A_943 = tpu.memref_squeeze %dma_wait3A_942 : memref<1x1x8x8x128xf32, #tpu.memory_space<vmem>> -> memref<8x8x128xf32, #tpu.memory_space<vmem>>
          %dma_wait3A_944 = arith.constant 0 : i32
          %dma_wait3A_945 = arith.constant 0 : i32
          %dma_wait3A_946 = arith.constant 0 : i32
          %dma_wait3A_947 = tpu.memref_slice %arg4[%select_n3A_916, %dma_wait3A_944, %add3A_936, %dma_wait3A_945, %dma_wait3A_946] : memref<50x8x128x8x128xf32, #tpu.memory_space<hbm>> -> memref<1x8x1x8x128xf32, #tpu.memory_space<hbm>>
          %dma_wait3A_948 = tpu.memref_squeeze %dma_wait3A_947 : memref<1x8x1x8x128xf32, #tpu.memory_space<hbm>> -> memref<8x8x128xf32, #tpu.memory_space<hbm>>
          %dma_wait3A_949 = arith.constant 0 : i32
          %dma_wait3A_950 = arith.constant 0 : i32
          %dma_wait3A_951 = arith.constant 0 : i32
          %dma_wait3A_952 = tpu.memref_slice %arg4[%select_n3A_916, %dma_wait3A_949, %add3A_936, %dma_wait3A_950, %dma_wait3A_951] : memref<50x8x128x8x128xf32, #tpu.memory_space<hbm>> -> memref<1x8x1x8x128xf32, #tpu.memory_space<hbm>>
          %dma_wait3A_953 = tpu.memref_squeeze %dma_wait3A_952 : memref<1x8x1x8x128xf32, #tpu.memory_space<hbm>> -> memref<8x8x128xf32, #tpu.memory_space<hbm>>
          %dma_wait3A_954 = arith.constant 0 : i32
          %dma_wait3A_955 = arith.constant 0 : i32
          %dma_wait3A_956 = arith.constant 0 : i32
          %dma_wait3A_957 = tpu.memref_slice %arg7[%dma_wait3A_937, %dma_wait3A_938, %dma_wait3A_954, %dma_wait3A_955, %dma_wait3A_956] : memref<3x2x8x8x129xf32, #tpu.memory_space<vmem>> -> memref<1x1x8x8x128xf32, #tpu.memory_space<vmem>>
          %dma_wait3A_958 = tpu.memref_squeeze %dma_wait3A_957 : memref<1x1x8x8x128xf32, #tpu.memory_space<vmem>> -> memref<8x8x128xf32, #tpu.memory_space<vmem>>
          tpu.wait_dma2 semaphore(%arg14 : memref<!tpu.dma_semaphore, #tpu.memory_space<semaphore_mem>>) src(%dma_wait3A_958 : memref<8x8x128xf32, #tpu.memory_space<vmem>>) dst(%dma_wait3A_953 : memref<8x8x128xf32, #tpu.memory_space<hbm>>)
        } else {
        }
        %dma_wait3A_665 = arith.constant 0 : i32
        %dma_wait3A_666 = arith.constant 0 : i32
        %dma_wait3A_667 = arith.constant 0 : i32
        %dma_wait3A_668 = arith.constant 0 : i32
        %dma_wait3A_669 = tpu.memref_slice %arg6[%dma_wait3A_666, %dma_wait3A_667, %dma_wait3A_668] : memref<3x256x64xf32, #tpu.memory_space<vmem>> -> memref<1x256x64xf32, #tpu.memory_space<vmem>>
        %dma_wait3A_670 = tpu.memref_squeeze %dma_wait3A_669 : memref<1x256x64xf32, #tpu.memory_space<vmem>> -> memref<256x64xf32, #tpu.memory_space<vmem>>
        %dma_wait3A_671 = arith.constant 0 : i32
        %dma_wait3A_672 = tpu.memref_slice %arg5[%dma_wait3A_665, %dma_wait3A_671] : memref<3x256xi32, #tpu.memory_space<vmem>> -> memref<1x256xi32, #tpu.memory_space<vmem>>
        %dma_wait3A_673 = tpu.memref_squeeze %dma_wait3A_672 : memref<1x256xi32, #tpu.memory_space<vmem>> -> memref<256xi32, #tpu.memory_space<vmem>>
        %dma_wait3A_674 = arith.constant 0 : i32
        %dma_wait3A_675 = arith.constant 0 : i32
        %dma_wait3A_676 = tpu.memref_slice %arg3[%dma_wait3A_674, %dma_wait3A_675] : memref<1000000x64xf32, #tpu.memory_space<hbm>> -> memref<1000000x64xf32, #tpu.memory_space<hbm>>
        tpu.wait_indirect_dma semaphore(%arg11 : memref<!tpu.dma_semaphore, #tpu.memory_space<semaphore_mem>>) src(%dma_wait3A_676 : memref<1000000x64xf32, #tpu.memory_space<hbm>>) dst(%dma_wait3A_670 : memref<256x64xf32, #tpu.memory_space<vmem>>)
        %parallel_loop3A = arith.constant 0 : i32
        %parallel_loop3A_677 = arith.constant 256 : i32
        %parallel_loop3A_678 = arith.constant 1 : i32
        scf.for %parallel_loop3A_817 = %parallel_loop3A to %parallel_loop3A_677 step %parallel_loop3A_678  : i32 {
          %parallel_loop3A_818 = arith.constant 128 : i32
          %parallel_loop3A_819 = arith.divsi %parallel_loop3A_817, %parallel_loop3A_818 : i32
          %parallel_loop3A_820 = arith.constant 0 : i32
          %parallel_loop3A_821 = arith.cmpi sgt, %parallel_loop3A_817, %parallel_loop3A_820 : i32
          %parallel_loop3A_822 = arith.extui %parallel_loop3A_821 : i1 to i32
          %parallel_loop3A_823 = arith.constant 0 : i32
          %parallel_loop3A_824 = arith.cmpi slt, %parallel_loop3A_817, %parallel_loop3A_823 : i32
          %parallel_loop3A_825 = arith.extui %parallel_loop3A_824 : i1 to i32
          %parallel_loop3A_826 = arith.subi %parallel_loop3A_822, %parallel_loop3A_825 : i32
          %parallel_loop3A_827 = arith.constant 0 : i32
          %parallel_loop3A_828 = arith.cmpi sgt, %parallel_loop3A_818, %parallel_loop3A_827 : i32
          %parallel_loop3A_829 = arith.extui %parallel_loop3A_828 : i1 to i32
          %parallel_loop3A_830 = arith.constant 0 : i32
          %parallel_loop3A_831 = arith.cmpi slt, %parallel_loop3A_818, %parallel_loop3A_830 : i32
          %parallel_loop3A_832 = arith.extui %parallel_loop3A_831 : i1 to i32
          %parallel_loop3A_833 = arith.subi %parallel_loop3A_829, %parallel_loop3A_832 : i32
          %parallel_loop3A_834 = arith.cmpi ne, %parallel_loop3A_826, %parallel_loop3A_833 : i32
          %parallel_loop3A_835 = arith.remsi %parallel_loop3A_817, %parallel_loop3A_818 : i32
          %parallel_loop3A_836 = arith.constant 0 : i32
          %parallel_loop3A_837 = arith.cmpi ne, %parallel_loop3A_835, %parallel_loop3A_836 : i32
          %parallel_loop3A_838 = arith.andi %parallel_loop3A_834, %parallel_loop3A_837 : i1
          %parallel_loop3A_839 = arith.constant 1 : i32
          %parallel_loop3A_840 = arith.subi %parallel_loop3A_819, %parallel_loop3A_839 : i32
          %parallel_loop3A_841 = arith.select %parallel_loop3A_838, %parallel_loop3A_840, %parallel_loop3A_819 : i32
          %parallel_loop3A_842 = vector.broadcast %parallel_loop3A_841 : i32 to vector<16xi32>
          %parallel_loop3A_843 = arith.constant 128 : i32
          %parallel_loop3A_844 = arith.constant 0 : i32
          %parallel_loop3A_845 = arith.cmpi eq, %parallel_loop3A_843, %parallel_loop3A_844 : i32
          %parallel_loop3A_846 = arith.constant 1 : i32
          %parallel_loop3A_847 = arith.select %parallel_loop3A_845, %parallel_loop3A_846, %parallel_loop3A_843 : i32
          %parallel_loop3A_848 = arith.remsi %parallel_loop3A_817, %parallel_loop3A_847 : i32
          %parallel_loop3A_849 = arith.constant 0 : i32
          %parallel_loop3A_850 = arith.cmpi ne, %parallel_loop3A_848, %parallel_loop3A_849 : i32
          %parallel_loop3A_851 = arith.constant 0 : i32
          %parallel_loop3A_852 = arith.cmpi slt, %parallel_loop3A_848, %parallel_loop3A_851 : i32
          %parallel_loop3A_853 = arith.constant 0 : i32
          %parallel_loop3A_854 = arith.cmpi slt, %parallel_loop3A_847, %parallel_loop3A_853 : i32
          %parallel_loop3A_855 = arith.xori %parallel_loop3A_852, %parallel_loop3A_854 : i1
          %parallel_loop3A_856 = arith.andi %parallel_loop3A_855, %parallel_loop3A_850 : i1
          %parallel_loop3A_857 = arith.addi %parallel_loop3A_848, %parallel_loop3A_847 : i32
          %parallel_loop3A_858 = arith.select %parallel_loop3A_856, %parallel_loop3A_857, %parallel_loop3A_848 : i32
          %parallel_loop3A_859 = vector.broadcast %parallel_loop3A_858 : i32 to vector<16xi32>
          %parallel_loop3A_860 = arith.constant 0 : i32
          %parallel_loop3A_861 = arith.index_cast %parallel_loop3A_860 : i32 to index
          %parallel_loop3A_862 = arith.index_cast %parallel_loop3A_817 : i32 to index
          %parallel_loop3A_863 = arith.constant 0 : index
          %parallel_loop3A_864 = tpu.vector_load %arg6[%parallel_loop3A_861, %parallel_loop3A_862, %parallel_loop3A_863] {strides = array<i32>} : memref<3x256x64xf32, #tpu.memory_space<vmem>>, vector<16xf32>,
          %parallel_loop3A_865 = arith.constant 8.000000e+00 : f32
          %parallel_loop3A_866 = vector.broadcast %parallel_loop3A_865 : f32 to vector<16xf32>
          %parallel_loop3A_867 = arith.mulf %parallel_loop3A_864, %parallel_loop3A_866 : vector<16xf32>
          %parallel_loop3A_868 = arith.constant 0 : i32
          %parallel_loop3A_869 = arith.constant 0 : i32
          %parallel_loop3A_870 = arith.constant 0 : i32
          %parallel_loop3A_871 = arith.constant 0 : i32
          %parallel_loop3A_872 = arith.constant 0 : i32
          %parallel_loop3A_873 = tpu.memref_slice %arg7[%parallel_loop3A_868, %parallel_loop3A_869, %parallel_loop3A_870, %parallel_loop3A_871, %parallel_loop3A_872] : memref<3x2x8x8x129xf32, #tpu.memory_space<vmem>> -> memref<1x2x8x8x129xf32, #tpu.memory_space<vmem>>
          %parallel_loop3A_874 = tpu.memref_squeeze %parallel_loop3A_873 : memref<1x2x8x8x129xf32, #tpu.memory_space<vmem>> -> memref<2x8x8x129xf32, #tpu.memory_space<vmem>>
          tpu.vector_store_idx %parallel_loop3A_874[%parallel_loop3A_842, %shift_right_logical3A_5, %and3A, %parallel_loop3A_859], %parallel_loop3A_867 : memref<2x8x8x129xf32, #tpu.memory_space<vmem>>[vector<16xi32>, vector<16xi32>, vector<16xi32>, vector<16xi32>], vector<16xf32>,
          %parallel_loop3A_875 = arith.constant 0 : i32
          %parallel_loop3A_876 = arith.index_cast %parallel_loop3A_875 : i32 to index
          %parallel_loop3A_877 = arith.index_cast %parallel_loop3A_817 : i32 to index
          %parallel_loop3A_878 = arith.constant 16 : index
          %parallel_loop3A_879 = tpu.vector_load %arg6[%parallel_loop3A_876, %parallel_loop3A_877, %parallel_loop3A_878] {strides = array<i32>} : memref<3x256x64xf32, #tpu.memory_space<vmem>>, vector<16xf32>,
          %parallel_loop3A_880 = arith.constant 8.000000e+00 : f32
          %parallel_loop3A_881 = vector.broadcast %parallel_loop3A_880 : f32 to vector<16xf32>
          %parallel_loop3A_882 = arith.mulf %parallel_loop3A_879, %parallel_loop3A_881 : vector<16xf32>
          %parallel_loop3A_883 = arith.constant 0 : i32
          %parallel_loop3A_884 = arith.constant 0 : i32
          %parallel_loop3A_885 = arith.constant 0 : i32
          %parallel_loop3A_886 = arith.constant 0 : i32
          %parallel_loop3A_887 = arith.constant 0 : i32
          %parallel_loop3A_888 = tpu.memref_slice %arg7[%parallel_loop3A_883, %parallel_loop3A_884, %parallel_loop3A_885, %parallel_loop3A_886, %parallel_loop3A_887] : memref<3x2x8x8x129xf32, #tpu.memory_space<vmem>> -> memref<1x2x8x8x129xf32, #tpu.memory_space<vmem>>
          %parallel_loop3A_889 = tpu.memref_squeeze %parallel_loop3A_888 : memref<1x2x8x8x129xf32, #tpu.memory_space<vmem>> -> memref<2x8x8x129xf32, #tpu.memory_space<vmem>>
          tpu.vector_store_idx %parallel_loop3A_889[%parallel_loop3A_842, %shift_right_logical3A_11, %and3A_33, %parallel_loop3A_859], %parallel_loop3A_882 : memref<2x8x8x129xf32, #tpu.memory_space<vmem>>[vector<16xi32>, vector<16xi32>, vector<16xi32>, vector<16xi32>], vector<16xf32>,
          %parallel_loop3A_890 = arith.constant 0 : i32
          %parallel_loop3A_891 = arith.index_cast %parallel_loop3A_890 : i32 to index
          %parallel_loop3A_892 = arith.index_cast %parallel_loop3A_817 : i32 to index
          %parallel_loop3A_893 = arith.constant 32 : index
          %parallel_loop3A_894 = tpu.vector_load %arg6[%parallel_loop3A_891, %parallel_loop3A_892, %parallel_loop3A_893] {strides = array<i32>} : memref<3x256x64xf32, #tpu.memory_space<vmem>>, vector<16xf32>,
          %parallel_loop3A_895 = arith.constant 8.000000e+00 : f32
          %parallel_loop3A_896 = vector.broadcast %parallel_loop3A_895 : f32 to vector<16xf32>
          %parallel_loop3A_897 = arith.mulf %parallel_loop3A_894, %parallel_loop3A_896 : vector<16xf32>
          %parallel_loop3A_898 = arith.constant 0 : i32
          %parallel_loop3A_899 = arith.constant 0 : i32
          %parallel_loop3A_900 = arith.constant 0 : i32
          %parallel_loop3A_901 = arith.constant 0 : i32
          %parallel_loop3A_902 = arith.constant 0 : i32
          %parallel_loop3A_903 = tpu.memref_slice %arg7[%parallel_loop3A_898, %parallel_loop3A_899, %parallel_loop3A_900, %parallel_loop3A_901, %parallel_loop3A_902] : memref<3x2x8x8x129xf32, #tpu.memory_space<vmem>> -> memref<1x2x8x8x129xf32, #tpu.memory_space<vmem>>
          %parallel_loop3A_904 = tpu.memref_squeeze %parallel_loop3A_903 : memref<1x2x8x8x129xf32, #tpu.memory_space<vmem>> -> memref<2x8x8x129xf32, #tpu.memory_space<vmem>>
          tpu.vector_store_idx %parallel_loop3A_904[%parallel_loop3A_842, %shift_right_logical3A_17, %and3A_39, %parallel_loop3A_859], %parallel_loop3A_897 : memref<2x8x8x129xf32, #tpu.memory_space<vmem>>[vector<16xi32>, vector<16xi32>, vector<16xi32>, vector<16xi32>], vector<16xf32>,
          %parallel_loop3A_905 = arith.constant 0 : i32
          %parallel_loop3A_906 = arith.index_cast %parallel_loop3A_905 : i32 to index
          %parallel_loop3A_907 = arith.index_cast %parallel_loop3A_817 : i32 to index
          %parallel_loop3A_908 = arith.constant 48 : index
          %parallel_loop3A_909 = tpu.vector_load %arg6[%parallel_loop3A_906, %parallel_loop3A_907, %parallel_loop3A_908] {strides = array<i32>} : memref<3x256x64xf32, #tpu.memory_space<vmem>>, vector<16xf32>,
          %parallel_loop3A_910 = arith.constant 8.000000e+00 : f32
          %parallel_loop3A_911 = vector.broadcast %parallel_loop3A_910 : f32 to vector<16xf32>
          %parallel_loop3A_912 = arith.mulf %parallel_loop3A_909, %parallel_loop3A_911 : vector<16xf32>
          %parallel_loop3A_913 = arith.constant 0 : i32
          %parallel_loop3A_914 = arith.constant 0 : i32
          %parallel_loop3A_915 = arith.constant 0 : i32
          %parallel_loop3A_916 = arith.constant 0 : i32
          %parallel_loop3A_917 = arith.constant 0 : i32
          %parallel_loop3A_918 = tpu.memref_slice %arg7[%parallel_loop3A_913, %parallel_loop3A_914, %parallel_loop3A_915, %parallel_loop3A_916, %parallel_loop3A_917] : memref<3x2x8x8x129xf32, #tpu.memory_space<vmem>> -> memref<1x2x8x8x129xf32, #tpu.memory_space<vmem>>
          %parallel_loop3A_919 = tpu.memref_squeeze %parallel_loop3A_918 : memref<1x2x8x8x129xf32, #tpu.memory_space<vmem>> -> memref<2x8x8x129xf32, #tpu.memory_space<vmem>>
          tpu.vector_store_idx %parallel_loop3A_919[%parallel_loop3A_842, %shift_right_logical3A_23, %and3A_45, %parallel_loop3A_859], %parallel_loop3A_912 : memref<2x8x8x129xf32, #tpu.memory_space<vmem>>[vector<16xi32>, vector<16xi32>, vector<16xi32>, vector<16xi32>], vector<16xf32>,
        } {sc.loop_unroll_factor = 8 : i64, sc.parallel_access}
        %mul3A_679 = arith.constant 32 : i32
        %mul3A_680 = arith.muli %scan3A_631, %mul3A_679 : i32
        %add3A_681 = arith.addi %mul3A_680, %add3A : i32
        %jit3A_682 = arith.constant 64 : i32
        %div3A_683 = arith.divsi %add3A_681, %jit3A_682 : i32
        %sign3A_684 = arith.constant 0 : i32
        %sign3A_685 = arith.cmpi sgt, %add3A_681, %sign3A_684 : i32
        %sign3A_686 = arith.extui %sign3A_685 : i1 to i32
        %sign3A_687 = arith.constant 0 : i32
        %sign3A_688 = arith.cmpi slt, %add3A_681, %sign3A_687 : i32
        %sign3A_689 = arith.extui %sign3A_688 : i1 to i32
        %sign3A_690 = arith.subi %sign3A_686, %sign3A_689 : i32
        %sign3A_691 = arith.constant 0 : i32
        %sign3A_692 = arith.cmpi sgt, %jit3A_682, %sign3A_691 : i32
        %sign3A_693 = arith.extui %sign3A_692 : i1 to i32
        %sign3A_694 = arith.constant 0 : i32
        %sign3A_695 = arith.cmpi slt, %jit3A_682, %sign3A_694 : i32
        %sign3A_696 = arith.extui %sign3A_695 : i1 to i32
        %sign3A_697 = arith.subi %sign3A_693, %sign3A_696 : i32
        %ne3A_698 = arith.cmpi ne, %sign3A_690, %sign3A_697 : i32
        %rem3A_699 = arith.remsi %add3A_681, %jit3A_682 : i32
        %ne3A_700 = arith.constant 0 : i32
        %ne3A_701 = arith.cmpi ne, %rem3A_699, %ne3A_700 : i32
        %and3A_702 = arith.andi %ne3A_698, %ne3A_701 : i1
        %sub3A_703 = arith.constant 1 : i32
        %sub3A_704 = arith.subi %div3A_683, %sub3A_703 : i32
        %select_n3A_705 = arith.select %and3A_702, %sub3A_704, %div3A_683 : i32
        %jit3A_706 = arith.constant 64 : i32
        %eq3A_707 = arith.constant 0 : i32
        %eq3A_708 = arith.cmpi eq, %jit3A_706, %eq3A_707 : i32
        %jit3A_709 = arith.constant 1 : i32
        %select_n3A_710 = arith.select %eq3A_708, %jit3A_709, %jit3A_706 : i32
        %rem3A_711 = arith.remsi %add3A_681, %select_n3A_710 : i32
        %ne3A_712 = arith.constant 0 : i32
        %ne3A_713 = arith.cmpi ne, %rem3A_711, %ne3A_712 : i32
        %lt3A_714 = arith.constant 0 : i32
        %lt3A_715 = arith.cmpi slt, %rem3A_711, %lt3A_714 : i32
        %lt3A_716 = arith.constant 0 : i32
        %lt3A_717 = arith.cmpi slt, %select_n3A_710, %lt3A_716 : i32
        %ne3A_718 = arith.xori %lt3A_715, %lt3A_717 : i1
        %and3A_719 = arith.andi %ne3A_718, %ne3A_713 : i1
        %add3A_720 = arith.addi %rem3A_711, %select_n3A_710 : i32
        %select_n3A_721 = arith.select %and3A_719, %add3A_720, %rem3A_711 : i32
        %mul3A_722 = arith.constant 2 : i32
        %mul3A_723 = arith.muli %select_n3A_721, %mul3A_722 : i32
        %add3A_724 = arith.constant 0 : i32
        %add3A_725 = arith.addi %mul3A_723, %add3A_724 : i32
        %dma_start3A_726 = arith.constant 0 : i32
        %dma_start3A_727 = arith.constant 0 : i32
        %dma_start3A_728 = arith.constant 0 : i32
        %dma_start3A_729 = arith.constant 0 : i32
        %dma_start3A_730 = arith.constant 0 : i32
        %dma_start3A_731 = tpu.memref_slice %arg7[%dma_start3A_726, %dma_start3A_727, %dma_start3A_728, %dma_start3A_729, %dma_start3A_730] : memref<3x2x8x8x129xf32, #tpu.memory_space<vmem>> -> memref<1x1x8x8x128xf32, #tpu.memory_space<vmem>>
        %dma_start3A_732 = tpu.memref_squeeze %dma_start3A_731 : memref<1x1x8x8x128xf32, #tpu.memory_space<vmem>> -> memref<8x8x128xf32, #tpu.memory_space<vmem>>
        %dma_start3A_733 = arith.constant 0 : i32
        %dma_start3A_734 = arith.constant 0 : i32
        %dma_start3A_735 = arith.constant 0 : i32
        %dma_start3A_736 = tpu.memref_slice %arg4[%select_n3A_705, %dma_start3A_733, %add3A_725, %dma_start3A_734, %dma_start3A_735] : memref<50x8x128x8x128xf32, #tpu.memory_space<hbm>> -> memref<1x8x1x8x128xf32, #tpu.memory_space<hbm>>
        %dma_start3A_737 = tpu.memref_squeeze %dma_start3A_736 : memref<1x8x1x8x128xf32, #tpu.memory_space<hbm>> -> memref<8x8x128xf32, #tpu.memory_space<hbm>>
        %dma_start3A_738 = arith.constant 0 : i32
        %dma_start3A_739 = arith.constant 0 : i32
        %dma_start3A_740 = arith.constant 0 : i32
        %dma_start3A_741 = tpu.memref_slice %arg4[%select_n3A_705, %dma_start3A_738, %add3A_725, %dma_start3A_739, %dma_start3A_740] : memref<50x8x128x8x128xf32, #tpu.memory_space<hbm>> -> memref<1x8x1x8x128xf32, #tpu.memory_space<hbm>>
        %dma_start3A_742 = tpu.memref_squeeze %dma_start3A_741 : memref<1x8x1x8x128xf32, #tpu.memory_space<hbm>> -> memref<8x8x128xf32, #tpu.memory_space<hbm>>
        %dma_start3A_743 = arith.constant 0 : i32
        %dma_start3A_744 = arith.constant 0 : i32
        %dma_start3A_745 = arith.constant 0 : i32
        %dma_start3A_746 = tpu.memref_slice %arg7[%dma_start3A_726, %dma_start3A_727, %dma_start3A_743, %dma_start3A_744, %dma_start3A_745] : memref<3x2x8x8x129xf32, #tpu.memory_space<vmem>> -> memref<1x1x8x8x128xf32, #tpu.memory_space<vmem>>
        %dma_start3A_747 = tpu.memref_squeeze %dma_start3A_746 : memref<1x1x8x8x128xf32, #tpu.memory_space<vmem>> -> memref<8x8x128xf32, #tpu.memory_space<vmem>>
        tpu.enqueue_dma source(%dma_start3A_747 : memref<8x8x128xf32, #tpu.memory_space<vmem>>) target(%dma_start3A_742 : memref<8x8x128xf32, #tpu.memory_space<hbm>>) target_semaphore(%arg14 : memref<!tpu.dma_semaphore, #tpu.memory_space<semaphore_mem>>)
        %mul3A_748 = arith.constant 32 : i32
        %mul3A_749 = arith.muli %scan3A_631, %mul3A_748 : i32
        %add3A_750 = arith.addi %mul3A_749, %add3A : i32
        %jit3A_751 = arith.constant 64 : i32
        %div3A_752 = arith.divsi %add3A_750, %jit3A_751 : i32
        %sign3A_753 = arith.constant 0 : i32
        %sign3A_754 = arith.cmpi sgt, %add3A_750, %sign3A_753 : i32
        %sign3A_755 = arith.extui %sign3A_754 : i1 to i32
        %sign3A_756 = arith.constant 0 : i32
        %sign3A_757 = arith.cmpi slt, %add3A_750, %sign3A_756 : i32
        %sign3A_758 = arith.extui %sign3A_757 : i1 to i32
        %sign3A_759 = arith.subi %sign3A_755, %sign3A_758 : i32
        %sign3A_760 = arith.constant 0 : i32
        %sign3A_761 = arith.cmpi sgt, %jit3A_751, %sign3A_760 : i32
        %sign3A_762 = arith.extui %sign3A_761 : i1 to i32
        %sign3A_763 = arith.constant 0 : i32
        %sign3A_764 = arith.cmpi slt, %jit3A_751, %sign3A_763 : i32
        %sign3A_765 = arith.extui %sign3A_764 : i1 to i32
        %sign3A_766 = arith.subi %sign3A_762, %sign3A_765 : i32
        %ne3A_767 = arith.cmpi ne, %sign3A_759, %sign3A_766 : i32
        %rem3A_768 = arith.remsi %add3A_750, %jit3A_751 : i32
        %ne3A_769 = arith.constant 0 : i32
        %ne3A_770 = arith.cmpi ne, %rem3A_768, %ne3A_769 : i32
        %and3A_771 = arith.andi %ne3A_767, %ne3A_770 : i1
        %sub3A_772 = arith.constant 1 : i32
        %sub3A_773 = arith.subi %div3A_752, %sub3A_772 : i32
        %select_n3A_774 = arith.select %and3A_771, %sub3A_773, %div3A_752 : i32
        %jit3A_775 = arith.constant 64 : i32
        %eq3A_776 = arith.constant 0 : i32
        %eq3A_777 = arith.cmpi eq, %jit3A_775, %eq3A_776 : i32
        %jit3A_778 = arith.constant 1 : i32
        %select_n3A_779 = arith.select %eq3A_777, %jit3A_778, %jit3A_775 : i32
        %rem3A_780 = arith.remsi %add3A_750, %select_n3A_779 : i32
        %ne3A_781 = arith.constant 0 : i32
        %ne3A_782 = arith.cmpi ne, %rem3A_780, %ne3A_781 : i32
        %lt3A_783 = arith.constant 0 : i32
        %lt3A_784 = arith.cmpi slt, %rem3A_780, %lt3A_783 : i32
        %lt3A_785 = arith.constant 0 : i32
        %lt3A_786 = arith.cmpi slt, %select_n3A_779, %lt3A_785 : i32
        %ne3A_787 = arith.xori %lt3A_784, %lt3A_786 : i1
        %and3A_788 = arith.andi %ne3A_787, %ne3A_782 : i1
        %add3A_789 = arith.addi %rem3A_780, %select_n3A_779 : i32
        %select_n3A_790 = arith.select %and3A_788, %add3A_789, %rem3A_780 : i32
        %mul3A_791 = arith.constant 2 : i32
        %mul3A_792 = arith.muli %select_n3A_790, %mul3A_791 : i32
        %add3A_793 = arith.constant 1 : i32
        %add3A_794 = arith.addi %mul3A_792, %add3A_793 : i32
        %dma_start3A_795 = arith.constant 0 : i32
        %dma_start3A_796 = arith.constant 1 : i32
        %dma_start3A_797 = arith.constant 0 : i32
        %dma_start3A_798 = arith.constant 0 : i32
        %dma_start3A_799 = arith.constant 0 : i32
        %dma_start3A_800 = tpu.memref_slice %arg7[%dma_start3A_795, %dma_start3A_796, %dma_start3A_797, %dma_start3A_798, %dma_start3A_799] : memref<3x2x8x8x129xf32, #tpu.memory_space<vmem>> -> memref<1x1x8x8x128xf32, #tpu.memory_space<vmem>>
        %dma_start3A_801 = tpu.memref_squeeze %dma_start3A_800 : memref<1x1x8x8x128xf32, #tpu.memory_space<vmem>> -> memref<8x8x128xf32, #tpu.memory_space<vmem>>
        %dma_start3A_802 = arith.constant 0 : i32
        %dma_start3A_803 = arith.constant 0 : i32
        %dma_start3A_804 = arith.constant 0 : i32
        %dma_start3A_805 = tpu.memref_slice %arg4[%select_n3A_774, %dma_start3A_802, %add3A_794, %dma_start3A_803, %dma_start3A_804] : memref<50x8x128x8x128xf32, #tpu.memory_space<hbm>> -> memref<1x8x1x8x128xf32, #tpu.memory_space<hbm>>
        %dma_start3A_806 = tpu.memref_squeeze %dma_start3A_805 : memref<1x8x1x8x128xf32, #tpu.memory_space<hbm>> -> memref<8x8x128xf32, #tpu.memory_space<hbm>>
        %dma_start3A_807 = arith.constant 0 : i32
        %dma_start3A_808 = arith.constant 0 : i32
        %dma_start3A_809 = arith.constant 0 : i32
        %dma_start3A_810 = tpu.memref_slice %arg4[%select_n3A_774, %dma_start3A_807, %add3A_794, %dma_start3A_808, %dma_start3A_809] : memref<50x8x128x8x128xf32, #tpu.memory_space<hbm>> -> memref<1x8x1x8x128xf32, #tpu.memory_space<hbm>>
        %dma_start3A_811 = tpu.memref_squeeze %dma_start3A_810 : memref<1x8x1x8x128xf32, #tpu.memory_space<hbm>> -> memref<8x8x128xf32, #tpu.memory_space<hbm>>
        %dma_start3A_812 = arith.constant 0 : i32
        %dma_start3A_813 = arith.constant 0 : i32
        %dma_start3A_814 = arith.constant 0 : i32
        %dma_start3A_815 = tpu.memref_slice %arg7[%dma_start3A_795, %dma_start3A_796, %dma_start3A_812, %dma_start3A_813, %dma_start3A_814] : memref<3x2x8x8x129xf32, #tpu.memory_space<vmem>> -> memref<1x1x8x8x128xf32, #tpu.memory_space<vmem>>
        %dma_start3A_816 = tpu.memref_squeeze %dma_start3A_815 : memref<1x1x8x8x128xf32, #tpu.memory_space<vmem>> -> memref<8x8x128xf32, #tpu.memory_space<vmem>>
        tpu.enqueue_dma source(%dma_start3A_816 : memref<8x8x128xf32, #tpu.memory_space<vmem>>) target(%dma_start3A_811 : memref<8x8x128xf32, #tpu.memory_space<hbm>>) target_semaphore(%arg14 : memref<!tpu.dma_semaphore, #tpu.memory_space<semaphore_mem>>)
      } else {
      }
      %eq3A_637 = arith.constant 1 : i32
      %eq3A_638 = arith.cmpi eq, %rem3A_633, %eq3A_637 : i32
      %convert_element_type3A_639 = arith.extui %eq3A_638 : i1 to i32
      %cond3A_640 = arith.constant 0 : i32
      %cond3A_641 = arith.cmpi ne, %convert_element_type3A_639, %cond3A_640 : i32
      scf.if %cond3A_641 {
        %add3A_647 = arith.constant 2 : i32
        %add3A_648 = arith.addi %scan3A_631, %add3A_647 : i32
        %lt3A_649 = arith.constant 100 : i32
        %lt3A_650 = arith.cmpi slt, %add3A_648, %lt3A_649 : i32
        %convert_element_type3A_651 = arith.extui %lt3A_650 : i1 to i32
        %cond3A_652 = arith.constant 0 : i32
        %cond3A_653 = arith.cmpi ne, %convert_element_type3A_651, %cond3A_652 : i32
        scf.if %cond3A_653 {
          %add3A_817 = arith.constant 2 : i32
          %add3A_818 = arith.addi %scan3A_631, %add3A_817 : i32
          %mul3A_819 = arith.constant 32 : i32
          %mul3A_820 = arith.muli %add3A_818, %mul3A_819 : i32
          %add3A_821 = arith.addi %mul3A_820, %add3A : i32
          %jit3A_822 = arith.constant 64 : i32
          %div3A_823 = arith.divsi %add3A_821, %jit3A_822 : i32
          %sign3A_824 = arith.constant 0 : i32
          %sign3A_825 = arith.cmpi sgt, %add3A_821, %sign3A_824 : i32
          %sign3A_826 = arith.extui %sign3A_825 : i1 to i32
          %sign3A_827 = arith.constant 0 : i32
          %sign3A_828 = arith.cmpi slt, %add3A_821, %sign3A_827 : i32
          %sign3A_829 = arith.extui %sign3A_828 : i1 to i32
          %sign3A_830 = arith.subi %sign3A_826, %sign3A_829 : i32
          %sign3A_831 = arith.constant 0 : i32
          %sign3A_832 = arith.cmpi sgt, %jit3A_822, %sign3A_831 : i32
          %sign3A_833 = arith.extui %sign3A_832 : i1 to i32
          %sign3A_834 = arith.constant 0 : i32
          %sign3A_835 = arith.cmpi slt, %jit3A_822, %sign3A_834 : i32
          %sign3A_836 = arith.extui %sign3A_835 : i1 to i32
          %sign3A_837 = arith.subi %sign3A_833, %sign3A_836 : i32
          %ne3A_838 = arith.cmpi ne, %sign3A_830, %sign3A_837 : i32
          %rem3A_839 = arith.remsi %add3A_821, %jit3A_822 : i32
          %ne3A_840 = arith.constant 0 : i32
          %ne3A_841 = arith.cmpi ne, %rem3A_839, %ne3A_840 : i32
          %and3A_842 = arith.andi %ne3A_838, %ne3A_841 : i1
          %sub3A_843 = arith.constant 1 : i32
          %sub3A_844 = arith.subi %div3A_823, %sub3A_843 : i32
          %select_n3A_845 = arith.select %and3A_842, %sub3A_844, %div3A_823 : i32
          %jit3A_846 = arith.constant 64 : i32
          %eq3A_847 = arith.constant 0 : i32
          %eq3A_848 = arith.cmpi eq, %jit3A_846, %eq3A_847 : i32
          %jit3A_849 = arith.constant 1 : i32
          %select_n3A_850 = arith.select %eq3A_848, %jit3A_849, %jit3A_846 : i32
          %rem3A_851 = arith.remsi %add3A_821, %select_n3A_850 : i32
          %ne3A_852 = arith.constant 0 : i32
          %ne3A_853 = arith.cmpi ne, %rem3A_851, %ne3A_852 : i32
          %lt3A_854 = arith.constant 0 : i32
          %lt3A_855 = arith.cmpi slt, %rem3A_851, %lt3A_854 : i32
          %lt3A_856 = arith.constant 0 : i32
          %lt3A_857 = arith.cmpi slt, %select_n3A_850, %lt3A_856 : i32
          %ne3A_858 = arith.xori %lt3A_855, %lt3A_857 : i1
          %and3A_859 = arith.andi %ne3A_858, %ne3A_853 : i1
          %add3A_860 = arith.addi %rem3A_851, %select_n3A_850 : i32
          %select_n3A_861 = arith.select %and3A_859, %add3A_860, %rem3A_851 : i32
          %mul3A_862 = arith.constant 2 : i32
          %mul3A_863 = arith.muli %select_n3A_861, %mul3A_862 : i32
          %mul3A_864 = arith.constant 128 : i32
          %mul3A_865 = arith.muli %mul3A_863, %mul3A_864 : i32
          %dma_start3A_866 = arith.constant 0 : i32
          %dma_start3A_867 = arith.constant 0 : i32
          %dma_start3A_868 = tpu.memref_slice %arg5[%dma_start3A_866, %dma_start3A_867] : memref<3x256xi32, #tpu.memory_space<vmem>> -> memref<1x256xi32, #tpu.memory_space<vmem>>
          %dma_start3A_869 = tpu.memref_squeeze %dma_start3A_868 : memref<1x256xi32, #tpu.memory_space<vmem>> -> memref<256xi32, #tpu.memory_space<vmem>>
          %dma_start3A_870 = tpu.memref_slice %arg2[%select_n3A_845, %mul3A_865] : memref<50x16384xi32, #tpu.memory_space<hbm>> -> memref<1x256xi32, #tpu.memory_space<hbm>>
          %dma_start3A_871 = tpu.memref_squeeze %dma_start3A_870 : memref<1x256xi32, #tpu.memory_space<hbm>> -> memref<256xi32, #tpu.memory_space<hbm>>
          %dma_start3A_872 = arith.constant 0 : i32
          %dma_start3A_873 = tpu.memref_slice %arg5[%dma_start3A_866, %dma_start3A_872] : memref<3x256xi32, #tpu.memory_space<vmem>> -> memref<1x256xi32, #tpu.memory_space<vmem>>
          %dma_start3A_874 = tpu.memref_squeeze %dma_start3A_873 : memref<1x256xi32, #tpu.memory_space<vmem>> -> memref<256xi32, #tpu.memory_space<vmem>>
          %dma_start3A_875 = tpu.memref_slice %arg2[%select_n3A_845, %mul3A_865] : memref<50x16384xi32, #tpu.memory_space<hbm>> -> memref<1x256xi32, #tpu.memory_space<hbm>>
          %dma_start3A_876 = tpu.memref_squeeze %dma_start3A_875 : memref<1x256xi32, #tpu.memory_space<hbm>> -> memref<256xi32, #tpu.memory_space<hbm>>
          tpu.enqueue_dma source(%dma_start3A_876 : memref<256xi32, #tpu.memory_space<hbm>>) target(%dma_start3A_874 : memref<256xi32, #tpu.memory_space<vmem>>) target_semaphore(%arg8 : memref<!tpu.dma_semaphore, #tpu.memory_space<semaphore_mem>>)
        } else {
        }
        %add3A_654 = arith.constant 1 : i32
        %add3A_655 = arith.addi %scan3A_631, %add3A_654 : i32
        %lt3A_656 = arith.constant 100 : i32
        %lt3A_657 = arith.cmpi slt, %add3A_655, %lt3A_656 : i32
        %convert_element_type3A_658 = arith.extui %lt3A_657 : i1 to i32
        %cond3A_659 = arith.constant 0 : i32
        %cond3A_660 = arith.cmpi ne, %convert_element_type3A_658, %cond3A_659 : i32
        scf.if %cond3A_660 {
          %add3A_817 = arith.constant 1 : i32
          %add3A_818 = arith.addi %scan3A_631, %add3A_817 : i32
          %mul3A_819 = arith.constant 32 : i32
          %mul3A_820 = arith.muli %add3A_818, %mul3A_819 : i32
          %add3A_821 = arith.addi %mul3A_820, %add3A : i32
          %jit3A_822 = arith.constant 64 : i32
          %div3A_823 = arith.divsi %add3A_821, %jit3A_822 : i32
          %sign3A_824 = arith.constant 0 : i32
          %sign3A_825 = arith.cmpi sgt, %add3A_821, %sign3A_824 : i32
          %sign3A_826 = arith.extui %sign3A_825 : i1 to i32
          %sign3A_827 = arith.constant 0 : i32
          %sign3A_828 = arith.cmpi slt, %add3A_821, %sign3A_827 : i32
          %sign3A_829 = arith.extui %sign3A_828 : i1 to i32
          %sign3A_830 = arith.subi %sign3A_826, %sign3A_829 : i32
          %sign3A_831 = arith.constant 0 : i32
          %sign3A_832 = arith.cmpi sgt, %jit3A_822, %sign3A_831 : i32
          %sign3A_833 = arith.extui %sign3A_832 : i1 to i32
          %sign3A_834 = arith.constant 0 : i32
          %sign3A_835 = arith.cmpi slt, %jit3A_822, %sign3A_834 : i32
          %sign3A_836 = arith.extui %sign3A_835 : i1 to i32
          %sign3A_837 = arith.subi %sign3A_833, %sign3A_836 : i32
          %ne3A_838 = arith.cmpi ne, %sign3A_830, %sign3A_837 : i32
          %rem3A_839 = arith.remsi %add3A_821, %jit3A_822 : i32
          %ne3A_840 = arith.constant 0 : i32
          %ne3A_841 = arith.cmpi ne, %rem3A_839, %ne3A_840 : i32
          %and3A_842 = arith.andi %ne3A_838, %ne3A_841 : i1
          %sub3A_843 = arith.constant 1 : i32
          %sub3A_844 = arith.subi %div3A_823, %sub3A_843 : i32
          %select_n3A_845 = arith.select %and3A_842, %sub3A_844, %div3A_823 : i32
          %jit3A_846 = arith.constant 64 : i32
          %eq3A_847 = arith.constant 0 : i32
          %eq3A_848 = arith.cmpi eq, %jit3A_846, %eq3A_847 : i32
          %jit3A_849 = arith.constant 1 : i32
          %select_n3A_850 = arith.select %eq3A_848, %jit3A_849, %jit3A_846 : i32
          %rem3A_851 = arith.remsi %add3A_821, %select_n3A_850 : i32
          %ne3A_852 = arith.constant 0 : i32
          %ne3A_853 = arith.cmpi ne, %rem3A_851, %ne3A_852 : i32
          %lt3A_854 = arith.constant 0 : i32
          %lt3A_855 = arith.cmpi slt, %rem3A_851, %lt3A_854 : i32
          %lt3A_856 = arith.constant 0 : i32
          %lt3A_857 = arith.cmpi slt, %select_n3A_850, %lt3A_856 : i32
          %ne3A_858 = arith.xori %lt3A_855, %lt3A_857 : i1
          %and3A_859 = arith.andi %ne3A_858, %ne3A_853 : i1
          %add3A_860 = arith.addi %rem3A_851, %select_n3A_850 : i32
          %select_n3A_861 = arith.select %and3A_859, %add3A_860, %rem3A_851 : i32
          %mul3A_862 = arith.constant 2 : i32
          %mul3A_863 = arith.muli %select_n3A_861, %mul3A_862 : i32
          %mul3A_864 = arith.constant 128 : i32
          %mul3A_865 = arith.muli %mul3A_863, %mul3A_864 : i32
          %dma_wait3A_866 = arith.constant 2 : i32
          %dma_wait3A_867 = arith.constant 0 : i32
          %dma_wait3A_868 = tpu.memref_slice %arg5[%dma_wait3A_866, %dma_wait3A_867] : memref<3x256xi32, #tpu.memory_space<vmem>> -> memref<1x256xi32, #tpu.memory_space<vmem>>
          %dma_wait3A_869 = tpu.memref_squeeze %dma_wait3A_868 : memref<1x256xi32, #tpu.memory_space<vmem>> -> memref<256xi32, #tpu.memory_space<vmem>>
          %dma_wait3A_870 = tpu.memref_slice %arg2[%select_n3A_845, %mul3A_865] : memref<50x16384xi32, #tpu.memory_space<hbm>> -> memref<1x256xi32, #tpu.memory_space<hbm>>
          %dma_wait3A_871 = tpu.memref_squeeze %dma_wait3A_870 : memref<1x256xi32, #tpu.memory_space<hbm>> -> memref<256xi32, #tpu.memory_space<hbm>>
          %dma_wait3A_872 = arith.constant 0 : i32
          %dma_wait3A_873 = tpu.memref_slice %arg5[%dma_wait3A_866, %dma_wait3A_872] : memref<3x256xi32, #tpu.memory_space<vmem>> -> memref<1x256xi32, #tpu.memory_space<vmem>>
          %dma_wait3A_874 = tpu.memref_squeeze %dma_wait3A_873 : memref<1x256xi32, #tpu.memory_space<vmem>> -> memref<256xi32, #tpu.memory_space<vmem>>
          %dma_wait3A_875 = tpu.memref_slice %arg2[%select_n3A_845, %mul3A_865] : memref<50x16384xi32, #tpu.memory_space<hbm>> -> memref<1x256xi32, #tpu.memory_space<hbm>>
          %dma_wait3A_876 = tpu.memref_squeeze %dma_wait3A_875 : memref<1x256xi32, #tpu.memory_space<hbm>> -> memref<256xi32, #tpu.memory_space<hbm>>
          tpu.wait_dma2 semaphore(%arg10 : memref<!tpu.dma_semaphore, #tpu.memory_space<semaphore_mem>>) src(%dma_wait3A_876 : memref<256xi32, #tpu.memory_space<hbm>>) dst(%dma_wait3A_874 : memref<256xi32, #tpu.memory_space<vmem>>)
          %add3A_877 = arith.constant 1 : i32
          %add3A_878 = arith.addi %scan3A_631, %add3A_877 : i32
          %dma_start3A_879 = arith.constant 2 : i32
          %dma_start3A_880 = arith.constant 2 : i32
          %dma_start3A_881 = arith.constant 0 : i32
          %dma_start3A_882 = arith.constant 0 : i32
          %dma_start3A_883 = tpu.memref_slice %arg6[%dma_start3A_880, %dma_start3A_881, %dma_start3A_882] : memref<3x256x64xf32, #tpu.memory_space<vmem>> -> memref<1x256x64xf32, #tpu.memory_space<vmem>>
          %dma_start3A_884 = tpu.memref_squeeze %dma_start3A_883 : memref<1x256x64xf32, #tpu.memory_space<vmem>> -> memref<256x64xf32, #tpu.memory_space<vmem>>
          %dma_start3A_885 = arith.constant 0 : i32
          %dma_start3A_886 = tpu.memref_slice %arg5[%dma_start3A_879, %dma_start3A_885] : memref<3x256xi32, #tpu.memory_space<vmem>> -> memref<1x256xi32, #tpu.memory_space<vmem>>
          %dma_start3A_887 = tpu.memref_squeeze %dma_start3A_886 : memref<1x256xi32, #tpu.memory_space<vmem>> -> memref<256xi32, #tpu.memory_space<vmem>>
          %dma_start3A_888 = arith.constant 0 : i32
          %dma_start3A_889 = arith.constant 0 : i32
          %dma_start3A_890 = tpu.memref_slice %arg3[%dma_start3A_888, %dma_start3A_889] : memref<1000000x64xf32, #tpu.memory_space<hbm>> -> memref<1000000x64xf32, #tpu.memory_space<hbm>>
          tpu.enqueue_indirect_dma source(%dma_start3A_890 : memref<1000000x64xf32, #tpu.memory_space<hbm>>) target(%dma_start3A_884 : memref<256x64xf32, #tpu.memory_space<vmem>>) offsets(%dma_start3A_887 : memref<256xi32, #tpu.memory_space<vmem>>) semaphore(%arg13 : memref<!tpu.dma_semaphore, #tpu.memory_space<semaphore_mem>>)
        } else {
        }
        %ge3A = arith.constant 3 : i32
        %ge3A_661 = arith.cmpi sge, %scan3A_631, %ge3A : i32
        %convert_element_type3A_662 = arith.extui %ge3A_661 : i1 to i32
        %cond3A_663 = arith.constant 0 : i32
        %cond3A_664 = arith.cmpi ne, %convert_element_type3A_662, %cond3A_663 : i32
        scf.if %cond3A_664 {
          %sub3A_817 = arith.constant 3 : i32
          %sub3A_818 = arith.subi %scan3A_631, %sub3A_817 : i32
          %mul3A_819 = arith.constant 32 : i32
          %mul3A_820 = arith.muli %sub3A_818, %mul3A_819 : i32
          %add3A_821 = arith.addi %mul3A_820, %add3A : i32
          %jit3A_822 = arith.constant 64 : i32
          %div3A_823 = arith.divsi %add3A_821, %jit3A_822 : i32
          %sign3A_824 = arith.constant 0 : i32
          %sign3A_825 = arith.cmpi sgt, %add3A_821, %sign3A_824 : i32
          %sign3A_826 = arith.extui %sign3A_825 : i1 to i32
          %sign3A_827 = arith.constant 0 : i32
          %sign3A_828 = arith.cmpi slt, %add3A_821, %sign3A_827 : i32
          %sign3A_829 = arith.extui %sign3A_828 : i1 to i32
          %sign3A_830 = arith.subi %sign3A_826, %sign3A_829 : i32
          %sign3A_831 = arith.constant 0 : i32
          %sign3A_832 = arith.cmpi sgt, %jit3A_822, %sign3A_831 : i32
          %sign3A_833 = arith.extui %sign3A_832 : i1 to i32
          %sign3A_834 = arith.constant 0 : i32
          %sign3A_835 = arith.cmpi slt, %jit3A_822, %sign3A_834 : i32
          %sign3A_836 = arith.extui %sign3A_835 : i1 to i32
          %sign3A_837 = arith.subi %sign3A_833, %sign3A_836 : i32
          %ne3A_838 = arith.cmpi ne, %sign3A_830, %sign3A_837 : i32
          %rem3A_839 = arith.remsi %add3A_821, %jit3A_822 : i32
          %ne3A_840 = arith.constant 0 : i32
          %ne3A_841 = arith.cmpi ne, %rem3A_839, %ne3A_840 : i32
          %and3A_842 = arith.andi %ne3A_838, %ne3A_841 : i1
          %sub3A_843 = arith.constant 1 : i32
          %sub3A_844 = arith.subi %div3A_823, %sub3A_843 : i32
          %select_n3A_845 = arith.select %and3A_842, %sub3A_844, %div3A_823 : i32
          %jit3A_846 = arith.constant 64 : i32
          %eq3A_847 = arith.constant 0 : i32
          %eq3A_848 = arith.cmpi eq, %jit3A_846, %eq3A_847 : i32
          %jit3A_849 = arith.constant 1 : i32
          %select_n3A_850 = arith.select %eq3A_848, %jit3A_849, %jit3A_846 : i32
          %rem3A_851 = arith.remsi %add3A_821, %select_n3A_850 : i32
          %ne3A_852 = arith.constant 0 : i32
          %ne3A_853 = arith.cmpi ne, %rem3A_851, %ne3A_852 : i32
          %lt3A_854 = arith.constant 0 : i32
          %lt3A_855 = arith.cmpi slt, %rem3A_851, %lt3A_854 : i32
          %lt3A_856 = arith.constant 0 : i32
          %lt3A_857 = arith.cmpi slt, %select_n3A_850, %lt3A_856 : i32
          %ne3A_858 = arith.xori %lt3A_855, %lt3A_857 : i1
          %and3A_859 = arith.andi %ne3A_858, %ne3A_853 : i1
          %add3A_860 = arith.addi %rem3A_851, %select_n3A_850 : i32
          %select_n3A_861 = arith.select %and3A_859, %add3A_860, %rem3A_851 : i32
          %mul3A_862 = arith.constant 2 : i32
          %mul3A_863 = arith.muli %select_n3A_861, %mul3A_862 : i32
          %add3A_864 = arith.constant 0 : i32
          %add3A_865 = arith.addi %mul3A_863, %add3A_864 : i32
          %dma_wait3A_866 = arith.constant 1 : i32
          %dma_wait3A_867 = arith.constant 0 : i32
          %dma_wait3A_868 = arith.constant 0 : i32
          %dma_wait3A_869 = arith.constant 0 : i32
          %dma_wait3A_870 = arith.constant 0 : i32
          %dma_wait3A_871 = tpu.memref_slice %arg7[%dma_wait3A_866, %dma_wait3A_867, %dma_wait3A_868, %dma_wait3A_869, %dma_wait3A_870] : memref<3x2x8x8x129xf32, #tpu.memory_space<vmem>> -> memref<1x1x8x8x128xf32, #tpu.memory_space<vmem>>
          %dma_wait3A_872 = tpu.memref_squeeze %dma_wait3A_871 : memref<1x1x8x8x128xf32, #tpu.memory_space<vmem>> -> memref<8x8x128xf32, #tpu.memory_space<vmem>>
          %dma_wait3A_873 = arith.constant 0 : i32
          %dma_wait3A_874 = arith.constant 0 : i32
          %dma_wait3A_875 = arith.constant 0 : i32
          %dma_wait3A_876 = tpu.memref_slice %arg4[%select_n3A_845, %dma_wait3A_873, %add3A_865, %dma_wait3A_874, %dma_wait3A_875] : memref<50x8x128x8x128xf32, #tpu.memory_space<hbm>> -> memref<1x8x1x8x128xf32, #tpu.memory_space<hbm>>
          %dma_wait3A_877 = tpu.memref_squeeze %dma_wait3A_876 : memref<1x8x1x8x128xf32, #tpu.memory_space<hbm>> -> memref<8x8x128xf32, #tpu.memory_space<hbm>>
          %dma_wait3A_878 = arith.constant 0 : i32
          %dma_wait3A_879 = arith.constant 0 : i32
          %dma_wait3A_880 = arith.constant 0 : i32
          %dma_wait3A_881 = tpu.memref_slice %arg4[%select_n3A_845, %dma_wait3A_878, %add3A_865, %dma_wait3A_879, %dma_wait3A_880] : memref<50x8x128x8x128xf32, #tpu.memory_space<hbm>> -> memref<1x8x1x8x128xf32, #tpu.memory_space<hbm>>
          %dma_wait3A_882 = tpu.memref_squeeze %dma_wait3A_881 : memref<1x8x1x8x128xf32, #tpu.memory_space<hbm>> -> memref<8x8x128xf32, #tpu.memory_space<hbm>>
          %dma_wait3A_883 = arith.constant 0 : i32
          %dma_wait3A_884 = arith.constant 0 : i32
          %dma_wait3A_885 = arith.constant 0 : i32
          %dma_wait3A_886 = tpu.memref_slice %arg7[%dma_wait3A_866, %dma_wait3A_867, %dma_wait3A_883, %dma_wait3A_884, %dma_wait3A_885] : memref<3x2x8x8x129xf32, #tpu.memory_space<vmem>> -> memref<1x1x8x8x128xf32, #tpu.memory_space<vmem>>
          %dma_wait3A_887 = tpu.memref_squeeze %dma_wait3A_886 : memref<1x1x8x8x128xf32, #tpu.memory_space<vmem>> -> memref<8x8x128xf32, #tpu.memory_space<vmem>>
          tpu.wait_dma2 semaphore(%arg15 : memref<!tpu.dma_semaphore, #tpu.memory_space<semaphore_mem>>) src(%dma_wait3A_887 : memref<8x8x128xf32, #tpu.memory_space<vmem>>) dst(%dma_wait3A_882 : memref<8x8x128xf32, #tpu.memory_space<hbm>>)
          %sub3A_888 = arith.constant 3 : i32
          %sub3A_889 = arith.subi %scan3A_631, %sub3A_888 : i32
          %mul3A_890 = arith.constant 32 : i32
          %mul3A_891 = arith.muli %sub3A_889, %mul3A_890 : i32
          %add3A_892 = arith.addi %mul3A_891, %add3A : i32
          %jit3A_893 = arith.constant 64 : i32
          %div3A_894 = arith.divsi %add3A_892, %jit3A_893 : i32
          %sign3A_895 = arith.constant 0 : i32
          %sign3A_896 = arith.cmpi sgt, %add3A_892, %sign3A_895 : i32
          %sign3A_897 = arith.extui %sign3A_896 : i1 to i32
          %sign3A_898 = arith.constant 0 : i32
          %sign3A_899 = arith.cmpi slt, %add3A_892, %sign3A_898 : i32
          %sign3A_900 = arith.extui %sign3A_899 : i1 to i32
          %sign3A_901 = arith.subi %sign3A_897, %sign3A_900 : i32
          %sign3A_902 = arith.constant 0 : i32
          %sign3A_903 = arith.cmpi sgt, %jit3A_893, %sign3A_902 : i32
          %sign3A_904 = arith.extui %sign3A_903 : i1 to i32
          %sign3A_905 = arith.constant 0 : i32
          %sign3A_906 = arith.cmpi slt, %jit3A_893, %sign3A_905 : i32
          %sign3A_907 = arith.extui %sign3A_906 : i1 to i32
          %sign3A_908 = arith.subi %sign3A_904, %sign3A_907 : i32
          %ne3A_909 = arith.cmpi ne, %sign3A_901, %sign3A_908 : i32
          %rem3A_910 = arith.remsi %add3A_892, %jit3A_893 : i32
          %ne3A_911 = arith.constant 0 : i32
          %ne3A_912 = arith.cmpi ne, %rem3A_910, %ne3A_911 : i32
          %and3A_913 = arith.andi %ne3A_909, %ne3A_912 : i1
          %sub3A_914 = arith.constant 1 : i32
          %sub3A_915 = arith.subi %div3A_894, %sub3A_914 : i32
          %select_n3A_916 = arith.select %and3A_913, %sub3A_915, %div3A_894 : i32
          %jit3A_917 = arith.constant 64 : i32
          %eq3A_918 = arith.constant 0 : i32
          %eq3A_919 = arith.cmpi eq, %jit3A_917, %eq3A_918 : i32
          %jit3A_920 = arith.constant 1 : i32
          %select_n3A_921 = arith.select %eq3A_919, %jit3A_920, %jit3A_917 : i32
          %rem3A_922 = arith.remsi %add3A_892, %select_n3A_921 : i32
          %ne3A_923 = arith.constant 0 : i32
          %ne3A_924 = arith.cmpi ne, %rem3A_922, %ne3A_923 : i32
          %lt3A_925 = arith.constant 0 : i32
          %lt3A_926 = arith.cmpi slt, %rem3A_922, %lt3A_925 : i32
          %lt3A_927 = arith.constant 0 : i32
          %lt3A_928 = arith.cmpi slt, %select_n3A_921, %lt3A_927 : i32
          %ne3A_929 = arith.xori %lt3A_926, %lt3A_928 : i1
          %and3A_930 = arith.andi %ne3A_929, %ne3A_924 : i1
          %add3A_931 = arith.addi %rem3A_922, %select_n3A_921 : i32
          %select_n3A_932 = arith.select %and3A_930, %add3A_931, %rem3A_922 : i32
          %mul3A_933 = arith.constant 2 : i32
          %mul3A_934 = arith.muli %select_n3A_932, %mul3A_933 : i32
          %add3A_935 = arith.constant 1 : i32
          %add3A_936 = arith.addi %mul3A_934, %add3A_935 : i32
          %dma_wait3A_937 = arith.constant 1 : i32
          %dma_wait3A_938 = arith.constant 1 : i32
          %dma_wait3A_939 = arith.constant 0 : i32
          %dma_wait3A_940 = arith.constant 0 : i32
          %dma_wait3A_941 = arith.constant 0 : i32
          %dma_wait3A_942 = tpu.memref_slice %arg7[%dma_wait3A_937, %dma_wait3A_938, %dma_wait3A_939, %dma_wait3A_940, %dma_wait3A_941] : memref<3x2x8x8x129xf32, #tpu.memory_space<vmem>> -> memref<1x1x8x8x128xf32, #tpu.memory_space<vmem>>
          %dma_wait3A_943 = tpu.memref_squeeze %dma_wait3A_942 : memref<1x1x8x8x128xf32, #tpu.memory_space<vmem>> -> memref<8x8x128xf32, #tpu.memory_space<vmem>>
          %dma_wait3A_944 = arith.constant 0 : i32
          %dma_wait3A_945 = arith.constant 0 : i32
          %dma_wait3A_946 = arith.constant 0 : i32
          %dma_wait3A_947 = tpu.memref_slice %arg4[%select_n3A_916, %dma_wait3A_944, %add3A_936, %dma_wait3A_945, %dma_wait3A_946] : memref<50x8x128x8x128xf32, #tpu.memory_space<hbm>> -> memref<1x8x1x8x128xf32, #tpu.memory_space<hbm>>
          %dma_wait3A_948 = tpu.memref_squeeze %dma_wait3A_947 : memref<1x8x1x8x128xf32, #tpu.memory_space<hbm>> -> memref<8x8x128xf32, #tpu.memory_space<hbm>>
          %dma_wait3A_949 = arith.constant 0 : i32
          %dma_wait3A_950 = arith.constant 0 : i32
          %dma_wait3A_951 = arith.constant 0 : i32
          %dma_wait3A_952 = tpu.memref_slice %arg4[%select_n3A_916, %dma_wait3A_949, %add3A_936, %dma_wait3A_950, %dma_wait3A_951] : memref<50x8x128x8x128xf32, #tpu.memory_space<hbm>> -> memref<1x8x1x8x128xf32, #tpu.memory_space<hbm>>
          %dma_wait3A_953 = tpu.memref_squeeze %dma_wait3A_952 : memref<1x8x1x8x128xf32, #tpu.memory_space<hbm>> -> memref<8x8x128xf32, #tpu.memory_space<hbm>>
          %dma_wait3A_954 = arith.constant 0 : i32
          %dma_wait3A_955 = arith.constant 0 : i32
          %dma_wait3A_956 = arith.constant 0 : i32
          %dma_wait3A_957 = tpu.memref_slice %arg7[%dma_wait3A_937, %dma_wait3A_938, %dma_wait3A_954, %dma_wait3A_955, %dma_wait3A_956] : memref<3x2x8x8x129xf32, #tpu.memory_space<vmem>> -> memref<1x1x8x8x128xf32, #tpu.memory_space<vmem>>
          %dma_wait3A_958 = tpu.memref_squeeze %dma_wait3A_957 : memref<1x1x8x8x128xf32, #tpu.memory_space<vmem>> -> memref<8x8x128xf32, #tpu.memory_space<vmem>>
          tpu.wait_dma2 semaphore(%arg15 : memref<!tpu.dma_semaphore, #tpu.memory_space<semaphore_mem>>) src(%dma_wait3A_958 : memref<8x8x128xf32, #tpu.memory_space<vmem>>) dst(%dma_wait3A_953 : memref<8x8x128xf32, #tpu.memory_space<hbm>>)
        } else {
        }
        %dma_wait3A_665 = arith.constant 1 : i32
        %dma_wait3A_666 = arith.constant 1 : i32
        %dma_wait3A_667 = arith.constant 0 : i32
        %dma_wait3A_668 = arith.constant 0 : i32
        %dma_wait3A_669 = tpu.memref_slice %arg6[%dma_wait3A_666, %dma_wait3A_667, %dma_wait3A_668] : memref<3x256x64xf32, #tpu.memory_space<vmem>> -> memref<1x256x64xf32, #tpu.memory_space<vmem>>
        %dma_wait3A_670 = tpu.memref_squeeze %dma_wait3A_669 : memref<1x256x64xf32, #tpu.memory_space<vmem>> -> memref<256x64xf32, #tpu.memory_space<vmem>>
        %dma_wait3A_671 = arith.constant 0 : i32
        %dma_wait3A_672 = tpu.memref_slice %arg5[%dma_wait3A_665, %dma_wait3A_671] : memref<3x256xi32, #tpu.memory_space<vmem>> -> memref<1x256xi32, #tpu.memory_space<vmem>>
        %dma_wait3A_673 = tpu.memref_squeeze %dma_wait3A_672 : memref<1x256xi32, #tpu.memory_space<vmem>> -> memref<256xi32, #tpu.memory_space<vmem>>
        %dma_wait3A_674 = arith.constant 0 : i32
        %dma_wait3A_675 = arith.constant 0 : i32
        %dma_wait3A_676 = tpu.memref_slice %arg3[%dma_wait3A_674, %dma_wait3A_675] : memref<1000000x64xf32, #tpu.memory_space<hbm>> -> memref<1000000x64xf32, #tpu.memory_space<hbm>>
        tpu.wait_indirect_dma semaphore(%arg12 : memref<!tpu.dma_semaphore, #tpu.memory_space<semaphore_mem>>) src(%dma_wait3A_676 : memref<1000000x64xf32, #tpu.memory_space<hbm>>) dst(%dma_wait3A_670 : memref<256x64xf32, #tpu.memory_space<vmem>>)
        %parallel_loop3A = arith.constant 0 : i32
        %parallel_loop3A_677 = arith.constant 256 : i32
        %parallel_loop3A_678 = arith.constant 1 : i32
        scf.for %parallel_loop3A_817 = %parallel_loop3A to %parallel_loop3A_677 step %parallel_loop3A_678  : i32 {
          %parallel_loop3A_818 = arith.constant 128 : i32
          %parallel_loop3A_819 = arith.divsi %parallel_loop3A_817, %parallel_loop3A_818 : i32
          %parallel_loop3A_820 = arith.constant 0 : i32
          %parallel_loop3A_821 = arith.cmpi sgt, %parallel_loop3A_817, %parallel_loop3A_820 : i32
          %parallel_loop3A_822 = arith.extui %parallel_loop3A_821 : i1 to i32
          %parallel_loop3A_823 = arith.constant 0 : i32
          %parallel_loop3A_824 = arith.cmpi slt, %parallel_loop3A_817, %parallel_loop3A_823 : i32
          %parallel_loop3A_825 = arith.extui %parallel_loop3A_824 : i1 to i32
          %parallel_loop3A_826 = arith.subi %parallel_loop3A_822, %parallel_loop3A_825 : i32
          %parallel_loop3A_827 = arith.constant 0 : i32
          %parallel_loop3A_828 = arith.cmpi sgt, %parallel_loop3A_818, %parallel_loop3A_827 : i32
          %parallel_loop3A_829 = arith.extui %parallel_loop3A_828 : i1 to i32
          %parallel_loop3A_830 = arith.constant 0 : i32
          %parallel_loop3A_831 = arith.cmpi slt, %parallel_loop3A_818, %parallel_loop3A_830 : i32
          %parallel_loop3A_832 = arith.extui %parallel_loop3A_831 : i1 to i32
          %parallel_loop3A_833 = arith.subi %parallel_loop3A_829, %parallel_loop3A_832 : i32
          %parallel_loop3A_834 = arith.cmpi ne, %parallel_loop3A_826, %parallel_loop3A_833 : i32
          %parallel_loop3A_835 = arith.remsi %parallel_loop3A_817, %parallel_loop3A_818 : i32
          %parallel_loop3A_836 = arith.constant 0 : i32
          %parallel_loop3A_837 = arith.cmpi ne, %parallel_loop3A_835, %parallel_loop3A_836 : i32
          %parallel_loop3A_838 = arith.andi %parallel_loop3A_834, %parallel_loop3A_837 : i1
          %parallel_loop3A_839 = arith.constant 1 : i32
          %parallel_loop3A_840 = arith.subi %parallel_loop3A_819, %parallel_loop3A_839 : i32
          %parallel_loop3A_841 = arith.select %parallel_loop3A_838, %parallel_loop3A_840, %parallel_loop3A_819 : i32
          %parallel_loop3A_842 = vector.broadcast %parallel_loop3A_841 : i32 to vector<16xi32>
          %parallel_loop3A_843 = arith.constant 128 : i32
          %parallel_loop3A_844 = arith.constant 0 : i32
          %parallel_loop3A_845 = arith.cmpi eq, %parallel_loop3A_843, %parallel_loop3A_844 : i32
          %parallel_loop3A_846 = arith.constant 1 : i32
          %parallel_loop3A_847 = arith.select %parallel_loop3A_845, %parallel_loop3A_846, %parallel_loop3A_843 : i32
          %parallel_loop3A_848 = arith.remsi %parallel_loop3A_817, %parallel_loop3A_847 : i32
          %parallel_loop3A_849 = arith.constant 0 : i32
          %parallel_loop3A_850 = arith.cmpi ne, %parallel_loop3A_848, %parallel_loop3A_849 : i32
          %parallel_loop3A_851 = arith.constant 0 : i32
          %parallel_loop3A_852 = arith.cmpi slt, %parallel_loop3A_848, %parallel_loop3A_851 : i32
          %parallel_loop3A_853 = arith.constant 0 : i32
          %parallel_loop3A_854 = arith.cmpi slt, %parallel_loop3A_847, %parallel_loop3A_853 : i32
          %parallel_loop3A_855 = arith.xori %parallel_loop3A_852, %parallel_loop3A_854 : i1
          %parallel_loop3A_856 = arith.andi %parallel_loop3A_855, %parallel_loop3A_850 : i1
          %parallel_loop3A_857 = arith.addi %parallel_loop3A_848, %parallel_loop3A_847 : i32
          %parallel_loop3A_858 = arith.select %parallel_loop3A_856, %parallel_loop3A_857, %parallel_loop3A_848 : i32
          %parallel_loop3A_859 = vector.broadcast %parallel_loop3A_858 : i32 to vector<16xi32>
          %parallel_loop3A_860 = arith.constant 1 : i32
          %parallel_loop3A_861 = arith.index_cast %parallel_loop3A_860 : i32 to index
          %parallel_loop3A_862 = arith.index_cast %parallel_loop3A_817 : i32 to index
          %parallel_loop3A_863 = arith.constant 0 : index
          %parallel_loop3A_864 = tpu.vector_load %arg6[%parallel_loop3A_861, %parallel_loop3A_862, %parallel_loop3A_863] {strides = array<i32>} : memref<3x256x64xf32, #tpu.memory_space<vmem>>, vector<16xf32>,
          %parallel_loop3A_865 = arith.constant 8.000000e+00 : f32
          %parallel_loop3A_866 = vector.broadcast %parallel_loop3A_865 : f32 to vector<16xf32>
          %parallel_loop3A_867 = arith.mulf %parallel_loop3A_864, %parallel_loop3A_866 : vector<16xf32>
          %parallel_loop3A_868 = arith.constant 1 : i32
          %parallel_loop3A_869 = arith.constant 0 : i32
          %parallel_loop3A_870 = arith.constant 0 : i32
          %parallel_loop3A_871 = arith.constant 0 : i32
          %parallel_loop3A_872 = arith.constant 0 : i32
          %parallel_loop3A_873 = tpu.memref_slice %arg7[%parallel_loop3A_868, %parallel_loop3A_869, %parallel_loop3A_870, %parallel_loop3A_871, %parallel_loop3A_872] : memref<3x2x8x8x129xf32, #tpu.memory_space<vmem>> -> memref<1x2x8x8x129xf32, #tpu.memory_space<vmem>>
          %parallel_loop3A_874 = tpu.memref_squeeze %parallel_loop3A_873 : memref<1x2x8x8x129xf32, #tpu.memory_space<vmem>> -> memref<2x8x8x129xf32, #tpu.memory_space<vmem>>
          tpu.vector_store_idx %parallel_loop3A_874[%parallel_loop3A_842, %shift_right_logical3A_5, %and3A, %parallel_loop3A_859], %parallel_loop3A_867 : memref<2x8x8x129xf32, #tpu.memory_space<vmem>>[vector<16xi32>, vector<16xi32>, vector<16xi32>, vector<16xi32>], vector<16xf32>,
          %parallel_loop3A_875 = arith.constant 1 : i32
          %parallel_loop3A_876 = arith.index_cast %parallel_loop3A_875 : i32 to index
          %parallel_loop3A_877 = arith.index_cast %parallel_loop3A_817 : i32 to index
          %parallel_loop3A_878 = arith.constant 16 : index
          %parallel_loop3A_879 = tpu.vector_load %arg6[%parallel_loop3A_876, %parallel_loop3A_877, %parallel_loop3A_878] {strides = array<i32>} : memref<3x256x64xf32, #tpu.memory_space<vmem>>, vector<16xf32>,
          %parallel_loop3A_880 = arith.constant 8.000000e+00 : f32
          %parallel_loop3A_881 = vector.broadcast %parallel_loop3A_880 : f32 to vector<16xf32>
          %parallel_loop3A_882 = arith.mulf %parallel_loop3A_879, %parallel_loop3A_881 : vector<16xf32>
          %parallel_loop3A_883 = arith.constant 1 : i32
          %parallel_loop3A_884 = arith.constant 0 : i32
          %parallel_loop3A_885 = arith.constant 0 : i32
          %parallel_loop3A_886 = arith.constant 0 : i32
          %parallel_loop3A_887 = arith.constant 0 : i32
          %parallel_loop3A_888 = tpu.memref_slice %arg7[%parallel_loop3A_883, %parallel_loop3A_884, %parallel_loop3A_885, %parallel_loop3A_886, %parallel_loop3A_887] : memref<3x2x8x8x129xf32, #tpu.memory_space<vmem>> -> memref<1x2x8x8x129xf32, #tpu.memory_space<vmem>>
          %parallel_loop3A_889 = tpu.memref_squeeze %parallel_loop3A_888 : memref<1x2x8x8x129xf32, #tpu.memory_space<vmem>> -> memref<2x8x8x129xf32, #tpu.memory_space<vmem>>
          tpu.vector_store_idx %parallel_loop3A_889[%parallel_loop3A_842, %shift_right_logical3A_11, %and3A_33, %parallel_loop3A_859], %parallel_loop3A_882 : memref<2x8x8x129xf32, #tpu.memory_space<vmem>>[vector<16xi32>, vector<16xi32>, vector<16xi32>, vector<16xi32>], vector<16xf32>,
          %parallel_loop3A_890 = arith.constant 1 : i32
          %parallel_loop3A_891 = arith.index_cast %parallel_loop3A_890 : i32 to index
          %parallel_loop3A_892 = arith.index_cast %parallel_loop3A_817 : i32 to index
          %parallel_loop3A_893 = arith.constant 32 : index
          %parallel_loop3A_894 = tpu.vector_load %arg6[%parallel_loop3A_891, %parallel_loop3A_892, %parallel_loop3A_893] {strides = array<i32>} : memref<3x256x64xf32, #tpu.memory_space<vmem>>, vector<16xf32>,
          %parallel_loop3A_895 = arith.constant 8.000000e+00 : f32
          %parallel_loop3A_896 = vector.broadcast %parallel_loop3A_895 : f32 to vector<16xf32>
          %parallel_loop3A_897 = arith.mulf %parallel_loop3A_894, %parallel_loop3A_896 : vector<16xf32>
          %parallel_loop3A_898 = arith.constant 1 : i32
          %parallel_loop3A_899 = arith.constant 0 : i32
          %parallel_loop3A_900 = arith.constant 0 : i32
          %parallel_loop3A_901 = arith.constant 0 : i32
          %parallel_loop3A_902 = arith.constant 0 : i32
          %parallel_loop3A_903 = tpu.memref_slice %arg7[%parallel_loop3A_898, %parallel_loop3A_899, %parallel_loop3A_900, %parallel_loop3A_901, %parallel_loop3A_902] : memref<3x2x8x8x129xf32, #tpu.memory_space<vmem>> -> memref<1x2x8x8x129xf32, #tpu.memory_space<vmem>>
          %parallel_loop3A_904 = tpu.memref_squeeze %parallel_loop3A_903 : memref<1x2x8x8x129xf32, #tpu.memory_space<vmem>> -> memref<2x8x8x129xf32, #tpu.memory_space<vmem>>
          tpu.vector_store_idx %parallel_loop3A_904[%parallel_loop3A_842, %shift_right_logical3A_17, %and3A_39, %parallel_loop3A_859], %parallel_loop3A_897 : memref<2x8x8x129xf32, #tpu.memory_space<vmem>>[vector<16xi32>, vector<16xi32>, vector<16xi32>, vector<16xi32>], vector<16xf32>,
          %parallel_loop3A_905 = arith.constant 1 : i32
          %parallel_loop3A_906 = arith.index_cast %parallel_loop3A_905 : i32 to index
          %parallel_loop3A_907 = arith.index_cast %parallel_loop3A_817 : i32 to index
          %parallel_loop3A_908 = arith.constant 48 : index
          %parallel_loop3A_909 = tpu.vector_load %arg6[%parallel_loop3A_906, %parallel_loop3A_907, %parallel_loop3A_908] {strides = array<i32>} : memref<3x256x64xf32, #tpu.memory_space<vmem>>, vector<16xf32>,
          %parallel_loop3A_910 = arith.constant 8.000000e+00 : f32
          %parallel_loop3A_911 = vector.broadcast %parallel_loop3A_910 : f32 to vector<16xf32>
          %parallel_loop3A_912 = arith.mulf %parallel_loop3A_909, %parallel_loop3A_911 : vector<16xf32>
          %parallel_loop3A_913 = arith.constant 1 : i32
          %parallel_loop3A_914 = arith.constant 0 : i32
          %parallel_loop3A_915 = arith.constant 0 : i32
          %parallel_loop3A_916 = arith.constant 0 : i32
          %parallel_loop3A_917 = arith.constant 0 : i32
          %parallel_loop3A_918 = tpu.memref_slice %arg7[%parallel_loop3A_913, %parallel_loop3A_914, %parallel_loop3A_915, %parallel_loop3A_916, %parallel_loop3A_917] : memref<3x2x8x8x129xf32, #tpu.memory_space<vmem>> -> memref<1x2x8x8x129xf32, #tpu.memory_space<vmem>>
          %parallel_loop3A_919 = tpu.memref_squeeze %parallel_loop3A_918 : memref<1x2x8x8x129xf32, #tpu.memory_space<vmem>> -> memref<2x8x8x129xf32, #tpu.memory_space<vmem>>
          tpu.vector_store_idx %parallel_loop3A_919[%parallel_loop3A_842, %shift_right_logical3A_23, %and3A_45, %parallel_loop3A_859], %parallel_loop3A_912 : memref<2x8x8x129xf32, #tpu.memory_space<vmem>>[vector<16xi32>, vector<16xi32>, vector<16xi32>, vector<16xi32>], vector<16xf32>,
        } {sc.loop_unroll_factor = 8 : i64, sc.parallel_access}
        %mul3A_679 = arith.constant 32 : i32
        %mul3A_680 = arith.muli %scan3A_631, %mul3A_679 : i32
        %add3A_681 = arith.addi %mul3A_680, %add3A : i32
        %jit3A_682 = arith.constant 64 : i32
        %div3A_683 = arith.divsi %add3A_681, %jit3A_682 : i32
        %sign3A_684 = arith.constant 0 : i32
        %sign3A_685 = arith.cmpi sgt, %add3A_681, %sign3A_684 : i32
        %sign3A_686 = arith.extui %sign3A_685 : i1 to i32
        %sign3A_687 = arith.constant 0 : i32
        %sign3A_688 = arith.cmpi slt, %add3A_681, %sign3A_687 : i32
        %sign3A_689 = arith.extui %sign3A_688 : i1 to i32
        %sign3A_690 = arith.subi %sign3A_686, %sign3A_689 : i32
        %sign3A_691 = arith.constant 0 : i32
        %sign3A_692 = arith.cmpi sgt, %jit3A_682, %sign3A_691 : i32
        %sign3A_693 = arith.extui %sign3A_692 : i1 to i32
        %sign3A_694 = arith.constant 0 : i32
        %sign3A_695 = arith.cmpi slt, %jit3A_682, %sign3A_694 : i32
        %sign3A_696 = arith.extui %sign3A_695 : i1 to i32
        %sign3A_697 = arith.subi %sign3A_693, %sign3A_696 : i32
        %ne3A_698 = arith.cmpi ne, %sign3A_690, %sign3A_697 : i32
        %rem3A_699 = arith.remsi %add3A_681, %jit3A_682 : i32
        %ne3A_700 = arith.constant 0 : i32
        %ne3A_701 = arith.cmpi ne, %rem3A_699, %ne3A_700 : i32
        %and3A_702 = arith.andi %ne3A_698, %ne3A_701 : i1
        %sub3A_703 = arith.constant 1 : i32
        %sub3A_704 = arith.subi %div3A_683, %sub3A_703 : i32
        %select_n3A_705 = arith.select %and3A_702, %sub3A_704, %div3A_683 : i32
        %jit3A_706 = arith.constant 64 : i32
        %eq3A_707 = arith.constant 0 : i32
        %eq3A_708 = arith.cmpi eq, %jit3A_706, %eq3A_707 : i32
        %jit3A_709 = arith.constant 1 : i32
        %select_n3A_710 = arith.select %eq3A_708, %jit3A_709, %jit3A_706 : i32
        %rem3A_711 = arith.remsi %add3A_681, %select_n3A_710 : i32
        %ne3A_712 = arith.constant 0 : i32
        %ne3A_713 = arith.cmpi ne, %rem3A_711, %ne3A_712 : i32
        %lt3A_714 = arith.constant 0 : i32
        %lt3A_715 = arith.cmpi slt, %rem3A_711, %lt3A_714 : i32
        %lt3A_716 = arith.constant 0 : i32
        %lt3A_717 = arith.cmpi slt, %select_n3A_710, %lt3A_716 : i32
        %ne3A_718 = arith.xori %lt3A_715, %lt3A_717 : i1
        %and3A_719 = arith.andi %ne3A_718, %ne3A_713 : i1
        %add3A_720 = arith.addi %rem3A_711, %select_n3A_710 : i32
        %select_n3A_721 = arith.select %and3A_719, %add3A_720, %rem3A_711 : i32
        %mul3A_722 = arith.constant 2 : i32
        %mul3A_723 = arith.muli %select_n3A_721, %mul3A_722 : i32
        %add3A_724 = arith.constant 0 : i32
        %add3A_725 = arith.addi %mul3A_723, %add3A_724 : i32
        %dma_start3A_726 = arith.constant 1 : i32
        %dma_start3A_727 = arith.constant 0 : i32
        %dma_start3A_728 = arith.constant 0 : i32
        %dma_start3A_729 = arith.constant 0 : i32
        %dma_start3A_730 = arith.constant 0 : i32
        %dma_start3A_731 = tpu.memref_slice %arg7[%dma_start3A_726, %dma_start3A_727, %dma_start3A_728, %dma_start3A_729, %dma_start3A_730] : memref<3x2x8x8x129xf32, #tpu.memory_space<vmem>> -> memref<1x1x8x8x128xf32, #tpu.memory_space<vmem>>
        %dma_start3A_732 = tpu.memref_squeeze %dma_start3A_731 : memref<1x1x8x8x128xf32, #tpu.memory_space<vmem>> -> memref<8x8x128xf32, #tpu.memory_space<vmem>>
        %dma_start3A_733 = arith.constant 0 : i32
        %dma_start3A_734 = arith.constant 0 : i32
        %dma_start3A_735 = arith.constant 0 : i32
        %dma_start3A_736 = tpu.memref_slice %arg4[%select_n3A_705, %dma_start3A_733, %add3A_725, %dma_start3A_734, %dma_start3A_735] : memref<50x8x128x8x128xf32, #tpu.memory_space<hbm>> -> memref<1x8x1x8x128xf32, #tpu.memory_space<hbm>>
        %dma_start3A_737 = tpu.memref_squeeze %dma_start3A_736 : memref<1x8x1x8x128xf32, #tpu.memory_space<hbm>> -> memref<8x8x128xf32, #tpu.memory_space<hbm>>
        %dma_start3A_738 = arith.constant 0 : i32
        %dma_start3A_739 = arith.constant 0 : i32
        %dma_start3A_740 = arith.constant 0 : i32
        %dma_start3A_741 = tpu.memref_slice %arg4[%select_n3A_705, %dma_start3A_738, %add3A_725, %dma_start3A_739, %dma_start3A_740] : memref<50x8x128x8x128xf32, #tpu.memory_space<hbm>> -> memref<1x8x1x8x128xf32, #tpu.memory_space<hbm>>
        %dma_start3A_742 = tpu.memref_squeeze %dma_start3A_741 : memref<1x8x1x8x128xf32, #tpu.memory_space<hbm>> -> memref<8x8x128xf32, #tpu.memory_space<hbm>>
        %dma_start3A_743 = arith.constant 0 : i32
        %dma_start3A_744 = arith.constant 0 : i32
        %dma_start3A_745 = arith.constant 0 : i32
        %dma_start3A_746 = tpu.memref_slice %arg7[%dma_start3A_726, %dma_start3A_727, %dma_start3A_743, %dma_start3A_744, %dma_start3A_745] : memref<3x2x8x8x129xf32, #tpu.memory_space<vmem>> -> memref<1x1x8x8x128xf32, #tpu.memory_space<vmem>>
        %dma_start3A_747 = tpu.memref_squeeze %dma_start3A_746 : memref<1x1x8x8x128xf32, #tpu.memory_space<vmem>> -> memref<8x8x128xf32, #tpu.memory_space<vmem>>
        tpu.enqueue_dma source(%dma_start3A_747 : memref<8x8x128xf32, #tpu.memory_space<vmem>>) target(%dma_start3A_742 : memref<8x8x128xf32, #tpu.memory_space<hbm>>) target_semaphore(%arg15 : memref<!tpu.dma_semaphore, #tpu.memory_space<semaphore_mem>>)
        %mul3A_748 = arith.constant 32 : i32
        %mul3A_749 = arith.muli %scan3A_631, %mul3A_748 : i32
        %add3A_750 = arith.addi %mul3A_749, %add3A : i32
        %jit3A_751 = arith.constant 64 : i32
        %div3A_752 = arith.divsi %add3A_750, %jit3A_751 : i32
        %sign3A_753 = arith.constant 0 : i32
        %sign3A_754 = arith.cmpi sgt, %add3A_750, %sign3A_753 : i32
        %sign3A_755 = arith.extui %sign3A_754 : i1 to i32
        %sign3A_756 = arith.constant 0 : i32
        %sign3A_757 = arith.cmpi slt, %add3A_750, %sign3A_756 : i32
        %sign3A_758 = arith.extui %sign3A_757 : i1 to i32
        %sign3A_759 = arith.subi %sign3A_755, %sign3A_758 : i32
        %sign3A_760 = arith.constant 0 : i32
        %sign3A_761 = arith.cmpi sgt, %jit3A_751, %sign3A_760 : i32
        %sign3A_762 = arith.extui %sign3A_761 : i1 to i32
        %sign3A_763 = arith.constant 0 : i32
        %sign3A_764 = arith.cmpi slt, %jit3A_751, %sign3A_763 : i32
        %sign3A_765 = arith.extui %sign3A_764 : i1 to i32
        %sign3A_766 = arith.subi %sign3A_762, %sign3A_765 : i32
        %ne3A_767 = arith.cmpi ne, %sign3A_759, %sign3A_766 : i32
        %rem3A_768 = arith.remsi %add3A_750, %jit3A_751 : i32
        %ne3A_769 = arith.constant 0 : i32
        %ne3A_770 = arith.cmpi ne, %rem3A_768, %ne3A_769 : i32
        %and3A_771 = arith.andi %ne3A_767, %ne3A_770 : i1
        %sub3A_772 = arith.constant 1 : i32
        %sub3A_773 = arith.subi %div3A_752, %sub3A_772 : i32
        %select_n3A_774 = arith.select %and3A_771, %sub3A_773, %div3A_752 : i32
        %jit3A_775 = arith.constant 64 : i32
        %eq3A_776 = arith.constant 0 : i32
        %eq3A_777 = arith.cmpi eq, %jit3A_775, %eq3A_776 : i32
        %jit3A_778 = arith.constant 1 : i32
        %select_n3A_779 = arith.select %eq3A_777, %jit3A_778, %jit3A_775 : i32
        %rem3A_780 = arith.remsi %add3A_750, %select_n3A_779 : i32
        %ne3A_781 = arith.constant 0 : i32
        %ne3A_782 = arith.cmpi ne, %rem3A_780, %ne3A_781 : i32
        %lt3A_783 = arith.constant 0 : i32
        %lt3A_784 = arith.cmpi slt, %rem3A_780, %lt3A_783 : i32
        %lt3A_785 = arith.constant 0 : i32
        %lt3A_786 = arith.cmpi slt, %select_n3A_779, %lt3A_785 : i32
        %ne3A_787 = arith.xori %lt3A_784, %lt3A_786 : i1
        %and3A_788 = arith.andi %ne3A_787, %ne3A_782 : i1
        %add3A_789 = arith.addi %rem3A_780, %select_n3A_779 : i32
        %select_n3A_790 = arith.select %and3A_788, %add3A_789, %rem3A_780 : i32
        %mul3A_791 = arith.constant 2 : i32
        %mul3A_792 = arith.muli %select_n3A_790, %mul3A_791 : i32
        %add3A_793 = arith.constant 1 : i32
        %add3A_794 = arith.addi %mul3A_792, %add3A_793 : i32
        %dma_start3A_795 = arith.constant 1 : i32
        %dma_start3A_796 = arith.constant 1 : i32
        %dma_start3A_797 = arith.constant 0 : i32
        %dma_start3A_798 = arith.constant 0 : i32
        %dma_start3A_799 = arith.constant 0 : i32
        %dma_start3A_800 = tpu.memref_slice %arg7[%dma_start3A_795, %dma_start3A_796, %dma_start3A_797, %dma_start3A_798, %dma_start3A_799] : memref<3x2x8x8x129xf32, #tpu.memory_space<vmem>> -> memref<1x1x8x8x128xf32, #tpu.memory_space<vmem>>
        %dma_start3A_801 = tpu.memref_squeeze %dma_start3A_800 : memref<1x1x8x8x128xf32, #tpu.memory_space<vmem>> -> memref<8x8x128xf32, #tpu.memory_space<vmem>>
        %dma_start3A_802 = arith.constant 0 : i32
        %dma_start3A_803 = arith.constant 0 : i32
        %dma_start3A_804 = arith.constant 0 : i32
        %dma_start3A_805 = tpu.memref_slice %arg4[%select_n3A_774, %dma_start3A_802, %add3A_794, %dma_start3A_803, %dma_start3A_804] : memref<50x8x128x8x128xf32, #tpu.memory_space<hbm>> -> memref<1x8x1x8x128xf32, #tpu.memory_space<hbm>>
        %dma_start3A_806 = tpu.memref_squeeze %dma_start3A_805 : memref<1x8x1x8x128xf32, #tpu.memory_space<hbm>> -> memref<8x8x128xf32, #tpu.memory_space<hbm>>
        %dma_start3A_807 = arith.constant 0 : i32
        %dma_start3A_808 = arith.constant 0 : i32
        %dma_start3A_809 = arith.constant 0 : i32
        %dma_start3A_810 = tpu.memref_slice %arg4[%select_n3A_774, %dma_start3A_807, %add3A_794, %dma_start3A_808, %dma_start3A_809] : memref<50x8x128x8x128xf32, #tpu.memory_space<hbm>> -> memref<1x8x1x8x128xf32, #tpu.memory_space<hbm>>
        %dma_start3A_811 = tpu.memref_squeeze %dma_start3A_810 : memref<1x8x1x8x128xf32, #tpu.memory_space<hbm>> -> memref<8x8x128xf32, #tpu.memory_space<hbm>>
        %dma_start3A_812 = arith.constant 0 : i32
        %dma_start3A_813 = arith.constant 0 : i32
        %dma_start3A_814 = arith.constant 0 : i32
        %dma_start3A_815 = tpu.memref_slice %arg7[%dma_start3A_795, %dma_start3A_796, %dma_start3A_812, %dma_start3A_813, %dma_start3A_814] : memref<3x2x8x8x129xf32, #tpu.memory_space<vmem>> -> memref<1x1x8x8x128xf32, #tpu.memory_space<vmem>>
        %dma_start3A_816 = tpu.memref_squeeze %dma_start3A_815 : memref<1x1x8x8x128xf32, #tpu.memory_space<vmem>> -> memref<8x8x128xf32, #tpu.memory_space<vmem>>
        tpu.enqueue_dma source(%dma_start3A_816 : memref<8x8x128xf32, #tpu.memory_space<vmem>>) target(%dma_start3A_811 : memref<8x8x128xf32, #tpu.memory_space<hbm>>) target_semaphore(%arg15 : memref<!tpu.dma_semaphore, #tpu.memory_space<semaphore_mem>>)
      } else {
      }
      %eq3A_642 = arith.constant 2 : i32
      %eq3A_643 = arith.cmpi eq, %rem3A_633, %eq3A_642 : i32
      %convert_element_type3A_644 = arith.extui %eq3A_643 : i1 to i32
      %cond3A_645 = arith.constant 0 : i32
      %cond3A_646 = arith.cmpi ne, %convert_element_type3A_644, %cond3A_645 : i32
      scf.if %cond3A_646 {
        %add3A_647 = arith.constant 2 : i32
        %add3A_648 = arith.addi %scan3A_631, %add3A_647 : i32
        %lt3A_649 = arith.constant 100 : i32
        %lt3A_650 = arith.cmpi slt, %add3A_648, %lt3A_649 : i32
        %convert_element_type3A_651 = arith.extui %lt3A_650 : i1 to i32
        %cond3A_652 = arith.constant 0 : i32
        %cond3A_653 = arith.cmpi ne, %convert_element_type3A_651, %cond3A_652 : i32
        scf.if %cond3A_653 {
          %add3A_817 = arith.constant 2 : i32
          %add3A_818 = arith.addi %scan3A_631, %add3A_817 : i32
          %mul3A_819 = arith.constant 32 : i32
          %mul3A_820 = arith.muli %add3A_818, %mul3A_819 : i32
          %add3A_821 = arith.addi %mul3A_820, %add3A : i32
          %jit3A_822 = arith.constant 64 : i32
          %div3A_823 = arith.divsi %add3A_821, %jit3A_822 : i32
          %sign3A_824 = arith.constant 0 : i32
          %sign3A_825 = arith.cmpi sgt, %add3A_821, %sign3A_824 : i32
          %sign3A_826 = arith.extui %sign3A_825 : i1 to i32
          %sign3A_827 = arith.constant 0 : i32
          %sign3A_828 = arith.cmpi slt, %add3A_821, %sign3A_827 : i32
          %sign3A_829 = arith.extui %sign3A_828 : i1 to i32
          %sign3A_830 = arith.subi %sign3A_826, %sign3A_829 : i32
          %sign3A_831 = arith.constant 0 : i32
          %sign3A_832 = arith.cmpi sgt, %jit3A_822, %sign3A_831 : i32
          %sign3A_833 = arith.extui %sign3A_832 : i1 to i32
          %sign3A_834 = arith.constant 0 : i32
          %sign3A_835 = arith.cmpi slt, %jit3A_822, %sign3A_834 : i32
          %sign3A_836 = arith.extui %sign3A_835 : i1 to i32
          %sign3A_837 = arith.subi %sign3A_833, %sign3A_836 : i32
          %ne3A_838 = arith.cmpi ne, %sign3A_830, %sign3A_837 : i32
          %rem3A_839 = arith.remsi %add3A_821, %jit3A_822 : i32
          %ne3A_840 = arith.constant 0 : i32
          %ne3A_841 = arith.cmpi ne, %rem3A_839, %ne3A_840 : i32
          %and3A_842 = arith.andi %ne3A_838, %ne3A_841 : i1
          %sub3A_843 = arith.constant 1 : i32
          %sub3A_844 = arith.subi %div3A_823, %sub3A_843 : i32
          %select_n3A_845 = arith.select %and3A_842, %sub3A_844, %div3A_823 : i32
          %jit3A_846 = arith.constant 64 : i32
          %eq3A_847 = arith.constant 0 : i32
          %eq3A_848 = arith.cmpi eq, %jit3A_846, %eq3A_847 : i32
          %jit3A_849 = arith.constant 1 : i32
          %select_n3A_850 = arith.select %eq3A_848, %jit3A_849, %jit3A_846 : i32
          %rem3A_851 = arith.remsi %add3A_821, %select_n3A_850 : i32
          %ne3A_852 = arith.constant 0 : i32
          %ne3A_853 = arith.cmpi ne, %rem3A_851, %ne3A_852 : i32
          %lt3A_854 = arith.constant 0 : i32
          %lt3A_855 = arith.cmpi slt, %rem3A_851, %lt3A_854 : i32
          %lt3A_856 = arith.constant 0 : i32
          %lt3A_857 = arith.cmpi slt, %select_n3A_850, %lt3A_856 : i32
          %ne3A_858 = arith.xori %lt3A_855, %lt3A_857 : i1
          %and3A_859 = arith.andi %ne3A_858, %ne3A_853 : i1
          %add3A_860 = arith.addi %rem3A_851, %select_n3A_850 : i32
          %select_n3A_861 = arith.select %and3A_859, %add3A_860, %rem3A_851 : i32
          %mul3A_862 = arith.constant 2 : i32
          %mul3A_863 = arith.muli %select_n3A_861, %mul3A_862 : i32
          %mul3A_864 = arith.constant 128 : i32
          %mul3A_865 = arith.muli %mul3A_863, %mul3A_864 : i32
          %dma_start3A_866 = arith.constant 1 : i32
          %dma_start3A_867 = arith.constant 0 : i32
          %dma_start3A_868 = tpu.memref_slice %arg5[%dma_start3A_866, %dma_start3A_867] : memref<3x256xi32, #tpu.memory_space<vmem>> -> memref<1x256xi32, #tpu.memory_space<vmem>>
          %dma_start3A_869 = tpu.memref_squeeze %dma_start3A_868 : memref<1x256xi32, #tpu.memory_space<vmem>> -> memref<256xi32, #tpu.memory_space<vmem>>
          %dma_start3A_870 = tpu.memref_slice %arg2[%select_n3A_845, %mul3A_865] : memref<50x16384xi32, #tpu.memory_space<hbm>> -> memref<1x256xi32, #tpu.memory_space<hbm>>
          %dma_start3A_871 = tpu.memref_squeeze %dma_start3A_870 : memref<1x256xi32, #tpu.memory_space<hbm>> -> memref<256xi32, #tpu.memory_space<hbm>>
          %dma_start3A_872 = arith.constant 0 : i32
          %dma_start3A_873 = tpu.memref_slice %arg5[%dma_start3A_866, %dma_start3A_872] : memref<3x256xi32, #tpu.memory_space<vmem>> -> memref<1x256xi32, #tpu.memory_space<vmem>>
          %dma_start3A_874 = tpu.memref_squeeze %dma_start3A_873 : memref<1x256xi32, #tpu.memory_space<vmem>> -> memref<256xi32, #tpu.memory_space<vmem>>
          %dma_start3A_875 = tpu.memref_slice %arg2[%select_n3A_845, %mul3A_865] : memref<50x16384xi32, #tpu.memory_space<hbm>> -> memref<1x256xi32, #tpu.memory_space<hbm>>
          %dma_start3A_876 = tpu.memref_squeeze %dma_start3A_875 : memref<1x256xi32, #tpu.memory_space<hbm>> -> memref<256xi32, #tpu.memory_space<hbm>>
          tpu.enqueue_dma source(%dma_start3A_876 : memref<256xi32, #tpu.memory_space<hbm>>) target(%dma_start3A_874 : memref<256xi32, #tpu.memory_space<vmem>>) target_semaphore(%arg9 : memref<!tpu.dma_semaphore, #tpu.memory_space<semaphore_mem>>)
        } else {
        }
        %add3A_654 = arith.constant 1 : i32
        %add3A_655 = arith.addi %scan3A_631, %add3A_654 : i32
        %lt3A_656 = arith.constant 100 : i32
        %lt3A_657 = arith.cmpi slt, %add3A_655, %lt3A_656 : i32
        %convert_element_type3A_658 = arith.extui %lt3A_657 : i1 to i32
        %cond3A_659 = arith.constant 0 : i32
        %cond3A_660 = arith.cmpi ne, %convert_element_type3A_658, %cond3A_659 : i32
        scf.if %cond3A_660 {
          %add3A_817 = arith.constant 1 : i32
          %add3A_818 = arith.addi %scan3A_631, %add3A_817 : i32
          %mul3A_819 = arith.constant 32 : i32
          %mul3A_820 = arith.muli %add3A_818, %mul3A_819 : i32
          %add3A_821 = arith.addi %mul3A_820, %add3A : i32
          %jit3A_822 = arith.constant 64 : i32
          %div3A_823 = arith.divsi %add3A_821, %jit3A_822 : i32
          %sign3A_824 = arith.constant 0 : i32
          %sign3A_825 = arith.cmpi sgt, %add3A_821, %sign3A_824 : i32
          %sign3A_826 = arith.extui %sign3A_825 : i1 to i32
          %sign3A_827 = arith.constant 0 : i32
          %sign3A_828 = arith.cmpi slt, %add3A_821, %sign3A_827 : i32
          %sign3A_829 = arith.extui %sign3A_828 : i1 to i32
          %sign3A_830 = arith.subi %sign3A_826, %sign3A_829 : i32
          %sign3A_831 = arith.constant 0 : i32
          %sign3A_832 = arith.cmpi sgt, %jit3A_822, %sign3A_831 : i32
          %sign3A_833 = arith.extui %sign3A_832 : i1 to i32
          %sign3A_834 = arith.constant 0 : i32
          %sign3A_835 = arith.cmpi slt, %jit3A_822, %sign3A_834 : i32
          %sign3A_836 = arith.extui %sign3A_835 : i1 to i32
          %sign3A_837 = arith.subi %sign3A_833, %sign3A_836 : i32
          %ne3A_838 = arith.cmpi ne, %sign3A_830, %sign3A_837 : i32
          %rem3A_839 = arith.remsi %add3A_821, %jit3A_822 : i32
          %ne3A_840 = arith.constant 0 : i32
          %ne3A_841 = arith.cmpi ne, %rem3A_839, %ne3A_840 : i32
          %and3A_842 = arith.andi %ne3A_838, %ne3A_841 : i1
          %sub3A_843 = arith.constant 1 : i32
          %sub3A_844 = arith.subi %div3A_823, %sub3A_843 : i32
          %select_n3A_845 = arith.select %and3A_842, %sub3A_844, %div3A_823 : i32
          %jit3A_846 = arith.constant 64 : i32
          %eq3A_847 = arith.constant 0 : i32
          %eq3A_848 = arith.cmpi eq, %jit3A_846, %eq3A_847 : i32
          %jit3A_849 = arith.constant 1 : i32
          %select_n3A_850 = arith.select %eq3A_848, %jit3A_849, %jit3A_846 : i32
          %rem3A_851 = arith.remsi %add3A_821, %select_n3A_850 : i32
          %ne3A_852 = arith.constant 0 : i32
          %ne3A_853 = arith.cmpi ne, %rem3A_851, %ne3A_852 : i32
          %lt3A_854 = arith.constant 0 : i32
          %lt3A_855 = arith.cmpi slt, %rem3A_851, %lt3A_854 : i32
          %lt3A_856 = arith.constant 0 : i32
          %lt3A_857 = arith.cmpi slt, %select_n3A_850, %lt3A_856 : i32
          %ne3A_858 = arith.xori %lt3A_855, %lt3A_857 : i1
          %and3A_859 = arith.andi %ne3A_858, %ne3A_853 : i1
          %add3A_860 = arith.addi %rem3A_851, %select_n3A_850 : i32
          %select_n3A_861 = arith.select %and3A_859, %add3A_860, %rem3A_851 : i32
          %mul3A_862 = arith.constant 2 : i32
          %mul3A_863 = arith.muli %select_n3A_861, %mul3A_862 : i32
          %mul3A_864 = arith.constant 128 : i32
          %mul3A_865 = arith.muli %mul3A_863, %mul3A_864 : i32
          %dma_wait3A_866 = arith.constant 0 : i32
          %dma_wait3A_867 = arith.constant 0 : i32
          %dma_wait3A_868 = tpu.memref_slice %arg5[%dma_wait3A_866, %dma_wait3A_867] : memref<3x256xi32, #tpu.memory_space<vmem>> -> memref<1x256xi32, #tpu.memory_space<vmem>>
          %dma_wait3A_869 = tpu.memref_squeeze %dma_wait3A_868 : memref<1x256xi32, #tpu.memory_space<vmem>> -> memref<256xi32, #tpu.memory_space<vmem>>
          %dma_wait3A_870 = tpu.memref_slice %arg2[%select_n3A_845, %mul3A_865] : memref<50x16384xi32, #tpu.memory_space<hbm>> -> memref<1x256xi32, #tpu.memory_space<hbm>>
          %dma_wait3A_871 = tpu.memref_squeeze %dma_wait3A_870 : memref<1x256xi32, #tpu.memory_space<hbm>> -> memref<256xi32, #tpu.memory_space<hbm>>
          %dma_wait3A_872 = arith.constant 0 : i32
          %dma_wait3A_873 = tpu.memref_slice %arg5[%dma_wait3A_866, %dma_wait3A_872] : memref<3x256xi32, #tpu.memory_space<vmem>> -> memref<1x256xi32, #tpu.memory_space<vmem>>
          %dma_wait3A_874 = tpu.memref_squeeze %dma_wait3A_873 : memref<1x256xi32, #tpu.memory_space<vmem>> -> memref<256xi32, #tpu.memory_space<vmem>>
          %dma_wait3A_875 = tpu.memref_slice %arg2[%select_n3A_845, %mul3A_865] : memref<50x16384xi32, #tpu.memory_space<hbm>> -> memref<1x256xi32, #tpu.memory_space<hbm>>
          %dma_wait3A_876 = tpu.memref_squeeze %dma_wait3A_875 : memref<1x256xi32, #tpu.memory_space<hbm>> -> memref<256xi32, #tpu.memory_space<hbm>>
          tpu.wait_dma2 semaphore(%arg8 : memref<!tpu.dma_semaphore, #tpu.memory_space<semaphore_mem>>) src(%dma_wait3A_876 : memref<256xi32, #tpu.memory_space<hbm>>) dst(%dma_wait3A_874 : memref<256xi32, #tpu.memory_space<vmem>>)
          %add3A_877 = arith.constant 1 : i32
          %add3A_878 = arith.addi %scan3A_631, %add3A_877 : i32
          %dma_start3A_879 = arith.constant 0 : i32
          %dma_start3A_880 = arith.constant 0 : i32
          %dma_start3A_881 = arith.constant 0 : i32
          %dma_start3A_882 = arith.constant 0 : i32
          %dma_start3A_883 = tpu.memref_slice %arg6[%dma_start3A_880, %dma_start3A_881, %dma_start3A_882] : memref<3x256x64xf32, #tpu.memory_space<vmem>> -> memref<1x256x64xf32, #tpu.memory_space<vmem>>
          %dma_start3A_884 = tpu.memref_squeeze %dma_start3A_883 : memref<1x256x64xf32, #tpu.memory_space<vmem>> -> memref<256x64xf32, #tpu.memory_space<vmem>>
          %dma_start3A_885 = arith.constant 0 : i32
          %dma_start3A_886 = tpu.memref_slice %arg5[%dma_start3A_879, %dma_start3A_885] : memref<3x256xi32, #tpu.memory_space<vmem>> -> memref<1x256xi32, #tpu.memory_space<vmem>>
          %dma_start3A_887 = tpu.memref_squeeze %dma_start3A_886 : memref<1x256xi32, #tpu.memory_space<vmem>> -> memref<256xi32, #tpu.memory_space<vmem>>
          %dma_start3A_888 = arith.constant 0 : i32
          %dma_start3A_889 = arith.constant 0 : i32
          %dma_start3A_890 = tpu.memref_slice %arg3[%dma_start3A_888, %dma_start3A_889] : memref<1000000x64xf32, #tpu.memory_space<hbm>> -> memref<1000000x64xf32, #tpu.memory_space<hbm>>
          tpu.enqueue_indirect_dma source(%dma_start3A_890 : memref<1000000x64xf32, #tpu.memory_space<hbm>>) target(%dma_start3A_884 : memref<256x64xf32, #tpu.memory_space<vmem>>) offsets(%dma_start3A_887 : memref<256xi32, #tpu.memory_space<vmem>>) semaphore(%arg11 : memref<!tpu.dma_semaphore, #tpu.memory_space<semaphore_mem>>)
        } else {
        }
        %ge3A = arith.constant 3 : i32
        %ge3A_661 = arith.cmpi sge, %scan3A_631, %ge3A : i32
        %convert_element_type3A_662 = arith.extui %ge3A_661 : i1 to i32
        %cond3A_663 = arith.constant 0 : i32
        %cond3A_664 = arith.cmpi ne, %convert_element_type3A_662, %cond3A_663 : i32
        scf.if %cond3A_664 {
          %sub3A_817 = arith.constant 3 : i32
          %sub3A_818 = arith.subi %scan3A_631, %sub3A_817 : i32
          %mul3A_819 = arith.constant 32 : i32
          %mul3A_820 = arith.muli %sub3A_818, %mul3A_819 : i32
          %add3A_821 = arith.addi %mul3A_820, %add3A : i32
          %jit3A_822 = arith.constant 64 : i32
          %div3A_823 = arith.divsi %add3A_821, %jit3A_822 : i32
          %sign3A_824 = arith.constant 0 : i32
          %sign3A_825 = arith.cmpi sgt, %add3A_821, %sign3A_824 : i32
          %sign3A_826 = arith.extui %sign3A_825 : i1 to i32
          %sign3A_827 = arith.constant 0 : i32
          %sign3A_828 = arith.cmpi slt, %add3A_821, %sign3A_827 : i32
          %sign3A_829 = arith.extui %sign3A_828 : i1 to i32
          %sign3A_830 = arith.subi %sign3A_826, %sign3A_829 : i32
          %sign3A_831 = arith.constant 0 : i32
          %sign3A_832 = arith.cmpi sgt, %jit3A_822, %sign3A_831 : i32
          %sign3A_833 = arith.extui %sign3A_832 : i1 to i32
          %sign3A_834 = arith.constant 0 : i32
          %sign3A_835 = arith.cmpi slt, %jit3A_822, %sign3A_834 : i32
          %sign3A_836 = arith.extui %sign3A_835 : i1 to i32
          %sign3A_837 = arith.subi %sign3A_833, %sign3A_836 : i32
          %ne3A_838 = arith.cmpi ne, %sign3A_830, %sign3A_837 : i32
          %rem3A_839 = arith.remsi %add3A_821, %jit3A_822 : i32
          %ne3A_840 = arith.constant 0 : i32
          %ne3A_841 = arith.cmpi ne, %rem3A_839, %ne3A_840 : i32
          %and3A_842 = arith.andi %ne3A_838, %ne3A_841 : i1
          %sub3A_843 = arith.constant 1 : i32
          %sub3A_844 = arith.subi %div3A_823, %sub3A_843 : i32
          %select_n3A_845 = arith.select %and3A_842, %sub3A_844, %div3A_823 : i32
          %jit3A_846 = arith.constant 64 : i32
          %eq3A_847 = arith.constant 0 : i32
          %eq3A_848 = arith.cmpi eq, %jit3A_846, %eq3A_847 : i32
          %jit3A_849 = arith.constant 1 : i32
          %select_n3A_850 = arith.select %eq3A_848, %jit3A_849, %jit3A_846 : i32
          %rem3A_851 = arith.remsi %add3A_821, %select_n3A_850 : i32
          %ne3A_852 = arith.constant 0 : i32
          %ne3A_853 = arith.cmpi ne, %rem3A_851, %ne3A_852 : i32
          %lt3A_854 = arith.constant 0 : i32
          %lt3A_855 = arith.cmpi slt, %rem3A_851, %lt3A_854 : i32
          %lt3A_856 = arith.constant 0 : i32
          %lt3A_857 = arith.cmpi slt, %select_n3A_850, %lt3A_856 : i32
          %ne3A_858 = arith.xori %lt3A_855, %lt3A_857 : i1
          %and3A_859 = arith.andi %ne3A_858, %ne3A_853 : i1
          %add3A_860 = arith.addi %rem3A_851, %select_n3A_850 : i32
          %select_n3A_861 = arith.select %and3A_859, %add3A_860, %rem3A_851 : i32
          %mul3A_862 = arith.constant 2 : i32
          %mul3A_863 = arith.muli %select_n3A_861, %mul3A_862 : i32
          %add3A_864 = arith.constant 0 : i32
          %add3A_865 = arith.addi %mul3A_863, %add3A_864 : i32
          %dma_wait3A_866 = arith.constant 2 : i32
          %dma_wait3A_867 = arith.constant 0 : i32
          %dma_wait3A_868 = arith.constant 0 : i32
          %dma_wait3A_869 = arith.constant 0 : i32
          %dma_wait3A_870 = arith.constant 0 : i32
          %dma_wait3A_871 = tpu.memref_slice %arg7[%dma_wait3A_866, %dma_wait3A_867, %dma_wait3A_868, %dma_wait3A_869, %dma_wait3A_870] : memref<3x2x8x8x129xf32, #tpu.memory_space<vmem>> -> memref<1x1x8x8x128xf32, #tpu.memory_space<vmem>>
          %dma_wait3A_872 = tpu.memref_squeeze %dma_wait3A_871 : memref<1x1x8x8x128xf32, #tpu.memory_space<vmem>> -> memref<8x8x128xf32, #tpu.memory_space<vmem>>
          %dma_wait3A_873 = arith.constant 0 : i32
          %dma_wait3A_874 = arith.constant 0 : i32
          %dma_wait3A_875 = arith.constant 0 : i32
          %dma_wait3A_876 = tpu.memref_slice %arg4[%select_n3A_845, %dma_wait3A_873, %add3A_865, %dma_wait3A_874, %dma_wait3A_875] : memref<50x8x128x8x128xf32, #tpu.memory_space<hbm>> -> memref<1x8x1x8x128xf32, #tpu.memory_space<hbm>>
          %dma_wait3A_877 = tpu.memref_squeeze %dma_wait3A_876 : memref<1x8x1x8x128xf32, #tpu.memory_space<hbm>> -> memref<8x8x128xf32, #tpu.memory_space<hbm>>
          %dma_wait3A_878 = arith.constant 0 : i32
          %dma_wait3A_879 = arith.constant 0 : i32
          %dma_wait3A_880 = arith.constant 0 : i32
          %dma_wait3A_881 = tpu.memref_slice %arg4[%select_n3A_845, %dma_wait3A_878, %add3A_865, %dma_wait3A_879, %dma_wait3A_880] : memref<50x8x128x8x128xf32, #tpu.memory_space<hbm>> -> memref<1x8x1x8x128xf32, #tpu.memory_space<hbm>>
          %dma_wait3A_882 = tpu.memref_squeeze %dma_wait3A_881 : memref<1x8x1x8x128xf32, #tpu.memory_space<hbm>> -> memref<8x8x128xf32, #tpu.memory_space<hbm>>
          %dma_wait3A_883 = arith.constant 0 : i32
          %dma_wait3A_884 = arith.constant 0 : i32
          %dma_wait3A_885 = arith.constant 0 : i32
          %dma_wait3A_886 = tpu.memref_slice %arg7[%dma_wait3A_866, %dma_wait3A_867, %dma_wait3A_883, %dma_wait3A_884, %dma_wait3A_885] : memref<3x2x8x8x129xf32, #tpu.memory_space<vmem>> -> memref<1x1x8x8x128xf32, #tpu.memory_space<vmem>>
          %dma_wait3A_887 = tpu.memref_squeeze %dma_wait3A_886 : memref<1x1x8x8x128xf32, #tpu.memory_space<vmem>> -> memref<8x8x128xf32, #tpu.memory_space<vmem>>
          tpu.wait_dma2 semaphore(%arg16 : memref<!tpu.dma_semaphore, #tpu.memory_space<semaphore_mem>>) src(%dma_wait3A_887 : memref<8x8x128xf32, #tpu.memory_space<vmem>>) dst(%dma_wait3A_882 : memref<8x8x128xf32, #tpu.memory_space<hbm>>)
          %sub3A_888 = arith.constant 3 : i32
          %sub3A_889 = arith.subi %scan3A_631, %sub3A_888 : i32
          %mul3A_890 = arith.constant 32 : i32
          %mul3A_891 = arith.muli %sub3A_889, %mul3A_890 : i32
          %add3A_892 = arith.addi %mul3A_891, %add3A : i32
          %jit3A_893 = arith.constant 64 : i32
          %div3A_894 = arith.divsi %add3A_892, %jit3A_893 : i32
          %sign3A_895 = arith.constant 0 : i32
          %sign3A_896 = arith.cmpi sgt, %add3A_892, %sign3A_895 : i32
          %sign3A_897 = arith.extui %sign3A_896 : i1 to i32
          %sign3A_898 = arith.constant 0 : i32
          %sign3A_899 = arith.cmpi slt, %add3A_892, %sign3A_898 : i32
          %sign3A_900 = arith.extui %sign3A_899 : i1 to i32
          %sign3A_901 = arith.subi %sign3A_897, %sign3A_900 : i32
          %sign3A_902 = arith.constant 0 : i32
          %sign3A_903 = arith.cmpi sgt, %jit3A_893, %sign3A_902 : i32
          %sign3A_904 = arith.extui %sign3A_903 : i1 to i32
          %sign3A_905 = arith.constant 0 : i32
          %sign3A_906 = arith.cmpi slt, %jit3A_893, %sign3A_905 : i32
          %sign3A_907 = arith.extui %sign3A_906 : i1 to i32
          %sign3A_908 = arith.subi %sign3A_904, %sign3A_907 : i32
          %ne3A_909 = arith.cmpi ne, %sign3A_901, %sign3A_908 : i32
          %rem3A_910 = arith.remsi %add3A_892, %jit3A_893 : i32
          %ne3A_911 = arith.constant 0 : i32
          %ne3A_912 = arith.cmpi ne, %rem3A_910, %ne3A_911 : i32
          %and3A_913 = arith.andi %ne3A_909, %ne3A_912 : i1
          %sub3A_914 = arith.constant 1 : i32
          %sub3A_915 = arith.subi %div3A_894, %sub3A_914 : i32
          %select_n3A_916 = arith.select %and3A_913, %sub3A_915, %div3A_894 : i32
          %jit3A_917 = arith.constant 64 : i32
          %eq3A_918 = arith.constant 0 : i32
          %eq3A_919 = arith.cmpi eq, %jit3A_917, %eq3A_918 : i32
          %jit3A_920 = arith.constant 1 : i32
          %select_n3A_921 = arith.select %eq3A_919, %jit3A_920, %jit3A_917 : i32
          %rem3A_922 = arith.remsi %add3A_892, %select_n3A_921 : i32
          %ne3A_923 = arith.constant 0 : i32
          %ne3A_924 = arith.cmpi ne, %rem3A_922, %ne3A_923 : i32
          %lt3A_925 = arith.constant 0 : i32
          %lt3A_926 = arith.cmpi slt, %rem3A_922, %lt3A_925 : i32
          %lt3A_927 = arith.constant 0 : i32
          %lt3A_928 = arith.cmpi slt, %select_n3A_921, %lt3A_927 : i32
          %ne3A_929 = arith.xori %lt3A_926, %lt3A_928 : i1
          %and3A_930 = arith.andi %ne3A_929, %ne3A_924 : i1
          %add3A_931 = arith.addi %rem3A_922, %select_n3A_921 : i32
          %select_n3A_932 = arith.select %and3A_930, %add3A_931, %rem3A_922 : i32
          %mul3A_933 = arith.constant 2 : i32
          %mul3A_934 = arith.muli %select_n3A_932, %mul3A_933 : i32
          %add3A_935 = arith.constant 1 : i32
          %add3A_936 = arith.addi %mul3A_934, %add3A_935 : i32
          %dma_wait3A_937 = arith.constant 2 : i32
          %dma_wait3A_938 = arith.constant 1 : i32
          %dma_wait3A_939 = arith.constant 0 : i32
          %dma_wait3A_940 = arith.constant 0 : i32
          %dma_wait3A_941 = arith.constant 0 : i32
          %dma_wait3A_942 = tpu.memref_slice %arg7[%dma_wait3A_937, %dma_wait3A_938, %dma_wait3A_939, %dma_wait3A_940, %dma_wait3A_941] : memref<3x2x8x8x129xf32, #tpu.memory_space<vmem>> -> memref<1x1x8x8x128xf32, #tpu.memory_space<vmem>>
          %dma_wait3A_943 = tpu.memref_squeeze %dma_wait3A_942 : memref<1x1x8x8x128xf32, #tpu.memory_space<vmem>> -> memref<8x8x128xf32, #tpu.memory_space<vmem>>
          %dma_wait3A_944 = arith.constant 0 : i32
          %dma_wait3A_945 = arith.constant 0 : i32
          %dma_wait3A_946 = arith.constant 0 : i32
          %dma_wait3A_947 = tpu.memref_slice %arg4[%select_n3A_916, %dma_wait3A_944, %add3A_936, %dma_wait3A_945, %dma_wait3A_946] : memref<50x8x128x8x128xf32, #tpu.memory_space<hbm>> -> memref<1x8x1x8x128xf32, #tpu.memory_space<hbm>>
          %dma_wait3A_948 = tpu.memref_squeeze %dma_wait3A_947 : memref<1x8x1x8x128xf32, #tpu.memory_space<hbm>> -> memref<8x8x128xf32, #tpu.memory_space<hbm>>
          %dma_wait3A_949 = arith.constant 0 : i32
          %dma_wait3A_950 = arith.constant 0 : i32
          %dma_wait3A_951 = arith.constant 0 : i32
          %dma_wait3A_952 = tpu.memref_slice %arg4[%select_n3A_916, %dma_wait3A_949, %add3A_936, %dma_wait3A_950, %dma_wait3A_951] : memref<50x8x128x8x128xf32, #tpu.memory_space<hbm>> -> memref<1x8x1x8x128xf32, #tpu.memory_space<hbm>>
          %dma_wait3A_953 = tpu.memref_squeeze %dma_wait3A_952 : memref<1x8x1x8x128xf32, #tpu.memory_space<hbm>> -> memref<8x8x128xf32, #tpu.memory_space<hbm>>
          %dma_wait3A_954 = arith.constant 0 : i32
          %dma_wait3A_955 = arith.constant 0 : i32
          %dma_wait3A_956 = arith.constant 0 : i32
          %dma_wait3A_957 = tpu.memref_slice %arg7[%dma_wait3A_937, %dma_wait3A_938, %dma_wait3A_954, %dma_wait3A_955, %dma_wait3A_956] : memref<3x2x8x8x129xf32, #tpu.memory_space<vmem>> -> memref<1x1x8x8x128xf32, #tpu.memory_space<vmem>>
          %dma_wait3A_958 = tpu.memref_squeeze %dma_wait3A_957 : memref<1x1x8x8x128xf32, #tpu.memory_space<vmem>> -> memref<8x8x128xf32, #tpu.memory_space<vmem>>
          tpu.wait_dma2 semaphore(%arg16 : memref<!tpu.dma_semaphore, #tpu.memory_space<semaphore_mem>>) src(%dma_wait3A_958 : memref<8x8x128xf32, #tpu.memory_space<vmem>>) dst(%dma_wait3A_953 : memref<8x8x128xf32, #tpu.memory_space<hbm>>)
        } else {
        }
        %dma_wait3A_665 = arith.constant 2 : i32
        %dma_wait3A_666 = arith.constant 2 : i32
        %dma_wait3A_667 = arith.constant 0 : i32
        %dma_wait3A_668 = arith.constant 0 : i32
        %dma_wait3A_669 = tpu.memref_slice %arg6[%dma_wait3A_666, %dma_wait3A_667, %dma_wait3A_668] : memref<3x256x64xf32, #tpu.memory_space<vmem>> -> memref<1x256x64xf32, #tpu.memory_space<vmem>>
        %dma_wait3A_670 = tpu.memref_squeeze %dma_wait3A_669 : memref<1x256x64xf32, #tpu.memory_space<vmem>> -> memref<256x64xf32, #tpu.memory_space<vmem>>
        %dma_wait3A_671 = arith.constant 0 : i32
        %dma_wait3A_672 = tpu.memref_slice %arg5[%dma_wait3A_665, %dma_wait3A_671] : memref<3x256xi32, #tpu.memory_space<vmem>> -> memref<1x256xi32, #tpu.memory_space<vmem>>
        %dma_wait3A_673 = tpu.memref_squeeze %dma_wait3A_672 : memref<1x256xi32, #tpu.memory_space<vmem>> -> memref<256xi32, #tpu.memory_space<vmem>>
        %dma_wait3A_674 = arith.constant 0 : i32
        %dma_wait3A_675 = arith.constant 0 : i32
        %dma_wait3A_676 = tpu.memref_slice %arg3[%dma_wait3A_674, %dma_wait3A_675] : memref<1000000x64xf32, #tpu.memory_space<hbm>> -> memref<1000000x64xf32, #tpu.memory_space<hbm>>
        tpu.wait_indirect_dma semaphore(%arg13 : memref<!tpu.dma_semaphore, #tpu.memory_space<semaphore_mem>>) src(%dma_wait3A_676 : memref<1000000x64xf32, #tpu.memory_space<hbm>>) dst(%dma_wait3A_670 : memref<256x64xf32, #tpu.memory_space<vmem>>)
        %parallel_loop3A = arith.constant 0 : i32
        %parallel_loop3A_677 = arith.constant 256 : i32
        %parallel_loop3A_678 = arith.constant 1 : i32
        scf.for %parallel_loop3A_817 = %parallel_loop3A to %parallel_loop3A_677 step %parallel_loop3A_678  : i32 {
          %parallel_loop3A_818 = arith.constant 128 : i32
          %parallel_loop3A_819 = arith.divsi %parallel_loop3A_817, %parallel_loop3A_818 : i32
          %parallel_loop3A_820 = arith.constant 0 : i32
          %parallel_loop3A_821 = arith.cmpi sgt, %parallel_loop3A_817, %parallel_loop3A_820 : i32
          %parallel_loop3A_822 = arith.extui %parallel_loop3A_821 : i1 to i32
          %parallel_loop3A_823 = arith.constant 0 : i32
          %parallel_loop3A_824 = arith.cmpi slt, %parallel_loop3A_817, %parallel_loop3A_823 : i32
          %parallel_loop3A_825 = arith.extui %parallel_loop3A_824 : i1 to i32
          %parallel_loop3A_826 = arith.subi %parallel_loop3A_822, %parallel_loop3A_825 : i32
          %parallel_loop3A_827 = arith.constant 0 : i32
          %parallel_loop3A_828 = arith.cmpi sgt, %parallel_loop3A_818, %parallel_loop3A_827 : i32
          %parallel_loop3A_829 = arith.extui %parallel_loop3A_828 : i1 to i32
          %parallel_loop3A_830 = arith.constant 0 : i32
          %parallel_loop3A_831 = arith.cmpi slt, %parallel_loop3A_818, %parallel_loop3A_830 : i32
          %parallel_loop3A_832 = arith.extui %parallel_loop3A_831 : i1 to i32
          %parallel_loop3A_833 = arith.subi %parallel_loop3A_829, %parallel_loop3A_832 : i32
          %parallel_loop3A_834 = arith.cmpi ne, %parallel_loop3A_826, %parallel_loop3A_833 : i32
          %parallel_loop3A_835 = arith.remsi %parallel_loop3A_817, %parallel_loop3A_818 : i32
          %parallel_loop3A_836 = arith.constant 0 : i32
          %parallel_loop3A_837 = arith.cmpi ne, %parallel_loop3A_835, %parallel_loop3A_836 : i32
          %parallel_loop3A_838 = arith.andi %parallel_loop3A_834, %parallel_loop3A_837 : i1
          %parallel_loop3A_839 = arith.constant 1 : i32
          %parallel_loop3A_840 = arith.subi %parallel_loop3A_819, %parallel_loop3A_839 : i32
          %parallel_loop3A_841 = arith.select %parallel_loop3A_838, %parallel_loop3A_840, %parallel_loop3A_819 : i32
          %parallel_loop3A_842 = vector.broadcast %parallel_loop3A_841 : i32 to vector<16xi32>
          %parallel_loop3A_843 = arith.constant 128 : i32
          %parallel_loop3A_844 = arith.constant 0 : i32
          %parallel_loop3A_845 = arith.cmpi eq, %parallel_loop3A_843, %parallel_loop3A_844 : i32
          %parallel_loop3A_846 = arith.constant 1 : i32
          %parallel_loop3A_847 = arith.select %parallel_loop3A_845, %parallel_loop3A_846, %parallel_loop3A_843 : i32
          %parallel_loop3A_848 = arith.remsi %parallel_loop3A_817, %parallel_loop3A_847 : i32
          %parallel_loop3A_849 = arith.constant 0 : i32
          %parallel_loop3A_850 = arith.cmpi ne, %parallel_loop3A_848, %parallel_loop3A_849 : i32
          %parallel_loop3A_851 = arith.constant 0 : i32
          %parallel_loop3A_852 = arith.cmpi slt, %parallel_loop3A_848, %parallel_loop3A_851 : i32
          %parallel_loop3A_853 = arith.constant 0 : i32
          %parallel_loop3A_854 = arith.cmpi slt, %parallel_loop3A_847, %parallel_loop3A_853 : i32
          %parallel_loop3A_855 = arith.xori %parallel_loop3A_852, %parallel_loop3A_854 : i1
          %parallel_loop3A_856 = arith.andi %parallel_loop3A_855, %parallel_loop3A_850 : i1
          %parallel_loop3A_857 = arith.addi %parallel_loop3A_848, %parallel_loop3A_847 : i32
          %parallel_loop3A_858 = arith.select %parallel_loop3A_856, %parallel_loop3A_857, %parallel_loop3A_848 : i32
          %parallel_loop3A_859 = vector.broadcast %parallel_loop3A_858 : i32 to vector<16xi32>
          %parallel_loop3A_860 = arith.constant 2 : i32
          %parallel_loop3A_861 = arith.index_cast %parallel_loop3A_860 : i32 to index
          %parallel_loop3A_862 = arith.index_cast %parallel_loop3A_817 : i32 to index
          %parallel_loop3A_863 = arith.constant 0 : index
          %parallel_loop3A_864 = tpu.vector_load %arg6[%parallel_loop3A_861, %parallel_loop3A_862, %parallel_loop3A_863] {strides = array<i32>} : memref<3x256x64xf32, #tpu.memory_space<vmem>>, vector<16xf32>,
          %parallel_loop3A_865 = arith.constant 8.000000e+00 : f32
          %parallel_loop3A_866 = vector.broadcast %parallel_loop3A_865 : f32 to vector<16xf32>
          %parallel_loop3A_867 = arith.mulf %parallel_loop3A_864, %parallel_loop3A_866 : vector<16xf32>
          %parallel_loop3A_868 = arith.constant 2 : i32
          %parallel_loop3A_869 = arith.constant 0 : i32
          %parallel_loop3A_870 = arith.constant 0 : i32
          %parallel_loop3A_871 = arith.constant 0 : i32
          %parallel_loop3A_872 = arith.constant 0 : i32
          %parallel_loop3A_873 = tpu.memref_slice %arg7[%parallel_loop3A_868, %parallel_loop3A_869, %parallel_loop3A_870, %parallel_loop3A_871, %parallel_loop3A_872] : memref<3x2x8x8x129xf32, #tpu.memory_space<vmem>> -> memref<1x2x8x8x129xf32, #tpu.memory_space<vmem>>
          %parallel_loop3A_874 = tpu.memref_squeeze %parallel_loop3A_873 : memref<1x2x8x8x129xf32, #tpu.memory_space<vmem>> -> memref<2x8x8x129xf32, #tpu.memory_space<vmem>>
          tpu.vector_store_idx %parallel_loop3A_874[%parallel_loop3A_842, %shift_right_logical3A_5, %and3A, %parallel_loop3A_859], %parallel_loop3A_867 : memref<2x8x8x129xf32, #tpu.memory_space<vmem>>[vector<16xi32>, vector<16xi32>, vector<16xi32>, vector<16xi32>], vector<16xf32>,
          %parallel_loop3A_875 = arith.constant 2 : i32
          %parallel_loop3A_876 = arith.index_cast %parallel_loop3A_875 : i32 to index
          %parallel_loop3A_877 = arith.index_cast %parallel_loop3A_817 : i32 to index
          %parallel_loop3A_878 = arith.constant 16 : index
          %parallel_loop3A_879 = tpu.vector_load %arg6[%parallel_loop3A_876, %parallel_loop3A_877, %parallel_loop3A_878] {strides = array<i32>} : memref<3x256x64xf32, #tpu.memory_space<vmem>>, vector<16xf32>,
          %parallel_loop3A_880 = arith.constant 8.000000e+00 : f32
          %parallel_loop3A_881 = vector.broadcast %parallel_loop3A_880 : f32 to vector<16xf32>
          %parallel_loop3A_882 = arith.mulf %parallel_loop3A_879, %parallel_loop3A_881 : vector<16xf32>
          %parallel_loop3A_883 = arith.constant 2 : i32
          %parallel_loop3A_884 = arith.constant 0 : i32
          %parallel_loop3A_885 = arith.constant 0 : i32
          %parallel_loop3A_886 = arith.constant 0 : i32
          %parallel_loop3A_887 = arith.constant 0 : i32
          %parallel_loop3A_888 = tpu.memref_slice %arg7[%parallel_loop3A_883, %parallel_loop3A_884, %parallel_loop3A_885, %parallel_loop3A_886, %parallel_loop3A_887] : memref<3x2x8x8x129xf32, #tpu.memory_space<vmem>> -> memref<1x2x8x8x129xf32, #tpu.memory_space<vmem>>
          %parallel_loop3A_889 = tpu.memref_squeeze %parallel_loop3A_888 : memref<1x2x8x8x129xf32, #tpu.memory_space<vmem>> -> memref<2x8x8x129xf32, #tpu.memory_space<vmem>>
          tpu.vector_store_idx %parallel_loop3A_889[%parallel_loop3A_842, %shift_right_logical3A_11, %and3A_33, %parallel_loop3A_859], %parallel_loop3A_882 : memref<2x8x8x129xf32, #tpu.memory_space<vmem>>[vector<16xi32>, vector<16xi32>, vector<16xi32>, vector<16xi32>], vector<16xf32>,
          %parallel_loop3A_890 = arith.constant 2 : i32
          %parallel_loop3A_891 = arith.index_cast %parallel_loop3A_890 : i32 to index
          %parallel_loop3A_892 = arith.index_cast %parallel_loop3A_817 : i32 to index
          %parallel_loop3A_893 = arith.constant 32 : index
          %parallel_loop3A_894 = tpu.vector_load %arg6[%parallel_loop3A_891, %parallel_loop3A_892, %parallel_loop3A_893] {strides = array<i32>} : memref<3x256x64xf32, #tpu.memory_space<vmem>>, vector<16xf32>,
          %parallel_loop3A_895 = arith.constant 8.000000e+00 : f32
          %parallel_loop3A_896 = vector.broadcast %parallel_loop3A_895 : f32 to vector<16xf32>
          %parallel_loop3A_897 = arith.mulf %parallel_loop3A_894, %parallel_loop3A_896 : vector<16xf32>
          %parallel_loop3A_898 = arith.constant 2 : i32
          %parallel_loop3A_899 = arith.constant 0 : i32
          %parallel_loop3A_900 = arith.constant 0 : i32
          %parallel_loop3A_901 = arith.constant 0 : i32
          %parallel_loop3A_902 = arith.constant 0 : i32
          %parallel_loop3A_903 = tpu.memref_slice %arg7[%parallel_loop3A_898, %parallel_loop3A_899, %parallel_loop3A_900, %parallel_loop3A_901, %parallel_loop3A_902] : memref<3x2x8x8x129xf32, #tpu.memory_space<vmem>> -> memref<1x2x8x8x129xf32, #tpu.memory_space<vmem>>
          %parallel_loop3A_904 = tpu.memref_squeeze %parallel_loop3A_903 : memref<1x2x8x8x129xf32, #tpu.memory_space<vmem>> -> memref<2x8x8x129xf32, #tpu.memory_space<vmem>>
          tpu.vector_store_idx %parallel_loop3A_904[%parallel_loop3A_842, %shift_right_logical3A_17, %and3A_39, %parallel_loop3A_859], %parallel_loop3A_897 : memref<2x8x8x129xf32, #tpu.memory_space<vmem>>[vector<16xi32>, vector<16xi32>, vector<16xi32>, vector<16xi32>], vector<16xf32>,
          %parallel_loop3A_905 = arith.constant 2 : i32
          %parallel_loop3A_906 = arith.index_cast %parallel_loop3A_905 : i32 to index
          %parallel_loop3A_907 = arith.index_cast %parallel_loop3A_817 : i32 to index
          %parallel_loop3A_908 = arith.constant 48 : index
          %parallel_loop3A_909 = tpu.vector_load %arg6[%parallel_loop3A_906, %parallel_loop3A_907, %parallel_loop3A_908] {strides = array<i32>} : memref<3x256x64xf32, #tpu.memory_space<vmem>>, vector<16xf32>,
          %parallel_loop3A_910 = arith.constant 8.000000e+00 : f32
          %parallel_loop3A_911 = vector.broadcast %parallel_loop3A_910 : f32 to vector<16xf32>
          %parallel_loop3A_912 = arith.mulf %parallel_loop3A_909, %parallel_loop3A_911 : vector<16xf32>
          %parallel_loop3A_913 = arith.constant 2 : i32
          %parallel_loop3A_914 = arith.constant 0 : i32
          %parallel_loop3A_915 = arith.constant 0 : i32
          %parallel_loop3A_916 = arith.constant 0 : i32
          %parallel_loop3A_917 = arith.constant 0 : i32
          %parallel_loop3A_918 = tpu.memref_slice %arg7[%parallel_loop3A_913, %parallel_loop3A_914, %parallel_loop3A_915, %parallel_loop3A_916, %parallel_loop3A_917] : memref<3x2x8x8x129xf32, #tpu.memory_space<vmem>> -> memref<1x2x8x8x129xf32, #tpu.memory_space<vmem>>
          %parallel_loop3A_919 = tpu.memref_squeeze %parallel_loop3A_918 : memref<1x2x8x8x129xf32, #tpu.memory_space<vmem>> -> memref<2x8x8x129xf32, #tpu.memory_space<vmem>>
          tpu.vector_store_idx %parallel_loop3A_919[%parallel_loop3A_842, %shift_right_logical3A_23, %and3A_45, %parallel_loop3A_859], %parallel_loop3A_912 : memref<2x8x8x129xf32, #tpu.memory_space<vmem>>[vector<16xi32>, vector<16xi32>, vector<16xi32>, vector<16xi32>], vector<16xf32>,
        } {sc.loop_unroll_factor = 8 : i64, sc.parallel_access}
        %mul3A_679 = arith.constant 32 : i32
        %mul3A_680 = arith.muli %scan3A_631, %mul3A_679 : i32
        %add3A_681 = arith.addi %mul3A_680, %add3A : i32
        %jit3A_682 = arith.constant 64 : i32
        %div3A_683 = arith.divsi %add3A_681, %jit3A_682 : i32
        %sign3A_684 = arith.constant 0 : i32
        %sign3A_685 = arith.cmpi sgt, %add3A_681, %sign3A_684 : i32
        %sign3A_686 = arith.extui %sign3A_685 : i1 to i32
        %sign3A_687 = arith.constant 0 : i32
        %sign3A_688 = arith.cmpi slt, %add3A_681, %sign3A_687 : i32
        %sign3A_689 = arith.extui %sign3A_688 : i1 to i32
        %sign3A_690 = arith.subi %sign3A_686, %sign3A_689 : i32
        %sign3A_691 = arith.constant 0 : i32
        %sign3A_692 = arith.cmpi sgt, %jit3A_682, %sign3A_691 : i32
        %sign3A_693 = arith.extui %sign3A_692 : i1 to i32
        %sign3A_694 = arith.constant 0 : i32
        %sign3A_695 = arith.cmpi slt, %jit3A_682, %sign3A_694 : i32
        %sign3A_696 = arith.extui %sign3A_695 : i1 to i32
        %sign3A_697 = arith.subi %sign3A_693, %sign3A_696 : i32
        %ne3A_698 = arith.cmpi ne, %sign3A_690, %sign3A_697 : i32
        %rem3A_699 = arith.remsi %add3A_681, %jit3A_682 : i32
        %ne3A_700 = arith.constant 0 : i32
        %ne3A_701 = arith.cmpi ne, %rem3A_699, %ne3A_700 : i32
        %and3A_702 = arith.andi %ne3A_698, %ne3A_701 : i1
        %sub3A_703 = arith.constant 1 : i32
        %sub3A_704 = arith.subi %div3A_683, %sub3A_703 : i32
        %select_n3A_705 = arith.select %and3A_702, %sub3A_704, %div3A_683 : i32
        %jit3A_706 = arith.constant 64 : i32
        %eq3A_707 = arith.constant 0 : i32
        %eq3A_708 = arith.cmpi eq, %jit3A_706, %eq3A_707 : i32
        %jit3A_709 = arith.constant 1 : i32
        %select_n3A_710 = arith.select %eq3A_708, %jit3A_709, %jit3A_706 : i32
        %rem3A_711 = arith.remsi %add3A_681, %select_n3A_710 : i32
        %ne3A_712 = arith.constant 0 : i32
        %ne3A_713 = arith.cmpi ne, %rem3A_711, %ne3A_712 : i32
        %lt3A_714 = arith.constant 0 : i32
        %lt3A_715 = arith.cmpi slt, %rem3A_711, %lt3A_714 : i32
        %lt3A_716 = arith.constant 0 : i32
        %lt3A_717 = arith.cmpi slt, %select_n3A_710, %lt3A_716 : i32
        %ne3A_718 = arith.xori %lt3A_715, %lt3A_717 : i1
        %and3A_719 = arith.andi %ne3A_718, %ne3A_713 : i1
        %add3A_720 = arith.addi %rem3A_711, %select_n3A_710 : i32
        %select_n3A_721 = arith.select %and3A_719, %add3A_720, %rem3A_711 : i32
        %mul3A_722 = arith.constant 2 : i32
        %mul3A_723 = arith.muli %select_n3A_721, %mul3A_722 : i32
        %add3A_724 = arith.constant 0 : i32
        %add3A_725 = arith.addi %mul3A_723, %add3A_724 : i32
        %dma_start3A_726 = arith.constant 2 : i32
        %dma_start3A_727 = arith.constant 0 : i32
        %dma_start3A_728 = arith.constant 0 : i32
        %dma_start3A_729 = arith.constant 0 : i32
        %dma_start3A_730 = arith.constant 0 : i32
        %dma_start3A_731 = tpu.memref_slice %arg7[%dma_start3A_726, %dma_start3A_727, %dma_start3A_728, %dma_start3A_729, %dma_start3A_730] : memref<3x2x8x8x129xf32, #tpu.memory_space<vmem>> -> memref<1x1x8x8x128xf32, #tpu.memory_space<vmem>>
        %dma_start3A_732 = tpu.memref_squeeze %dma_start3A_731 : memref<1x1x8x8x128xf32, #tpu.memory_space<vmem>> -> memref<8x8x128xf32, #tpu.memory_space<vmem>>
        %dma_start3A_733 = arith.constant 0 : i32
        %dma_start3A_734 = arith.constant 0 : i32
        %dma_start3A_735 = arith.constant 0 : i32
        %dma_start3A_736 = tpu.memref_slice %arg4[%select_n3A_705, %dma_start3A_733, %add3A_725, %dma_start3A_734, %dma_start3A_735] : memref<50x8x128x8x128xf32, #tpu.memory_space<hbm>> -> memref<1x8x1x8x128xf32, #tpu.memory_space<hbm>>
        %dma_start3A_737 = tpu.memref_squeeze %dma_start3A_736 : memref<1x8x1x8x128xf32, #tpu.memory_space<hbm>> -> memref<8x8x128xf32, #tpu.memory_space<hbm>>
        %dma_start3A_738 = arith.constant 0 : i32
        %dma_start3A_739 = arith.constant 0 : i32
        %dma_start3A_740 = arith.constant 0 : i32
        %dma_start3A_741 = tpu.memref_slice %arg4[%select_n3A_705, %dma_start3A_738, %add3A_725, %dma_start3A_739, %dma_start3A_740] : memref<50x8x128x8x128xf32, #tpu.memory_space<hbm>> -> memref<1x8x1x8x128xf32, #tpu.memory_space<hbm>>
        %dma_start3A_742 = tpu.memref_squeeze %dma_start3A_741 : memref<1x8x1x8x128xf32, #tpu.memory_space<hbm>> -> memref<8x8x128xf32, #tpu.memory_space<hbm>>
        %dma_start3A_743 = arith.constant 0 : i32
        %dma_start3A_744 = arith.constant 0 : i32
        %dma_start3A_745 = arith.constant 0 : i32
        %dma_start3A_746 = tpu.memref_slice %arg7[%dma_start3A_726, %dma_start3A_727, %dma_start3A_743, %dma_start3A_744, %dma_start3A_745] : memref<3x2x8x8x129xf32, #tpu.memory_space<vmem>> -> memref<1x1x8x8x128xf32, #tpu.memory_space<vmem>>
        %dma_start3A_747 = tpu.memref_squeeze %dma_start3A_746 : memref<1x1x8x8x128xf32, #tpu.memory_space<vmem>> -> memref<8x8x128xf32, #tpu.memory_space<vmem>>
        tpu.enqueue_dma source(%dma_start3A_747 : memref<8x8x128xf32, #tpu.memory_space<vmem>>) target(%dma_start3A_742 : memref<8x8x128xf32, #tpu.memory_space<hbm>>) target_semaphore(%arg16 : memref<!tpu.dma_semaphore, #tpu.memory_space<semaphore_mem>>)
        %mul3A_748 = arith.constant 32 : i32
        %mul3A_749 = arith.muli %scan3A_631, %mul3A_748 : i32
        %add3A_750 = arith.addi %mul3A_749, %add3A : i32
        %jit3A_751 = arith.constant 64 : i32
        %div3A_752 = arith.divsi %add3A_750, %jit3A_751 : i32
        %sign3A_753 = arith.constant 0 : i32
        %sign3A_754 = arith.cmpi sgt, %add3A_750, %sign3A_753 : i32
        %sign3A_755 = arith.extui %sign3A_754 : i1 to i32
        %sign3A_756 = arith.constant 0 : i32
        %sign3A_757 = arith.cmpi slt, %add3A_750, %sign3A_756 : i32
        %sign3A_758 = arith.extui %sign3A_757 : i1 to i32
        %sign3A_759 = arith.subi %sign3A_755, %sign3A_758 : i32
        %sign3A_760 = arith.constant 0 : i32
        %sign3A_761 = arith.cmpi sgt, %jit3A_751, %sign3A_760 : i32
        %sign3A_762 = arith.extui %sign3A_761 : i1 to i32
        %sign3A_763 = arith.constant 0 : i32
        %sign3A_764 = arith.cmpi slt, %jit3A_751, %sign3A_763 : i32
        %sign3A_765 = arith.extui %sign3A_764 : i1 to i32
        %sign3A_766 = arith.subi %sign3A_762, %sign3A_765 : i32
        %ne3A_767 = arith.cmpi ne, %sign3A_759, %sign3A_766 : i32
        %rem3A_768 = arith.remsi %add3A_750, %jit3A_751 : i32
        %ne3A_769 = arith.constant 0 : i32
        %ne3A_770 = arith.cmpi ne, %rem3A_768, %ne3A_769 : i32
        %and3A_771 = arith.andi %ne3A_767, %ne3A_770 : i1
        %sub3A_772 = arith.constant 1 : i32
        %sub3A_773 = arith.subi %div3A_752, %sub3A_772 : i32
        %select_n3A_774 = arith.select %and3A_771, %sub3A_773, %div3A_752 : i32
        %jit3A_775 = arith.constant 64 : i32
        %eq3A_776 = arith.constant 0 : i32
        %eq3A_777 = arith.cmpi eq, %jit3A_775, %eq3A_776 : i32
        %jit3A_778 = arith.constant 1 : i32
        %select_n3A_779 = arith.select %eq3A_777, %jit3A_778, %jit3A_775 : i32
        %rem3A_780 = arith.remsi %add3A_750, %select_n3A_779 : i32
        %ne3A_781 = arith.constant 0 : i32
        %ne3A_782 = arith.cmpi ne, %rem3A_780, %ne3A_781 : i32
        %lt3A_783 = arith.constant 0 : i32
        %lt3A_784 = arith.cmpi slt, %rem3A_780, %lt3A_783 : i32
        %lt3A_785 = arith.constant 0 : i32
        %lt3A_786 = arith.cmpi slt, %select_n3A_779, %lt3A_785 : i32
        %ne3A_787 = arith.xori %lt3A_784, %lt3A_786 : i1
        %and3A_788 = arith.andi %ne3A_787, %ne3A_782 : i1
        %add3A_789 = arith.addi %rem3A_780, %select_n3A_779 : i32
        %select_n3A_790 = arith.select %and3A_788, %add3A_789, %rem3A_780 : i32
        %mul3A_791 = arith.constant 2 : i32
        %mul3A_792 = arith.muli %select_n3A_790, %mul3A_791 : i32
        %add3A_793 = arith.constant 1 : i32
        %add3A_794 = arith.addi %mul3A_792, %add3A_793 : i32
        %dma_start3A_795 = arith.constant 2 : i32
        %dma_start3A_796 = arith.constant 1 : i32
        %dma_start3A_797 = arith.constant 0 : i32
        %dma_start3A_798 = arith.constant 0 : i32
        %dma_start3A_799 = arith.constant 0 : i32
        %dma_start3A_800 = tpu.memref_slice %arg7[%dma_start3A_795, %dma_start3A_796, %dma_start3A_797, %dma_start3A_798, %dma_start3A_799] : memref<3x2x8x8x129xf32, #tpu.memory_space<vmem>> -> memref<1x1x8x8x128xf32, #tpu.memory_space<vmem>>
        %dma_start3A_801 = tpu.memref_squeeze %dma_start3A_800 : memref<1x1x8x8x128xf32, #tpu.memory_space<vmem>> -> memref<8x8x128xf32, #tpu.memory_space<vmem>>
        %dma_start3A_802 = arith.constant 0 : i32
        %dma_start3A_803 = arith.constant 0 : i32
        %dma_start3A_804 = arith.constant 0 : i32
        %dma_start3A_805 = tpu.memref_slice %arg4[%select_n3A_774, %dma_start3A_802, %add3A_794, %dma_start3A_803, %dma_start3A_804] : memref<50x8x128x8x128xf32, #tpu.memory_space<hbm>> -> memref<1x8x1x8x128xf32, #tpu.memory_space<hbm>>
        %dma_start3A_806 = tpu.memref_squeeze %dma_start3A_805 : memref<1x8x1x8x128xf32, #tpu.memory_space<hbm>> -> memref<8x8x128xf32, #tpu.memory_space<hbm>>
        %dma_start3A_807 = arith.constant 0 : i32
        %dma_start3A_808 = arith.constant 0 : i32
        %dma_start3A_809 = arith.constant 0 : i32
        %dma_start3A_810 = tpu.memref_slice %arg4[%select_n3A_774, %dma_start3A_807, %add3A_794, %dma_start3A_808, %dma_start3A_809] : memref<50x8x128x8x128xf32, #tpu.memory_space<hbm>> -> memref<1x8x1x8x128xf32, #tpu.memory_space<hbm>>
        %dma_start3A_811 = tpu.memref_squeeze %dma_start3A_810 : memref<1x8x1x8x128xf32, #tpu.memory_space<hbm>> -> memref<8x8x128xf32, #tpu.memory_space<hbm>>
        %dma_start3A_812 = arith.constant 0 : i32
        %dma_start3A_813 = arith.constant 0 : i32
        %dma_start3A_814 = arith.constant 0 : i32
        %dma_start3A_815 = tpu.memref_slice %arg7[%dma_start3A_795, %dma_start3A_796, %dma_start3A_812, %dma_start3A_813, %dma_start3A_814] : memref<3x2x8x8x129xf32, #tpu.memory_space<vmem>> -> memref<1x1x8x8x128xf32, #tpu.memory_space<vmem>>
        %dma_start3A_816 = tpu.memref_squeeze %dma_start3A_815 : memref<1x1x8x8x128xf32, #tpu.memory_space<vmem>> -> memref<8x8x128xf32, #tpu.memory_space<vmem>>
        tpu.enqueue_dma source(%dma_start3A_816 : memref<8x8x128xf32, #tpu.memory_space<vmem>>) target(%dma_start3A_811 : memref<8x8x128xf32, #tpu.memory_space<hbm>>) target_semaphore(%arg16 : memref<!tpu.dma_semaphore, #tpu.memory_space<semaphore_mem>>)
      } else {
      }
    }
    %scan3A_222 = arith.constant 100 : i32
    %add3A_223 = arith.constant 3104 : i32
    %add3A_224 = arith.addi %add3A_223, %add3A : i32
    %jit3A_225 = arith.constant 64 : i32
    %div3A_226 = arith.divsi %add3A_224, %jit3A_225 : i32
    %sign3A_227 = arith.constant 0 : i32
    %sign3A_228 = arith.cmpi sgt, %add3A_224, %sign3A_227 : i32
    %sign3A_229 = arith.extui %sign3A_228 : i1 to i32
    %sign3A_230 = arith.constant 0 : i32
    %sign3A_231 = arith.cmpi slt, %add3A_224, %sign3A_230 : i32
    %sign3A_232 = arith.extui %sign3A_231 : i1 to i32
    %sign3A_233 = arith.subi %sign3A_229, %sign3A_232 : i32
    %sign3A_234 = arith.constant 0 : i32
    %sign3A_235 = arith.cmpi sgt, %jit3A_225, %sign3A_234 : i32
    %sign3A_236 = arith.extui %sign3A_235 : i1 to i32
    %sign3A_237 = arith.constant 0 : i32
    %sign3A_238 = arith.cmpi slt, %jit3A_225, %sign3A_237 : i32
    %sign3A_239 = arith.extui %sign3A_238 : i1 to i32
    %sign3A_240 = arith.subi %sign3A_236, %sign3A_239 : i32
    %ne3A_241 = arith.cmpi ne, %sign3A_233, %sign3A_240 : i32
    %rem3A_242 = arith.remsi %add3A_224, %jit3A_225 : i32
    %ne3A_243 = arith.constant 0 : i32
    %ne3A_244 = arith.cmpi ne, %rem3A_242, %ne3A_243 : i32
    %and3A_245 = arith.andi %ne3A_241, %ne3A_244 : i1
    %sub3A_246 = arith.constant 1 : i32
    %sub3A_247 = arith.subi %div3A_226, %sub3A_246 : i32
    %select_n3A_248 = arith.select %and3A_245, %sub3A_247, %div3A_226 : i32
    %jit3A_249 = arith.constant 64 : i32
    %eq3A_250 = arith.constant 0 : i32
    %eq3A_251 = arith.cmpi eq, %jit3A_249, %eq3A_250 : i32
    %jit3A_252 = arith.constant 1 : i32
    %select_n3A_253 = arith.select %eq3A_251, %jit3A_252, %jit3A_249 : i32
    %rem3A_254 = arith.remsi %add3A_224, %select_n3A_253 : i32
    %ne3A_255 = arith.constant 0 : i32
    %ne3A_256 = arith.cmpi ne, %rem3A_254, %ne3A_255 : i32
    %lt3A_257 = arith.constant 0 : i32
    %lt3A_258 = arith.cmpi slt, %rem3A_254, %lt3A_257 : i32
    %lt3A_259 = arith.constant 0 : i32
    %lt3A_260 = arith.cmpi slt, %select_n3A_253, %lt3A_259 : i32
    %ne3A_261 = arith.xori %lt3A_258, %lt3A_260 : i1
    %and3A_262 = arith.andi %ne3A_261, %ne3A_256 : i1
    %add3A_263 = arith.addi %rem3A_254, %select_n3A_253 : i32
    %select_n3A_264 = arith.select %and3A_262, %add3A_263, %rem3A_254 : i32
    %mul3A_265 = arith.constant 2 : i32
    %mul3A_266 = arith.muli %select_n3A_264, %mul3A_265 : i32
    %add3A_267 = arith.constant 0 : i32
    %add3A_268 = arith.addi %mul3A_266, %add3A_267 : i32
    %dma_wait3A_269 = arith.constant 1 : i32
    %dma_wait3A_270 = arith.constant 0 : i32
    %dma_wait3A_271 = arith.constant 0 : i32
    %dma_wait3A_272 = arith.constant 0 : i32
    %dma_wait3A_273 = arith.constant 0 : i32
    %dma_wait3A_274 = tpu.memref_slice %arg7[%dma_wait3A_269, %dma_wait3A_270, %dma_wait3A_271, %dma_wait3A_272, %dma_wait3A_273] : memref<3x2x8x8x129xf32, #tpu.memory_space<vmem>> -> memref<1x1x8x8x128xf32, #tpu.memory_space<vmem>>
    %dma_wait3A_275 = tpu.memref_squeeze %dma_wait3A_274 : memref<1x1x8x8x128xf32, #tpu.memory_space<vmem>> -> memref<8x8x128xf32, #tpu.memory_space<vmem>>
    %dma_wait3A_276 = arith.constant 0 : i32
    %dma_wait3A_277 = arith.constant 0 : i32
    %dma_wait3A_278 = arith.constant 0 : i32
    %dma_wait3A_279 = tpu.memref_slice %arg4[%select_n3A_248, %dma_wait3A_276, %add3A_268, %dma_wait3A_277, %dma_wait3A_278] : memref<50x8x128x8x128xf32, #tpu.memory_space<hbm>> -> memref<1x8x1x8x128xf32, #tpu.memory_space<hbm>>
    %dma_wait3A_280 = tpu.memref_squeeze %dma_wait3A_279 : memref<1x8x1x8x128xf32, #tpu.memory_space<hbm>> -> memref<8x8x128xf32, #tpu.memory_space<hbm>>
    %dma_wait3A_281 = arith.constant 0 : i32
    %dma_wait3A_282 = arith.constant 0 : i32
    %dma_wait3A_283 = arith.constant 0 : i32
    %dma_wait3A_284 = tpu.memref_slice %arg4[%select_n3A_248, %dma_wait3A_281, %add3A_268, %dma_wait3A_282, %dma_wait3A_283] : memref<50x8x128x8x128xf32, #tpu.memory_space<hbm>> -> memref<1x8x1x8x128xf32, #tpu.memory_space<hbm>>
    %dma_wait3A_285 = tpu.memref_squeeze %dma_wait3A_284 : memref<1x8x1x8x128xf32, #tpu.memory_space<hbm>> -> memref<8x8x128xf32, #tpu.memory_space<hbm>>
    %dma_wait3A_286 = arith.constant 0 : i32
    %dma_wait3A_287 = arith.constant 0 : i32
    %dma_wait3A_288 = arith.constant 0 : i32
    %dma_wait3A_289 = tpu.memref_slice %arg7[%dma_wait3A_269, %dma_wait3A_270, %dma_wait3A_286, %dma_wait3A_287, %dma_wait3A_288] : memref<3x2x8x8x129xf32, #tpu.memory_space<vmem>> -> memref<1x1x8x8x128xf32, #tpu.memory_space<vmem>>
    %dma_wait3A_290 = tpu.memref_squeeze %dma_wait3A_289 : memref<1x1x8x8x128xf32, #tpu.memory_space<vmem>> -> memref<8x8x128xf32, #tpu.memory_space<vmem>>
    tpu.wait_dma2 semaphore(%arg15 : memref<!tpu.dma_semaphore, #tpu.memory_space<semaphore_mem>>) src(%dma_wait3A_290 : memref<8x8x128xf32, #tpu.memory_space<vmem>>) dst(%dma_wait3A_285 : memref<8x8x128xf32, #tpu.memory_space<hbm>>)
    %add3A_291 = arith.constant 3104 : i32
    %add3A_292 = arith.addi %add3A_291, %add3A : i32
    %jit3A_293 = arith.constant 64 : i32
    %div3A_294 = arith.divsi %add3A_292, %jit3A_293 : i32
    %sign3A_295 = arith.constant 0 : i32
    %sign3A_296 = arith.cmpi sgt, %add3A_292, %sign3A_295 : i32
    %sign3A_297 = arith.extui %sign3A_296 : i1 to i32
    %sign3A_298 = arith.constant 0 : i32
    %sign3A_299 = arith.cmpi slt, %add3A_292, %sign3A_298 : i32
    %sign3A_300 = arith.extui %sign3A_299 : i1 to i32
    %sign3A_301 = arith.subi %sign3A_297, %sign3A_300 : i32
    %sign3A_302 = arith.constant 0 : i32
    %sign3A_303 = arith.cmpi sgt, %jit3A_293, %sign3A_302 : i32
    %sign3A_304 = arith.extui %sign3A_303 : i1 to i32
    %sign3A_305 = arith.constant 0 : i32
    %sign3A_306 = arith.cmpi slt, %jit3A_293, %sign3A_305 : i32
    %sign3A_307 = arith.extui %sign3A_306 : i1 to i32
    %sign3A_308 = arith.subi %sign3A_304, %sign3A_307 : i32
    %ne3A_309 = arith.cmpi ne, %sign3A_301, %sign3A_308 : i32
    %rem3A_310 = arith.remsi %add3A_292, %jit3A_293 : i32
    %ne3A_311 = arith.constant 0 : i32
    %ne3A_312 = arith.cmpi ne, %rem3A_310, %ne3A_311 : i32
    %and3A_313 = arith.andi %ne3A_309, %ne3A_312 : i1
    %sub3A_314 = arith.constant 1 : i32
    %sub3A_315 = arith.subi %div3A_294, %sub3A_314 : i32
    %select_n3A_316 = arith.select %and3A_313, %sub3A_315, %div3A_294 : i32
    %jit3A_317 = arith.constant 64 : i32
    %eq3A_318 = arith.constant 0 : i32
    %eq3A_319 = arith.cmpi eq, %jit3A_317, %eq3A_318 : i32
    %jit3A_320 = arith.constant 1 : i32
    %select_n3A_321 = arith.select %eq3A_319, %jit3A_320, %jit3A_317 : i32
    %rem3A_322 = arith.remsi %add3A_292, %select_n3A_321 : i32
    %ne3A_323 = arith.constant 0 : i32
    %ne3A_324 = arith.cmpi ne, %rem3A_322, %ne3A_323 : i32
    %lt3A_325 = arith.constant 0 : i32
    %lt3A_326 = arith.cmpi slt, %rem3A_322, %lt3A_325 : i32
    %lt3A_327 = arith.constant 0 : i32
    %lt3A_328 = arith.cmpi slt, %select_n3A_321, %lt3A_327 : i32
    %ne3A_329 = arith.xori %lt3A_326, %lt3A_328 : i1
    %and3A_330 = arith.andi %ne3A_329, %ne3A_324 : i1
    %add3A_331 = arith.addi %rem3A_322, %select_n3A_321 : i32
    %select_n3A_332 = arith.select %and3A_330, %add3A_331, %rem3A_322 : i32
    %mul3A_333 = arith.constant 2 : i32
    %mul3A_334 = arith.muli %select_n3A_332, %mul3A_333 : i32
    %add3A_335 = arith.constant 1 : i32
    %add3A_336 = arith.addi %mul3A_334, %add3A_335 : i32
    %dma_wait3A_337 = arith.constant 1 : i32
    %dma_wait3A_338 = arith.constant 1 : i32
    %dma_wait3A_339 = arith.constant 0 : i32
    %dma_wait3A_340 = arith.constant 0 : i32
    %dma_wait3A_341 = arith.constant 0 : i32
    %dma_wait3A_342 = tpu.memref_slice %arg7[%dma_wait3A_337, %dma_wait3A_338, %dma_wait3A_339, %dma_wait3A_340, %dma_wait3A_341] : memref<3x2x8x8x129xf32, #tpu.memory_space<vmem>> -> memref<1x1x8x8x128xf32, #tpu.memory_space<vmem>>
    %dma_wait3A_343 = tpu.memref_squeeze %dma_wait3A_342 : memref<1x1x8x8x128xf32, #tpu.memory_space<vmem>> -> memref<8x8x128xf32, #tpu.memory_space<vmem>>
    %dma_wait3A_344 = arith.constant 0 : i32
    %dma_wait3A_345 = arith.constant 0 : i32
    %dma_wait3A_346 = arith.constant 0 : i32
    %dma_wait3A_347 = tpu.memref_slice %arg4[%select_n3A_316, %dma_wait3A_344, %add3A_336, %dma_wait3A_345, %dma_wait3A_346] : memref<50x8x128x8x128xf32, #tpu.memory_space<hbm>> -> memref<1x8x1x8x128xf32, #tpu.memory_space<hbm>>
    %dma_wait3A_348 = tpu.memref_squeeze %dma_wait3A_347 : memref<1x8x1x8x128xf32, #tpu.memory_space<hbm>> -> memref<8x8x128xf32, #tpu.memory_space<hbm>>
    %dma_wait3A_349 = arith.constant 0 : i32
    %dma_wait3A_350 = arith.constant 0 : i32
    %dma_wait3A_351 = arith.constant 0 : i32
    %dma_wait3A_352 = tpu.memref_slice %arg4[%select_n3A_316, %dma_wait3A_349, %add3A_336, %dma_wait3A_350, %dma_wait3A_351] : memref<50x8x128x8x128xf32, #tpu.memory_space<hbm>> -> memref<1x8x1x8x128xf32, #tpu.memory_space<hbm>>
    %dma_wait3A_353 = tpu.memref_squeeze %dma_wait3A_352 : memref<1x8x1x8x128xf32, #tpu.memory_space<hbm>> -> memref<8x8x128xf32, #tpu.memory_space<hbm>>
    %dma_wait3A_354 = arith.constant 0 : i32
    %dma_wait3A_355 = arith.constant 0 : i32
    %dma_wait3A_356 = arith.constant 0 : i32
    %dma_wait3A_357 = tpu.memref_slice %arg7[%dma_wait3A_337, %dma_wait3A_338, %dma_wait3A_354, %dma_wait3A_355, %dma_wait3A_356] : memref<3x2x8x8x129xf32, #tpu.memory_space<vmem>> -> memref<1x1x8x8x128xf32, #tpu.memory_space<vmem>>
    %dma_wait3A_358 = tpu.memref_squeeze %dma_wait3A_357 : memref<1x1x8x8x128xf32, #tpu.memory_space<vmem>> -> memref<8x8x128xf32, #tpu.memory_space<vmem>>
    tpu.wait_dma2 semaphore(%arg15 : memref<!tpu.dma_semaphore, #tpu.memory_space<semaphore_mem>>) src(%dma_wait3A_358 : memref<8x8x128xf32, #tpu.memory_space<vmem>>) dst(%dma_wait3A_353 : memref<8x8x128xf32, #tpu.memory_space<hbm>>)
    %add3A_359 = arith.constant 3136 : i32
    %add3A_360 = arith.addi %add3A_359, %add3A : i32
    %jit3A_361 = arith.constant 64 : i32
    %div3A_362 = arith.divsi %add3A_360, %jit3A_361 : i32
    %sign3A_363 = arith.constant 0 : i32
    %sign3A_364 = arith.cmpi sgt, %add3A_360, %sign3A_363 : i32
    %sign3A_365 = arith.extui %sign3A_364 : i1 to i32
    %sign3A_366 = arith.constant 0 : i32
    %sign3A_367 = arith.cmpi slt, %add3A_360, %sign3A_366 : i32
    %sign3A_368 = arith.extui %sign3A_367 : i1 to i32
    %sign3A_369 = arith.subi %sign3A_365, %sign3A_368 : i32
    %sign3A_370 = arith.constant 0 : i32
    %sign3A_371 = arith.cmpi sgt, %jit3A_361, %sign3A_370 : i32
    %sign3A_372 = arith.extui %sign3A_371 : i1 to i32
    %sign3A_373 = arith.constant 0 : i32
    %sign3A_374 = arith.cmpi slt, %jit3A_361, %sign3A_373 : i32
    %sign3A_375 = arith.extui %sign3A_374 : i1 to i32
    %sign3A_376 = arith.subi %sign3A_372, %sign3A_375 : i32
    %ne3A_377 = arith.cmpi ne, %sign3A_369, %sign3A_376 : i32
    %rem3A_378 = arith.remsi %add3A_360, %jit3A_361 : i32
    %ne3A_379 = arith.constant 0 : i32
    %ne3A_380 = arith.cmpi ne, %rem3A_378, %ne3A_379 : i32
    %and3A_381 = arith.andi %ne3A_377, %ne3A_380 : i1
    %sub3A_382 = arith.constant 1 : i32
    %sub3A_383 = arith.subi %div3A_362, %sub3A_382 : i32
    %select_n3A_384 = arith.select %and3A_381, %sub3A_383, %div3A_362 : i32
    %jit3A_385 = arith.constant 64 : i32
    %eq3A_386 = arith.constant 0 : i32
    %eq3A_387 = arith.cmpi eq, %jit3A_385, %eq3A_386 : i32
    %jit3A_388 = arith.constant 1 : i32
    %select_n3A_389 = arith.select %eq3A_387, %jit3A_388, %jit3A_385 : i32
    %rem3A_390 = arith.remsi %add3A_360, %select_n3A_389 : i32
    %ne3A_391 = arith.constant 0 : i32
    %ne3A_392 = arith.cmpi ne, %rem3A_390, %ne3A_391 : i32
    %lt3A_393 = arith.constant 0 : i32
    %lt3A_394 = arith.cmpi slt, %rem3A_390, %lt3A_393 : i32
    %lt3A_395 = arith.constant 0 : i32
    %lt3A_396 = arith.cmpi slt, %select_n3A_389, %lt3A_395 : i32
    %ne3A_397 = arith.xori %lt3A_394, %lt3A_396 : i1
    %and3A_398 = arith.andi %ne3A_397, %ne3A_392 : i1
    %add3A_399 = arith.addi %rem3A_390, %select_n3A_389 : i32
    %select_n3A_400 = arith.select %and3A_398, %add3A_399, %rem3A_390 : i32
    %mul3A_401 = arith.constant 2 : i32
    %mul3A_402 = arith.muli %select_n3A_400, %mul3A_401 : i32
    %add3A_403 = arith.constant 0 : i32
    %add3A_404 = arith.addi %mul3A_402, %add3A_403 : i32
    %dma_wait3A_405 = arith.constant 2 : i32
    %dma_wait3A_406 = arith.constant 0 : i32
    %dma_wait3A_407 = arith.constant 0 : i32
    %dma_wait3A_408 = arith.constant 0 : i32
    %dma_wait3A_409 = arith.constant 0 : i32
    %dma_wait3A_410 = tpu.memref_slice %arg7[%dma_wait3A_405, %dma_wait3A_406, %dma_wait3A_407, %dma_wait3A_408, %dma_wait3A_409] : memref<3x2x8x8x129xf32, #tpu.memory_space<vmem>> -> memref<1x1x8x8x128xf32, #tpu.memory_space<vmem>>
    %dma_wait3A_411 = tpu.memref_squeeze %dma_wait3A_410 : memref<1x1x8x8x128xf32, #tpu.memory_space<vmem>> -> memref<8x8x128xf32, #tpu.memory_space<vmem>>
    %dma_wait3A_412 = arith.constant 0 : i32
    %dma_wait3A_413 = arith.constant 0 : i32
    %dma_wait3A_414 = arith.constant 0 : i32
    %dma_wait3A_415 = tpu.memref_slice %arg4[%select_n3A_384, %dma_wait3A_412, %add3A_404, %dma_wait3A_413, %dma_wait3A_414] : memref<50x8x128x8x128xf32, #tpu.memory_space<hbm>> -> memref<1x8x1x8x128xf32, #tpu.memory_space<hbm>>
    %dma_wait3A_416 = tpu.memref_squeeze %dma_wait3A_415 : memref<1x8x1x8x128xf32, #tpu.memory_space<hbm>> -> memref<8x8x128xf32, #tpu.memory_space<hbm>>
    %dma_wait3A_417 = arith.constant 0 : i32
    %dma_wait3A_418 = arith.constant 0 : i32
    %dma_wait3A_419 = arith.constant 0 : i32
    %dma_wait3A_420 = tpu.memref_slice %arg4[%select_n3A_384, %dma_wait3A_417, %add3A_404, %dma_wait3A_418, %dma_wait3A_419] : memref<50x8x128x8x128xf32, #tpu.memory_space<hbm>> -> memref<1x8x1x8x128xf32, #tpu.memory_space<hbm>>
    %dma_wait3A_421 = tpu.memref_squeeze %dma_wait3A_420 : memref<1x8x1x8x128xf32, #tpu.memory_space<hbm>> -> memref<8x8x128xf32, #tpu.memory_space<hbm>>
    %dma_wait3A_422 = arith.constant 0 : i32
    %dma_wait3A_423 = arith.constant 0 : i32
    %dma_wait3A_424 = arith.constant 0 : i32
    %dma_wait3A_425 = tpu.memref_slice %arg7[%dma_wait3A_405, %dma_wait3A_406, %dma_wait3A_422, %dma_wait3A_423, %dma_wait3A_424] : memref<3x2x8x8x129xf32, #tpu.memory_space<vmem>> -> memref<1x1x8x8x128xf32, #tpu.memory_space<vmem>>
    %dma_wait3A_426 = tpu.memref_squeeze %dma_wait3A_425 : memref<1x1x8x8x128xf32, #tpu.memory_space<vmem>> -> memref<8x8x128xf32, #tpu.memory_space<vmem>>
    tpu.wait_dma2 semaphore(%arg16 : memref<!tpu.dma_semaphore, #tpu.memory_space<semaphore_mem>>) src(%dma_wait3A_426 : memref<8x8x128xf32, #tpu.memory_space<vmem>>) dst(%dma_wait3A_421 : memref<8x8x128xf32, #tpu.memory_space<hbm>>)
    %add3A_427 = arith.constant 3136 : i32
    %add3A_428 = arith.addi %add3A_427, %add3A : i32
    %jit3A_429 = arith.constant 64 : i32
    %div3A_430 = arith.divsi %add3A_428, %jit3A_429 : i32
    %sign3A_431 = arith.constant 0 : i32
    %sign3A_432 = arith.cmpi sgt, %add3A_428, %sign3A_431 : i32
    %sign3A_433 = arith.extui %sign3A_432 : i1 to i32
    %sign3A_434 = arith.constant 0 : i32
    %sign3A_435 = arith.cmpi slt, %add3A_428, %sign3A_434 : i32
    %sign3A_436 = arith.extui %sign3A_435 : i1 to i32
    %sign3A_437 = arith.subi %sign3A_433, %sign3A_436 : i32
    %sign3A_438 = arith.constant 0 : i32
    %sign3A_439 = arith.cmpi sgt, %jit3A_429, %sign3A_438 : i32
    %sign3A_440 = arith.extui %sign3A_439 : i1 to i32
    %sign3A_441 = arith.constant 0 : i32
    %sign3A_442 = arith.cmpi slt, %jit3A_429, %sign3A_441 : i32
    %sign3A_443 = arith.extui %sign3A_442 : i1 to i32
    %sign3A_444 = arith.subi %sign3A_440, %sign3A_443 : i32
    %ne3A_445 = arith.cmpi ne, %sign3A_437, %sign3A_444 : i32
    %rem3A_446 = arith.remsi %add3A_428, %jit3A_429 : i32
    %ne3A_447 = arith.constant 0 : i32
    %ne3A_448 = arith.cmpi ne, %rem3A_446, %ne3A_447 : i32
    %and3A_449 = arith.andi %ne3A_445, %ne3A_448 : i1
    %sub3A_450 = arith.constant 1 : i32
    %sub3A_451 = arith.subi %div3A_430, %sub3A_450 : i32
    %select_n3A_452 = arith.select %and3A_449, %sub3A_451, %div3A_430 : i32
    %jit3A_453 = arith.constant 64 : i32
    %eq3A_454 = arith.constant 0 : i32
    %eq3A_455 = arith.cmpi eq, %jit3A_453, %eq3A_454 : i32
    %jit3A_456 = arith.constant 1 : i32
    %select_n3A_457 = arith.select %eq3A_455, %jit3A_456, %jit3A_453 : i32
    %rem3A_458 = arith.remsi %add3A_428, %select_n3A_457 : i32
    %ne3A_459 = arith.constant 0 : i32
    %ne3A_460 = arith.cmpi ne, %rem3A_458, %ne3A_459 : i32
    %lt3A_461 = arith.constant 0 : i32
    %lt3A_462 = arith.cmpi slt, %rem3A_458, %lt3A_461 : i32
    %lt3A_463 = arith.constant 0 : i32
    %lt3A_464 = arith.cmpi slt, %select_n3A_457, %lt3A_463 : i32
    %ne3A_465 = arith.xori %lt3A_462, %lt3A_464 : i1
    %and3A_466 = arith.andi %ne3A_465, %ne3A_460 : i1
    %add3A_467 = arith.addi %rem3A_458, %select_n3A_457 : i32
    %select_n3A_468 = arith.select %and3A_466, %add3A_467, %rem3A_458 : i32
    %mul3A_469 = arith.constant 2 : i32
    %mul3A_470 = arith.muli %select_n3A_468, %mul3A_469 : i32
    %add3A_471 = arith.constant 1 : i32
    %add3A_472 = arith.addi %mul3A_470, %add3A_471 : i32
    %dma_wait3A_473 = arith.constant 2 : i32
    %dma_wait3A_474 = arith.constant 1 : i32
    %dma_wait3A_475 = arith.constant 0 : i32
    %dma_wait3A_476 = arith.constant 0 : i32
    %dma_wait3A_477 = arith.constant 0 : i32
    %dma_wait3A_478 = tpu.memref_slice %arg7[%dma_wait3A_473, %dma_wait3A_474, %dma_wait3A_475, %dma_wait3A_476, %dma_wait3A_477] : memref<3x2x8x8x129xf32, #tpu.memory_space<vmem>> -> memref<1x1x8x8x128xf32, #tpu.memory_space<vmem>>
    %dma_wait3A_479 = tpu.memref_squeeze %dma_wait3A_478 : memref<1x1x8x8x128xf32, #tpu.memory_space<vmem>> -> memref<8x8x128xf32, #tpu.memory_space<vmem>>
    %dma_wait3A_480 = arith.constant 0 : i32
    %dma_wait3A_481 = arith.constant 0 : i32
    %dma_wait3A_482 = arith.constant 0 : i32
    %dma_wait3A_483 = tpu.memref_slice %arg4[%select_n3A_452, %dma_wait3A_480, %add3A_472, %dma_wait3A_481, %dma_wait3A_482] : memref<50x8x128x8x128xf32, #tpu.memory_space<hbm>> -> memref<1x8x1x8x128xf32, #tpu.memory_space<hbm>>
    %dma_wait3A_484 = tpu.memref_squeeze %dma_wait3A_483 : memref<1x8x1x8x128xf32, #tpu.memory_space<hbm>> -> memref<8x8x128xf32, #tpu.memory_space<hbm>>
    %dma_wait3A_485 = arith.constant 0 : i32
    %dma_wait3A_486 = arith.constant 0 : i32
    %dma_wait3A_487 = arith.constant 0 : i32
    %dma_wait3A_488 = tpu.memref_slice %arg4[%select_n3A_452, %dma_wait3A_485, %add3A_472, %dma_wait3A_486, %dma_wait3A_487] : memref<50x8x128x8x128xf32, #tpu.memory_space<hbm>> -> memref<1x8x1x8x128xf32, #tpu.memory_space<hbm>>
    %dma_wait3A_489 = tpu.memref_squeeze %dma_wait3A_488 : memref<1x8x1x8x128xf32, #tpu.memory_space<hbm>> -> memref<8x8x128xf32, #tpu.memory_space<hbm>>
    %dma_wait3A_490 = arith.constant 0 : i32
    %dma_wait3A_491 = arith.constant 0 : i32
    %dma_wait3A_492 = arith.constant 0 : i32
    %dma_wait3A_493 = tpu.memref_slice %arg7[%dma_wait3A_473, %dma_wait3A_474, %dma_wait3A_490, %dma_wait3A_491, %dma_wait3A_492] : memref<3x2x8x8x129xf32, #tpu.memory_space<vmem>> -> memref<1x1x8x8x128xf32, #tpu.memory_space<vmem>>
    %dma_wait3A_494 = tpu.memref_squeeze %dma_wait3A_493 : memref<1x1x8x8x128xf32, #tpu.memory_space<vmem>> -> memref<8x8x128xf32, #tpu.memory_space<vmem>>
    tpu.wait_dma2 semaphore(%arg16 : memref<!tpu.dma_semaphore, #tpu.memory_space<semaphore_mem>>) src(%dma_wait3A_494 : memref<8x8x128xf32, #tpu.memory_space<vmem>>) dst(%dma_wait3A_489 : memref<8x8x128xf32, #tpu.memory_space<hbm>>)
    %add3A_495 = arith.constant 3168 : i32
    %add3A_496 = arith.addi %add3A_495, %add3A : i32
    %jit3A_497 = arith.constant 64 : i32
    %div3A_498 = arith.divsi %add3A_496, %jit3A_497 : i32
    %sign3A_499 = arith.constant 0 : i32
    %sign3A_500 = arith.cmpi sgt, %add3A_496, %sign3A_499 : i32
    %sign3A_501 = arith.extui %sign3A_500 : i1 to i32
    %sign3A_502 = arith.constant 0 : i32
    %sign3A_503 = arith.cmpi slt, %add3A_496, %sign3A_502 : i32
    %sign3A_504 = arith.extui %sign3A_503 : i1 to i32
    %sign3A_505 = arith.subi %sign3A_501, %sign3A_504 : i32
    %sign3A_506 = arith.constant 0 : i32
    %sign3A_507 = arith.cmpi sgt, %jit3A_497, %sign3A_506 : i32
    %sign3A_508 = arith.extui %sign3A_507 : i1 to i32
    %sign3A_509 = arith.constant 0 : i32
    %sign3A_510 = arith.cmpi slt, %jit3A_497, %sign3A_509 : i32
    %sign3A_511 = arith.extui %sign3A_510 : i1 to i32
    %sign3A_512 = arith.subi %sign3A_508, %sign3A_511 : i32
    %ne3A_513 = arith.cmpi ne, %sign3A_505, %sign3A_512 : i32
    %rem3A_514 = arith.remsi %add3A_496, %jit3A_497 : i32
    %ne3A_515 = arith.constant 0 : i32
    %ne3A_516 = arith.cmpi ne, %rem3A_514, %ne3A_515 : i32
    %and3A_517 = arith.andi %ne3A_513, %ne3A_516 : i1
    %sub3A_518 = arith.constant 1 : i32
    %sub3A_519 = arith.subi %div3A_498, %sub3A_518 : i32
    %select_n3A_520 = arith.select %and3A_517, %sub3A_519, %div3A_498 : i32
    %jit3A_521 = arith.constant 64 : i32
    %eq3A_522 = arith.constant 0 : i32
    %eq3A_523 = arith.cmpi eq, %jit3A_521, %eq3A_522 : i32
    %jit3A_524 = arith.constant 1 : i32
    %select_n3A_525 = arith.select %eq3A_523, %jit3A_524, %jit3A_521 : i32
    %rem3A_526 = arith.remsi %add3A_496, %select_n3A_525 : i32
    %ne3A_527 = arith.constant 0 : i32
    %ne3A_528 = arith.cmpi ne, %rem3A_526, %ne3A_527 : i32
    %lt3A_529 = arith.constant 0 : i32
    %lt3A_530 = arith.cmpi slt, %rem3A_526, %lt3A_529 : i32
    %lt3A_531 = arith.constant 0 : i32
    %lt3A_532 = arith.cmpi slt, %select_n3A_525, %lt3A_531 : i32
    %ne3A_533 = arith.xori %lt3A_530, %lt3A_532 : i1
    %and3A_534 = arith.andi %ne3A_533, %ne3A_528 : i1
    %add3A_535 = arith.addi %rem3A_526, %select_n3A_525 : i32
    %select_n3A_536 = arith.select %and3A_534, %add3A_535, %rem3A_526 : i32
    %mul3A_537 = arith.constant 2 : i32
    %mul3A_538 = arith.muli %select_n3A_536, %mul3A_537 : i32
    %add3A_539 = arith.constant 0 : i32
    %add3A_540 = arith.addi %mul3A_538, %add3A_539 : i32
    %dma_wait3A_541 = arith.constant 0 : i32
    %dma_wait3A_542 = arith.constant 0 : i32
    %dma_wait3A_543 = arith.constant 0 : i32
    %dma_wait3A_544 = arith.constant 0 : i32
    %dma_wait3A_545 = arith.constant 0 : i32
    %dma_wait3A_546 = tpu.memref_slice %arg7[%dma_wait3A_541, %dma_wait3A_542, %dma_wait3A_543, %dma_wait3A_544, %dma_wait3A_545] : memref<3x2x8x8x129xf32, #tpu.memory_space<vmem>> -> memref<1x1x8x8x128xf32, #tpu.memory_space<vmem>>
    %dma_wait3A_547 = tpu.memref_squeeze %dma_wait3A_546 : memref<1x1x8x8x128xf32, #tpu.memory_space<vmem>> -> memref<8x8x128xf32, #tpu.memory_space<vmem>>
    %dma_wait3A_548 = arith.constant 0 : i32
    %dma_wait3A_549 = arith.constant 0 : i32
    %dma_wait3A_550 = arith.constant 0 : i32
    %dma_wait3A_551 = tpu.memref_slice %arg4[%select_n3A_520, %dma_wait3A_548, %add3A_540, %dma_wait3A_549, %dma_wait3A_550] : memref<50x8x128x8x128xf32, #tpu.memory_space<hbm>> -> memref<1x8x1x8x128xf32, #tpu.memory_space<hbm>>
    %dma_wait3A_552 = tpu.memref_squeeze %dma_wait3A_551 : memref<1x8x1x8x128xf32, #tpu.memory_space<hbm>> -> memref<8x8x128xf32, #tpu.memory_space<hbm>>
    %dma_wait3A_553 = arith.constant 0 : i32
    %dma_wait3A_554 = arith.constant 0 : i32
    %dma_wait3A_555 = arith.constant 0 : i32
    %dma_wait3A_556 = tpu.memref_slice %arg4[%select_n3A_520, %dma_wait3A_553, %add3A_540, %dma_wait3A_554, %dma_wait3A_555] : memref<50x8x128x8x128xf32, #tpu.memory_space<hbm>> -> memref<1x8x1x8x128xf32, #tpu.memory_space<hbm>>
    %dma_wait3A_557 = tpu.memref_squeeze %dma_wait3A_556 : memref<1x8x1x8x128xf32, #tpu.memory_space<hbm>> -> memref<8x8x128xf32, #tpu.memory_space<hbm>>
    %dma_wait3A_558 = arith.constant 0 : i32
    %dma_wait3A_559 = arith.constant 0 : i32
    %dma_wait3A_560 = arith.constant 0 : i32
    %dma_wait3A_561 = tpu.memref_slice %arg7[%dma_wait3A_541, %dma_wait3A_542, %dma_wait3A_558, %dma_wait3A_559, %dma_wait3A_560] : memref<3x2x8x8x129xf32, #tpu.memory_space<vmem>> -> memref<1x1x8x8x128xf32, #tpu.memory_space<vmem>>
    %dma_wait3A_562 = tpu.memref_squeeze %dma_wait3A_561 : memref<1x1x8x8x128xf32, #tpu.memory_space<vmem>> -> memref<8x8x128xf32, #tpu.memory_space<vmem>>
    tpu.wait_dma2 semaphore(%arg14 : memref<!tpu.dma_semaphore, #tpu.memory_space<semaphore_mem>>) src(%dma_wait3A_562 : memref<8x8x128xf32, #tpu.memory_space<vmem>>) dst(%dma_wait3A_557 : memref<8x8x128xf32, #tpu.memory_space<hbm>>)
    %add3A_563 = arith.constant 3168 : i32
    %add3A_564 = arith.addi %add3A_563, %add3A : i32
    %jit3A_565 = arith.constant 64 : i32
    %div3A_566 = arith.divsi %add3A_564, %jit3A_565 : i32
    %sign3A_567 = arith.constant 0 : i32
    %sign3A_568 = arith.cmpi sgt, %add3A_564, %sign3A_567 : i32
    %sign3A_569 = arith.extui %sign3A_568 : i1 to i32
    %sign3A_570 = arith.constant 0 : i32
    %sign3A_571 = arith.cmpi slt, %add3A_564, %sign3A_570 : i32
    %sign3A_572 = arith.extui %sign3A_571 : i1 to i32
    %sign3A_573 = arith.subi %sign3A_569, %sign3A_572 : i32
    %sign3A_574 = arith.constant 0 : i32
    %sign3A_575 = arith.cmpi sgt, %jit3A_565, %sign3A_574 : i32
    %sign3A_576 = arith.extui %sign3A_575 : i1 to i32
    %sign3A_577 = arith.constant 0 : i32
    %sign3A_578 = arith.cmpi slt, %jit3A_565, %sign3A_577 : i32
    %sign3A_579 = arith.extui %sign3A_578 : i1 to i32
    %sign3A_580 = arith.subi %sign3A_576, %sign3A_579 : i32
    %ne3A_581 = arith.cmpi ne, %sign3A_573, %sign3A_580 : i32
    %rem3A_582 = arith.remsi %add3A_564, %jit3A_565 : i32
    %ne3A_583 = arith.constant 0 : i32
    %ne3A_584 = arith.cmpi ne, %rem3A_582, %ne3A_583 : i32
    %and3A_585 = arith.andi %ne3A_581, %ne3A_584 : i1
    %sub3A_586 = arith.constant 1 : i32
    %sub3A_587 = arith.subi %div3A_566, %sub3A_586 : i32
    %select_n3A_588 = arith.select %and3A_585, %sub3A_587, %div3A_566 : i32
    %jit3A_589 = arith.constant 64 : i32
    %eq3A_590 = arith.constant 0 : i32
    %eq3A_591 = arith.cmpi eq, %jit3A_589, %eq3A_590 : i32
    %jit3A_592 = arith.constant 1 : i32
    %select_n3A_593 = arith.select %eq3A_591, %jit3A_592, %jit3A_589 : i32
    %rem3A_594 = arith.remsi %add3A_564, %select_n3A_593 : i32
    %ne3A_595 = arith.constant 0 : i32
    %ne3A_596 = arith.cmpi ne, %rem3A_594, %ne3A_595 : i32
    %lt3A_597 = arith.constant 0 : i32
    %lt3A_598 = arith.cmpi slt, %rem3A_594, %lt3A_597 : i32
    %lt3A_599 = arith.constant 0 : i32
    %lt3A_600 = arith.cmpi slt, %select_n3A_593, %lt3A_599 : i32
    %ne3A_601 = arith.xori %lt3A_598, %lt3A_600 : i1
    %and3A_602 = arith.andi %ne3A_601, %ne3A_596 : i1
    %add3A_603 = arith.addi %rem3A_594, %select_n3A_593 : i32
    %select_n3A_604 = arith.select %and3A_602, %add3A_603, %rem3A_594 : i32
    %mul3A_605 = arith.constant 2 : i32
    %mul3A_606 = arith.muli %select_n3A_604, %mul3A_605 : i32
    %add3A_607 = arith.constant 1 : i32
    %add3A_608 = arith.addi %mul3A_606, %add3A_607 : i32
    %dma_wait3A_609 = arith.constant 0 : i32
    %dma_wait3A_610 = arith.constant 1 : i32
    %dma_wait3A_611 = arith.constant 0 : i32
    %dma_wait3A_612 = arith.constant 0 : i32
    %dma_wait3A_613 = arith.constant 0 : i32
    %dma_wait3A_614 = tpu.memref_slice %arg7[%dma_wait3A_609, %dma_wait3A_610, %dma_wait3A_611, %dma_wait3A_612, %dma_wait3A_613] : memref<3x2x8x8x129xf32, #tpu.memory_space<vmem>> -> memref<1x1x8x8x128xf32, #tpu.memory_space<vmem>>
    %dma_wait3A_615 = tpu.memref_squeeze %dma_wait3A_614 : memref<1x1x8x8x128xf32, #tpu.memory_space<vmem>> -> memref<8x8x128xf32, #tpu.memory_space<vmem>>
    %dma_wait3A_616 = arith.constant 0 : i32
    %dma_wait3A_617 = arith.constant 0 : i32
    %dma_wait3A_618 = arith.constant 0 : i32
    %dma_wait3A_619 = tpu.memref_slice %arg4[%select_n3A_588, %dma_wait3A_616, %add3A_608, %dma_wait3A_617, %dma_wait3A_618] : memref<50x8x128x8x128xf32, #tpu.memory_space<hbm>> -> memref<1x8x1x8x128xf32, #tpu.memory_space<hbm>>
    %dma_wait3A_620 = tpu.memref_squeeze %dma_wait3A_619 : memref<1x8x1x8x128xf32, #tpu.memory_space<hbm>> -> memref<8x8x128xf32, #tpu.memory_space<hbm>>
    %dma_wait3A_621 = arith.constant 0 : i32
    %dma_wait3A_622 = arith.constant 0 : i32
    %dma_wait3A_623 = arith.constant 0 : i32
    %dma_wait3A_624 = tpu.memref_slice %arg4[%select_n3A_588, %dma_wait3A_621, %add3A_608, %dma_wait3A_622, %dma_wait3A_623] : memref<50x8x128x8x128xf32, #tpu.memory_space<hbm>> -> memref<1x8x1x8x128xf32, #tpu.memory_space<hbm>>
    %dma_wait3A_625 = tpu.memref_squeeze %dma_wait3A_624 : memref<1x8x1x8x128xf32, #tpu.memory_space<hbm>> -> memref<8x8x128xf32, #tpu.memory_space<hbm>>
    %dma_wait3A_626 = arith.constant 0 : i32
    %dma_wait3A_627 = arith.constant 0 : i32
    %dma_wait3A_628 = arith.constant 0 : i32
    %dma_wait3A_629 = tpu.memref_slice %arg7[%dma_wait3A_609, %dma_wait3A_610, %dma_wait3A_626, %dma_wait3A_627, %dma_wait3A_628] : memref<3x2x8x8x129xf32, #tpu.memory_space<vmem>> -> memref<1x1x8x8x128xf32, #tpu.memory_space<vmem>>
    %dma_wait3A_630 = tpu.memref_squeeze %dma_wait3A_629 : memref<1x1x8x8x128xf32, #tpu.memory_space<vmem>> -> memref<8x8x128xf32, #tpu.memory_space<vmem>>
    tpu.wait_dma2 semaphore(%arg14 : memref<!tpu.dma_semaphore, #tpu.memory_space<semaphore_mem>>) src(%dma_wait3A_630 : memref<8x8x128xf32, #tpu.memory_space<vmem>>) dst(%dma_wait3A_625 : memref<8x8x128xf32, #tpu.memory_space<hbm>>)
    return
  }
}

</mosaic_0001>

<sc_bundles>
// kernel: kernel.3.cloned.1.call-start
scs
__scs_entry_jumppad:
0x0: {  	(pc) =	sbr.rel $0x88, $3  }
0x1: {  	(tag) =	ssettag $0x0;
	lr =	simm.s32 $0x1  }
0x2: {  	[smem:$0x3F9F] =	sst lr;
	_ =	strace $0xD0000000  }
0x3: {  	_ = 	snop  }
0x4: {  	_ = 	snop  }
0x5: {  	_ = 	snop  }
0x6: {  	_ = 	snop  }
0x7: {  	_ = 	snop  }
__scs_overlays_trampoline_lowered:
0x8: {  	[smem:$0x3FAE] =	sst s0  }
0x9: {  	[smem:$0x3FAF] =	sst s1  }
0xa: {  	[smem:$0x3FB0] =	sst s2  }
0xb: {  	[smem:$0x3FB1] =	sst s3  }
0xc: {  	[smem:$0x3FB2] =	sst s4  }
0xd: {  	[smem:$0x3FB3] =	sst s5  }
0xe: {  	[smem:$0x3FB4] =	sst s6  }
0xf: {  	[smem:$0x3FB5] =	sst s7  }
0x10: {  	[smem:$0x3FB6] =	sst s8  }
0x11: {  	[smem:$0x3FB7] =	sst s9;
	s0 =	simm.s32 @!p0 $0x0  }
0x12: {  	s1 =	sld [smem:$0x3F9D];
	s0 =	simm.s32 @p0 $0x1  }
0x13: {  	[smem:$0x3FB8] =	sst s0;
	s0 =	simm.s32 @!p1 $0x0  }
0x14: {  	s2 =	sld [smem:$0x3F9C];
	s0 =	simm.s32 @p1 $0x1  }
0x15: {  	[smem:$0x3FB9] =	sst s0;
	s0 =	simm.s32 @!p2 $0x0  }
0x16: {  	s3 =	sld [smem:$0x3FDB];
	s0 =	simm.s32 @p2 $0x1  }
0x17: {  	s4 =	simm.s32 $0x1BF5;
	[smem:$0x3FBB] =	sst s0  }
0x18: {  	s0 =	sld [smem:$0x3F9E];
	_ =	swait.ge [sflag:s4], $0x0  }
0x19: {  	s7 =	sld [smem:$0x3F9F]  }
0x1a: {  	s8 =	sadd.s32 $0xFFFFE003, lr  }
0x1b: {  	s9 =	sadd.s32 $0xFFFFFEF7, lr;
	s5 =	simm.s32 $0xFFFFFFFF;
	p2 =	slt.u32 s8, $0xFFFFF086  }
0x1c: {  	p1 =	slt.u32 s9, $0xF7A;
	s5 =	simm.s32 @!p2 $0x0  }
0x1d: {  	s5 =	simm.s32 @p1 $0x1;
	p0 =	seq.s32 s7, s2  }
0x1e: {  	s7 =	smul.u32 @!p0 $0xF7A, s2;
	p2 =	seq.s32 @!p0 s5, $0x0  }
0x1f: {  	s9 =	smul.u32 $0xF7A, s1;
	s8 =	simm.s32 @!p0 $0x1BF5;
	p2 =	por !p2, p0  }
0x20: {  	[sflag:s8] =	ssyncset.s32 @!p0 $0xFFFFF086;
	s6 =	sadd.s32 @!p0 s3, s7;
	s7 =	simm.s32 @!p0 $0x108  }
0x21: {  	s3 =	sadd.s32 s3, s9;
	s6 =	sadd.s32 @!p0 $0x88, s6;
	s7 =	simm.s32 @p2 $0x1082  }
0x22: {  	[simem:s7], [sflag:s8] =	dma.local @!p0 [hbm:s6], $0xF7A  }
0x23: {  	s9 =	sor.u32 $0xD0000000, s2;
	s6 =	simm.s32 $0x108;
	_ =	swait.ge @!p0 [sflag:s8], $0x0  }
0x24: {  	s3 =	sadd.s32 $0x88, s3;
	s6 =	simm.s32 @!p1 $0x1082;
	[sflag:s4] =	ssyncset.s32 $0xFFFFF086  }
0x25: {  	[simem:s6], [sflag:s4] =	dma.local [hbm:s3], $0xF7A  }
0x26: {  	[smem:$0x3F9F] =	sst s1;
	(tag) =	ssettag s2;
	_ =	strace s9  }
0x27: {  	s1 =	sld [smem:$0x3FAF]  }
0x28: {  	s2 =	sld [smem:$0x3FB0]  }
0x29: {  	s4 =	sld [smem:$0x3FB2]  }
0x2a: {  	p0 =	seq.s32 s5, $0x0;
	s5 =	sld [smem:$0x3FB3]  }
0x2b: {  	s6 =	sld [smem:$0x3FB4]  }
0x2c: {  	s7 =	sld [smem:$0x3FB5]  }
0x2d: {  	s3 =	simm.s32 $0x108;
	s8 =	sld [smem:$0x3FB6]  }
0x2e: {  	s3 =	simm.s32 @!p0 $0x1082;
	s9 =	sld [smem:$0x3FB7]  }
0x2f: {  	lr =	sadd.s32 s0, s3;
	s0 =	sld [smem:$0x3FAE]  }
0x30: {  	s3 =	sld [smem:$0x3FB1]  }
0x31: {  	[smem:$0x3FBA] =	sst s10  }
0x32: {  	s10 =	sld [smem:$0x3FB8];
	_ =	sdelay $0x3  }
0x33: {  	p0 =	seq.s32 s10, $0x1;
	s10 =	sld [smem:$0x3FBA];
	_ =	sdelay $0x3  }
0x34: {  	[smem:$0x3FBA] =	sst s10  }
0x35: {  	s10 =	sld [smem:$0x3FB9];
	_ =	sdelay $0x3  }
0x36: {  	p1 =	seq.s32 s10, $0x1;
	s10 =	sld [smem:$0x3FBA];
	_ =	sdelay $0x3  }
0x37: {  	[smem:$0x3FBA] =	sst s10  }
0x38: {  	s10 =	sld [smem:$0x3FBB]  }
0x39: {  	_ = 	snop;
	(pc) =	sbr.ind lr, $3  }
0x3a: {  	_ = 	snop  }
0x3b: {  	_ = 	snop  }
0x3c: {  	p2 =	seq.s32 s10, $0x1;
	s10 =	sld [smem:$0x3FBA]  }
0x3d: {  	_ =	shalt  }
0x3e: {  	_ =	shalt  }
0x3f: {  	_ =	shalt  }
0x40: {  	_ =	shalt  }
0x41: {  	_ =	shalt  }
0x42: {  	_ =	shalt  }
0x43: {  	_ =	shalt  }
0x44: {  	_ =	shalt  }
0x45: {  	_ =	shalt  }
0x46: {  	_ =	shalt  }
0x47: {  	_ =	shalt  }
0x48: {  	_ =	shalt  }
0x49: {  	_ =	shalt  }
0x4a: {  	_ =	shalt  }
0x4b: {  	_ =	shalt  }
0x4c: {  	_ =	shalt  }
0x4d: {  	_ =	shalt  }
0x4e: {  	_ =	shalt  }
0x4f: {  	_ =	shalt  }
0x50: {  	_ =	shalt  }
0x51: {  	_ =	shalt  }
0x52: {  	_ =	shalt  }
0x53: {  	_ =	shalt  }
0x54: {  	_ =	shalt  }
0x55: {  	_ =	shalt  }
0x56: {  	_ =	shalt  }
0x57: {  	_ =	shalt  }
0x58: {  	_ =	shalt  }
0x59: {  	_ =	shalt  }
0x5a: {  	_ =	shalt  }
0x5b: {  	_ =	shalt  }
0x5c: {  	_ =	shalt  }
0x5d: {  	_ =	shalt  }
0x5e: {  	_ =	shalt  }
0x5f: {  	_ =	shalt  }
0x60: {  	_ =	shalt  }
0x61: {  	_ =	shalt  }
0x62: {  	_ =	shalt  }
0x63: {  	_ =	shalt  }
0x64: {  	_ =	shalt  }
0x65: {  	_ =	shalt  }
0x66: {  	_ =	shalt  }
0x67: {  	_ =	shalt  }
0x68: {  	_ =	shalt  }
0x69: {  	_ =	shalt  }
0x6a: {  	_ =	shalt  }
0x6b: {  	_ =	shalt  }
0x6c: {  	_ =	shalt  }
0x6d: {  	_ =	shalt  }
0x6e: {  	_ =	shalt  }
0x6f: {  	_ =	shalt  }
0x70: {  	_ =	shalt  }
0x71: {  	_ =	shalt  }
0x72: {  	_ =	shalt  }
0x73: {  	_ =	shalt  }
0x74: {  	_ =	shalt  }
0x75: {  	_ =	shalt  }
0x76: {  	_ =	shalt  }
0x77: {  	_ =	shalt  }
0x78: {  	_ =	shalt  }
0x79: {  	_ =	shalt  }
0x7a: {  	_ =	shalt  }
0x7b: {  	_ =	shalt  }
0x7c: {  	_ =	shalt  }
0x7d: {  	_ =	shalt  }
0x7e: {  	_ =	shalt  }
0x7f: {  	_ =	shalt  }
0x80: {  	_ =	shalt  }
0x81: {  	_ =	shalt  }
0x82: {  	_ =	shalt  }
0x83: {  	_ =	shalt  }
0x84: {  	_ =	shalt  }
0x85: {  	_ =	shalt  }
0x86: {  	_ =	shalt  }
0x87: {  	_ =	shalt  }
.Lfunc_end0:
.L_simem_size_0:
called_computation_lowered:
.L_overlay_start_0:
0x88: {  	s2 =	sld [smem:$0x3FD9]  }
0x89: {  	s3 =	sld [smem:$0x3FFE];
	_ =	sdelay $0x1  }
0x8a: {  	s1 =	srdreg.scid  }
0x8b: {  	s0 =	sand.u32 $0x1, s1  }
0x8c: {  	s17 =	sshll.u32 s0, $0xA;
	s2 =	sadd.s32 s3, s2  }
0x8d: {  	s2 =	sadd.s32 s2, s17  }
0x8e: {  	[smem:$0x3FC6] =	sst s2  }
0x8f: {  	_ = 	snop  }
0x90: {  	s2 =	sld [smem:$0x3FD0];
	(tm) =	ssettm $0x1  }
0x91: {  	s18 =	sld [smem:$0x3FFB];
	_ =	sdelay $0x3  }
0x92: {  	_ =	strace s18  }
0x93: {  	s3 =	sld [smem:$0x3FFC];
	_ =	sdelay $0x3  }
0x94: {  	_ =	strace s3  }
0x95: {  	s3 =	sld [smem:$0x3FFD];
	_ =	sdelay $0x3  }
0x96: {  	_ =	strace s3  }
0x97: {  	_ =	strace $0x8FFFFFFF  }
0x98: {  	s19 =	sld [smem:$0x3FDB];
	_ =	sdelay $0x1  }
0x99: {  	s4 =	simm.s32 $_scs_section_size  }
0x9a: {  	s5 =	simm.s32 $_size__tile_overlayer_lowered;
	s6 =	simm.s32 $_tile_overlayer_lowered  }
0x9b: {  	s22 =	simm.s32 $0x1BFF;
	s21 =	sshll.u32 s6, $0x1;
	s3 =	sadd.s32 s4, s19  }
0x9c: {  	s7 =	simm.s32 $0x0;
	s20 =	sshll.u32 s5, $0x1;
	s5 =	sadd.s32 s21, s3  }
0x9d: {  	[timem:s7], [sflag:s22] =	dma.local [hbm:s5], s20  }
0x9e: {  	_ =	swait.ge [sflag:s22], s20  }
0x9f: {  	s4 =	ssub.s32 $0x0, s20;
	[sflag:s22] =	ssyncset.done $0x0  }
0xa0: {  	[sflag:s22] =	ssyncadd.s32 s4;
	_ =	sdelay $0x1  }
0xa1: {  	s23 =	simm.s32 $0x1B8B  }
0xa2: {  	_ =	swait.ge [sflag:s23], $0x1  }
0xa3: {  	[sflag:s23] =	ssyncset.done $0x0  }
0xa4: {  	s25 =	simm.s32 $0x1B8E;
	s24 =	sld [smem:$0x3FFE];
	[sflag:s23] =	ssyncadd.s32 $0xFFFFFFFF  }
0xa5: {  	s26 =	simm.s32 $execute0_lowered;
	[smem:$0x3FD2] =	sst s25  }
0xa6: {  	s5 =	sshll.u32 s26, $0x1;
	_ =	strace $0x80000046;
	[dreg:$0x1] =	wrdreg $0xFFFFFFFF  }
0xa7: {  	s28 =	simm.s32 $_size_execute0_lowered;
	s3 =	sadd.s32 s3, s5;
	[dreg:$0x0] =	wrdreg $0x0  }
0xa8: {  	s5 =	sshll.u32 s28, $0x1;
	[dreg:$0x2] =	wrdreg s3  }
0xa9: {  	[dreg:$0x3] =	wrdreg s5  }
0xaa: {  	[dreg:$0x4] =	wrdreg $0xC0  }
0xab: {  	_ =	task [dreg:s7], $0x5FFFF  }
0xac: {  	[dreg:$0x1] =	wrdreg $0xFFFFFFFF  }
0xad: {  	[dreg:$0x0] =	wrdreg $0x60  }
0xae: {  	[dreg:$0x2] =	wrdreg s24  }
0xaf: {  	[dreg:$0x3] =	wrdreg s2  }
0xb0: {  	[dreg:$0x4] =	wrdreg $0x9  }
0xb1: {  	_ =	task.clear_ibuf [dreg:s7], $0x5FFFF;
	_ =	strace $0x90000046  }
0xb2: {  	s29 =	simm.s32 $0x9;
	_ =	strace $0x80000048  }
0xb3: {  	_ =	swait.ge [sflag:s29], $0x1  }
0xb4: {  	[sflag:s29] =	ssyncadd.s32 $0xFFFFFFFF  }
0xb5: {  	_ =	strace $0x90000048  }
0xb6: {  	_ =	sfence  }
0xb7: {  	s30 =	sld [smem:$0x0];
	_ =	sdelay $0x2  }
0xb8: {  	s31 =	sshll.u32 s1, $0xD;
	s1 =	sshrl.u32 s1, $0x2  }
0xb9: {  	s3 =	sand.u32 $0x4000, s31;
	s1 =	sadd.s32 s1, s30  }
0xba: {  	s0 =	sor.u32 s3, s0;
	s1 =	sshll.u32 s1, $0x11  }
0xbb: {  	s0 =	sor.u32 s1, s0  }
0xbc: {  	s0 =	sadd.s32 $0x8F2B, s0  }
0xbd: {  	[sflag:s0] =	ssyncadd.remote.s32 $0x1  }
0xbe: {  	_ =	sfence.sel $0xFFFF  }
0xbf: {  	[dreg:$0x0] =	wrdreg $0xFFFFFFFF;
	(pc) =	sbr.abs _section_cstart, $3  }
0xc0: {  	[dreg:$0x1] =	wrdreg $0xFFFFFFFF  }
0xc1: {  	_ =	task.clear_ibuf [dreg:s7], $0x2FFFF;
	_ =	strace $0x9FFFFFFF  }
0xc2: {  	(tm) =	ssettm $0x7FFFFFFF  }
0xc3: {  	_ =	shalt  }
tec
execute0_lowered:
.L_overlay_start_1:
0x0: {  	(tag) =	ssettag $0x1  }
0x1: {  	s0 =	rddreg [dreg:$0x0]  }
0x2: {  	s1 =	srdreg.scid;
	s3 =	stileid.u32  }
0x3: {  	s2 =	rddreg [dreg:$0x1];
	s9 =	simm.s32 $0x1;
	s10 =	simm.s32 $0x100  }
0x4: {  	s11 =	simm.s32 $0x300;
	s12 =	simm.s32 $0x9;
	s13 =	simm.s32 $0x6  }
0x5: {  	s14 =	simm.s32 $0x14B00;
	s15 =	simm.s32 $0x8;
	s16 =	simm.s32 $0x7  }
0x6: {  	s17 =	simm.s32 $0x3;
	s18 =	simm.s32 $0x200;
	s20 =	simm.s32 $0x5  }
0x7: {  	s21 =	simm.s32 $0x10700;
	s22 =	simm.s32 $0x2;
	s24 =	simm.s32 $0x4  }
0x8: {  	s25 =	simm.s32 $0xC300;
	s1 =	sand.u32 $0x1, s1;
	s4 =	sshll.u32 s3, $0x1  }
0x9: {  	s26 =	simm.s32 $0x0;
	s3 =	simm.s32 $0x0;
	s6 =	sor.u32 s1, s4  }
.Ltmp0:
0xa: {  	s1 =	ssub.s32 $0x2, s1;
	s4 =	sshll.u32 s6, $0x5;
	(pc) =	sbr.rel .LBB2_1-.Ltmp0, $4  }
0xb: {  	v0 =	vlaneseq.u32;
	[smem:$0x7FF] =	sst s3;
	s5 =	sshrl.u32 s1, $0x1;
	s7 =	sadd.s32 s4, s0  }
0xc: {  	v1 =	vimm.s32 $0x0;
	vm0 =	vcmask $0x300;
	v0 =	vmul.u32 $0x88, v0;
	_ =	strace $0x80000047;
	s30 =	ssub.s32 s1, s5;
	s31 =	sadd.s32 $0xA00, s7  }
0xd: {  	v1 =	vsel vm0, $0x3, v1;
	s4 =	sadd.s32 $0xF42A00, s0;
	s0 =	smax.u32 s30, $0x1;
	[dreg:$0x3] =	wrdreg s31  }
0xe: {  	v2 =	vadd.s32 $0x880, v0;
	v3 =	vadd.s32 $0x1100, v0;
	v4 =	vadd.s32 $0x1980, v0;
	s5 =	sadd.s32 $0x600, s7;
	s7 =	sshll.u32 s6, $0xB;
	[dreg:$0x4] =	wrdreg s0  }
.LBB2_41:
0xf: {  	_ =	swait.ge [sflag:s15], $0x2000  }
0x10: {  	[sflag:s15] =	ssyncset.done $0x0  }
0x11: {  	[sflag:s15] =	ssyncadd.s32 $0xFFFFE000  }
0x12: {  	_ =	swait.ge [sflag:s15], $0x2000  }
0x13: {  	[sflag:s15] =	ssyncset.done $0x0  }
0x14: {  	[sflag:s15] =	ssyncadd.s32 $0xFFFFE000  }
0x15: {  	_ =	swait.ge [sflag:s12], $0x2000  }
0x16: {  	[sflag:s12] =	ssyncset.done $0x0  }
0x17: {  	[sflag:s12] =	ssyncadd.s32 $0xFFFFE000  }
0x18: {  	_ =	swait.ge [sflag:s12], $0x2000  }
0x19: {  	[sflag:s12] =	ssyncset.done $0x0  }
0x1a: {  	[sflag:s12] =	ssyncadd.s32 $0xFFFFE000  }
0x1b: {  	_ =	swait.ge [sflag:s16], $0x2000  }
0x1c: {  	[sflag:s16] =	ssyncset.done $0x0  }
0x1d: {  	[sflag:s16] =	ssyncadd.s32 $0xFFFFE000  }
0x1e: {  	_ =	swait.ge [sflag:s16], $0x2000  }
0x1f: {  	s26 =	sadd.s32 $0x1, s26;
	s0 =	rddreg [dreg:$0x4]  }
0x20: {  	p0 =	sne.s32 s26, s0  }
.Ltmp1:
0x21: {  	_ = 	snop;
	(pc) =	sbr.rel @!p0 .LBB2_42-.Ltmp1, $3  }
0x22: {  	_ =	sdelay $0x1  }
0x23: {  	[sflag:s16] =	ssyncset.done $0x0  }
0x24: {  	[sflag:s16] =	ssyncadd.s32 $0xFFFFE000  }
.LBB2_1:
0x25: {  	[tilespmem:s3], [sflag:$0x1] =	stream.linear.gather [hbm4b:s5+s3], $0x100, $0x38;
	[tilespmem:$0x18F00] =	vst v63  }
0x26: {  	_ =	swait.ge [sflag:s9], $0x100  }
.Ltmp2:
0x27: {  	[sflag:s9] =	ssyncset.done $0x0;
	(pc) =	sbr.rel .LBB2_2-.Ltmp2, $4  }
0x28: {  	[sflag:s9] =	ssyncadd.s32 $0xFFFFFF00  }
0x29: {  	[tilespmem:s11], [sflag:$0x4] =	stream.indirect.gather [hbm4b:s4+s10], $0x40, s3, s10, $0xb8;
	[tilespmem:$0x18F00] =	vst v63  }
0x2a: {  	s28 =	simm.s32 $0x0;
	s0 =	rddreg [dreg:$0x3]  }
0x2b: {  	[tilespmem:s10], [sflag:$0x2] =	stream.linear.gather [hbm4b:s0+s3], $0x100, $0x38;
	[tilespmem:$0x18F00] =	vst v63  }
.LBB2_40:
0x2c: {  	s28 =	sadd.s32 $0x1, s28  }
0x2d: {  	p0 =	sne.s32 s28, $0x64  }
.Ltmp3:
0x2e: {  	_ = 	snop;
	(pc) =	sbr.rel @!p0 .LBB2_41-.Ltmp3, $1  }
0x2f: {  	_ =	sdelay $0x3  }
.LBB2_2:
0x30: {  	s0 =	smul.u32 $0xAB, s28;
	_ =	sdelay $0x1  }
0x31: {  	s0 =	sshrl.u32 s0, $0x9  }
0x32: {  	s0 =	sand.u32 $0x7F, s0  }
0x33: {  	s0 =	smul.u32 $0x3, s0;
	_ =	sdelay $0x1  }
0x34: {  	s0 =	ssub.s32 s28, s0  }
0x35: {  	s0 =	sand.u32 $0xFF, s0  }
0x36: {  	p1 =	seq.s32 s0, $0x2  }
.Ltmp4:
0x37: {  	_ = 	snop;
	(pc) =	sbr.rel @p1 .LBB2_28-.Ltmp4, $2  }
0x38: {  	_ =	sdelay $0x2  }
0x39: {  	p0 =	sgt.u32 s28, $0x61  }
0x3a: {  	p1 =	seq.s32 s0, $0x1  }
.Ltmp5:
0x3b: {  	_ = 	snop;
	(pc) =	sbr.rel @!p1 .LBB2_4-.Ltmp5, $1  }
0x3c: {  	_ =	sdelay $0x3  }
.Ltmp6:
0x3d: {  	(pc) =	sbr.rel @p0 .LBB2_18-.Ltmp6, $1  }
0x3e: {  	_ =	sdelay $0x3  }
0x3f: {  	s0 =	sshll.u32 s28, $0xA  }
.Ltmp7:
0x40: {  	s1 =	sadd.s32 $0x800, s0;
	(pc) =	sbr.rel .LBB2_19-.Ltmp7, $4  }
0x41: {  	s0 =	sand.u32 $0x400, s0;
	s1 =	sand.u32 $0x3F800, s1  }
0x42: {  	s0 =	sor.u32 s1, s0  }
0x43: {  	s0 =	sadd.s32 s0, s5  }
0x44: {  	[tilespmem:s3], [sflag:$0x1] =	stream.linear.gather [hbm4b:s0+s3], $0x100, $0x38;
	[tilespmem:$0x18F00] =	vst v63  }
.LBB2_28:
.Ltmp8:
0x45: {  	(pc) =	sbr.rel @p0 .LBB2_30-.Ltmp8, $1  }
0x46: {  	_ =	sdelay $0x3  }
0x47: {  	s0 =	sshll.u32 s28, $0xA  }
.Ltmp9:
0x48: {  	s1 =	sadd.s32 $0x800, s0;
	(pc) =	sbr.rel .LBB2_31-.Ltmp9, $4  }
0x49: {  	s0 =	sand.u32 $0x400, s0;
	s1 =	sand.u32 $0x3F800, s1  }
0x4a: {  	s0 =	sor.u32 s1, s0  }
0x4b: {  	s0 =	sadd.s32 s0, s5  }
0x4c: {  	[tilespmem:s10], [sflag:$0x2] =	stream.linear.gather [hbm4b:s0+s3], $0x100, $0x38;
	[tilespmem:$0x18F00] =	vst v63  }
.LBB2_4:
.Ltmp10:
0x4d: {  	(pc) =	sbr.rel @p0 .LBB2_6-.Ltmp10, $1  }
0x4e: {  	_ =	sdelay $0x3  }
0x4f: {  	s0 =	sshll.u32 s28, $0xA  }
.Ltmp11:
0x50: {  	s1 =	sadd.s32 $0x800, s0;
	(pc) =	sbr.rel .LBB2_7-.Ltmp11, $4  }
0x51: {  	s0 =	sand.u32 $0x400, s0;
	s1 =	sand.u32 $0x3F800, s1  }
0x52: {  	s0 =	sor.u32 s1, s0  }
0x53: {  	s0 =	sadd.s32 s0, s5  }
0x54: {  	[tilespmem:s18], [sflag:$0x3] =	stream.linear.gather [hbm4b:s0+s3], $0x100, $0x38;
	[tilespmem:$0x18F00] =	vst v63  }
.LBB2_18:
0x55: {  	p0 =	seq.s32 s28, $0x63  }
.Ltmp12:
0x56: {  	_ = 	snop;
	(pc) =	sbr.rel @p0 .LBB2_20-.Ltmp12, $1  }
0x57: {  	_ =	sdelay $0x3  }
.LBB2_19:
0x58: {  	p0 =	slt.u32 s28, $0x3  }
.Ltmp13:
0x59: {  	_ = 	snop;
	(pc) =	sbr.rel @p0 .LBB2_21-.Ltmp13, $4  }
0x5a: {  	_ =	swait.ge [sflag:s17], $0x100  }
0x5b: {  	[sflag:s17] =	ssyncset.done $0x0  }
0x5c: {  	s0 =	simm.s32 $0x8300;
	[sflag:s17] =	ssyncadd.s32 $0xFFFFFF00  }
0x5d: {  	[tilespmem:s0], [sflag:$0x6] =	stream.indirect.gather [hbm4b:s4+s10], $0x40, s18, s10, $0xb8;
	[tilespmem:$0x18F00] =	vst v63  }
.LBB2_20:
0x5e: {  	_ =	swait.ge [sflag:s15], $0x2000  }
0x5f: {  	[sflag:s15] =	ssyncset.done $0x0  }
0x60: {  	[sflag:s15] =	ssyncadd.s32 $0xFFFFE000  }
0x61: {  	_ =	swait.ge [sflag:s15], $0x2000  }
0x62: {  	[sflag:s15] =	ssyncset.done $0x0  }
0x63: {  	[sflag:s15] =	ssyncadd.s32 $0xFFFFE000  }
.LBB2_21:
0x64: {  	s0 =	simm.s32 $0x1;
	s1 =	simm.s32 $0x0  }
0x65: {  	s30 =	simm.s32 $0x0;
	s6 =	simm.s32 $0x6;
	s0 =	sand.u32 $0x78, s0  }
0x66: {  	s23 =	simm.s32 $0x7;
	v5 =	vmov s1;
	s19 =	sand.u32 $0x78, s30;
	s6 =	sand.u32 $0x78, s6;
	v6 =	vmov s0  }
0x67: {  	v5 =	vmul.u32 $0x2200, v5;
	v7 =	vmov s19;
	s0 =	sand.u32 $0x78, s23;
	v11 =	vmov s6  }
0x68: {  	s8 =	simm.s32 $0x2;
	s19 =	simm.s32 $0x4;
	v6 =	vshrl.u32 v6, $0x3;
	v9 =	vmov s0;
	v11 =	vshrl.u32 v11, $0x3  }
0x69: {  	s23 =	simm.s32 $0x5;
	s0 =	sand.u32 $0x78, s8;
	s8 =	sand.u32 $0x78, s19;
	v7 =	vshrl.u32 v7, $0x3;
	v5 =	vbroadcast v5, $0x0;
	v6 =	vshll.u32 v6, v1  }
0x6a: {  	s19 =	sand.u32 $0x78, s23;
	v9 =	vshrl.u32 v9, $0x3;
	v16 =	vmov s0;
	v19 =	vmov s8  }
0x6b: {  	_ =	swait.ge [sflag:s20], $0x4000;
	v20 =	vmov s19;
	v7 =	vshll.u32 v7, v1;
	v11 =	vshll.u32 v11, v1  }
0x6c: {  	[sflag:s20] =	ssyncset.done $0x0;
	v12 =	vbroadcast v6, $0x0;
	v9 =	vshll.u32 v9, v1;
	v19 =	vshrl.u32 v19, $0x3  }
0x6d: {  	s29 =	simm.s32 $0x44F0;
	[sflag:s20] =	ssyncadd.s32 $0xFFFFC000;
	v20 =	vshrl.u32 v20, $0x3;
	v16 =	vshrl.u32 v16, $0x3;
	v30 =	vbroadcast v11, $0x0  }
0x6e: {  	v8 =	vld [tilespmem:s29+$0xFFFFFF10];
	v7 =	vbroadcast v7, $0x0;
	v10 =	vadd.s32 v4, v5;
	v13 =	vadd.s32 v0, v5  }
0x6f: {  	v15 =	vld [tilespmem:s29+$0xFFFFFFD0];
	v9 =	vbroadcast v9, $0x0;
	v21 =	vadd.s32 v2, v5;
	v19 =	vshll.u32 v19, v1  }
0x70: {  	v23 =	vld [tilespmem:s29+$0xFFFFFF50];
	v22 =	vadd.s32 v3, v5;
	v20 =	vshll.u32 v20, v1;
	v16 =	vshll.u32 v16, v1  }
0x71: {  	v14 =	vadd.s32 v13, v12;
	v19 =	vbroadcast v19, $0x0;
	v27 =	vbroadcast v16, $0x0  }
0x72: {  	v6 =	vld [tilespmem:s29+$0xFFFFFE50];
	v20 =	vbroadcast v20, $0x0;
	v32 =	vadd.s32 v13, v30;
	v59 =	vadd.s32 v22, v30  }
0x73: {  	s23 =	simm.s32 $0x3;
	v61 =	vadd.s32 v21, v30;
	v17 =	vmul.f32 $8.000000000e+00, v8;
	v8 =	vor.u32 $0x1, v14  }
0x74: {  	s0 =	sand.u32 $0x78, s23;
	v14 =	vadd.s32 v10, v12;
	v18 =	vadd.s32 v13, v9;
	v5 =	vmul.f32 $8.000000000e+00, v15  }
0x75: {  	v15 =	vmov s0;
	v24 =	vadd.s32 v21, v9;
	v23 =	vmul.f32 $8.000000000e+00, v23  }
0x76: {  	v34 =	vld [tilespmem:s29+$0xFFFFFED0];
	v32 =	vor.u32 $0x6, v32;
	v18 =	vor.u32 $0x7, v18;
	v25 =	vadd.s32 v13, v19  }
0x77: {  	v26 =	vadd.s32 v21, v19;
	v24 =	vor.u32 $0x7, v24;
	v6 =	vmul.f32 $8.000000000e+00, v6  }
0x78: {  	v16 =	vld [tilespmem:s29+$0xFFFFFF90];
	v28 =	vadd.s32 v21, v27;
	v11 =	vadd.s32 v22, v27;
	v31 =	vadd.s32 v13, v27  }
0x79: {  	v29 =	vld [tilespmem:s29+$0xFFFFFE90];
	v35 =	vadd.s32 v13, v20;
	[tilespmem:v8+s21+$0x0] =	vst.idx.msk $0xffff, v6;
	v6 =	vshrl.u32 v15, $0x3;
	v15 =	vor.u32 $0x4, v25  }
0x7a: {  	v40 =	vadd.s32 v22, v19;
	v42 =	vadd.s32 v10, v20;
	v31 =	vor.u32 $0x2, v31;
	v8 =	vld [tilespmem:s29+$0xFFFFFE60]  }
0x7b: {  	v39 =	vor.u32 $0x4, v26;
	v26 =	vmul.f32 $8.000000000e+00, v34;
	[tilespmem:v18+s21+$0x0] =	vst.idx.msk $0xffff, v5;
	v5 =	vor.u32 $0x5, v35  }
0x7c: {  	v62 =	vor.u32 $0x2, v28;
	v25 =	vadd.s32 v21, v12;
	v6 =	vshll.u32 v6, v1;
	v37 =	vld [tilespmem:s29+$0xFFFFFFE0]  }
0x7d: {  	v36 =	vmul.f32 $8.000000000e+00, v16;
	v25 =	vor.u32 $0x1, v25;
	v18 =	vbroadcast v6, $0x0  }
0x7e: {  	v38 =	vld [tilespmem:s29+$0xFFFFFE10];
	v12 =	vadd.s32 v22, v12;
	[tilespmem:v15+s21+$0x0] =	vst.idx.msk $0xffff, v17;
	v15 =	vadd.s32 v21, v20;
	v17 =	vmul.f32 $8.000000000e+00, v29  }
0x7f: {  	[tilespmem:v32+s21+$0x0] =	vst.idx.msk $0xffff, v36;
	v29 =	vadd.s32 v13, v18;
	v13 =	vadd.s32 v7, v13;
	v33 =	vmul.f32 $8.000000000e+00, v8  }
0x80: {  	v36 =	vld [tilespmem:s29+$0xFFFFFFA0];
	v8 =	vor.u32 $0x2, v11;
	v11 =	vadd.s32 v22, v20;
	v29 =	vor.u32 $0x3, v29;
	[tilespmem:v5+s21+$0x0] =	vst.idx.msk $0xffff, v23  }
0x81: {  	v20 =	vadd.s32 v7, v21;
	[tilespmem:v31+s21+$0x0] =	vst.idx.msk $0xffff, v17;
	v31 =	vadd.s32 v21, v18;
	v21 =	vmul.f32 $8.000000000e+00, v37;
	v23 =	vld [tilespmem:s29+$0xFFFFFF60]  }
0x82: {  	v32 =	vor.u32 $0x6, v61;
	v6 =	vadd.s32 v7, v22;
	v16 =	vadd.s32 v22, v18;
	v41 =	vld [tilespmem:s29+$0xFFFFFEA0];
	[tilespmem:v25+s21+$0x0] =	vst.idx.msk $0xffff, v33  }
0x83: {  	v60 =	vld [tilespmem:s29+$0xFFFFFF20];
	v5 =	vadd.s32 v7, v10;
	v7 =	vmul.f32 $8.000000000e+00, v38;
	[tilespmem:v24+s21+$0x0] =	vst.idx.msk $0xffff, v21;
	v21 =	vor.u32 $0x5, v15  }
0x84: {  	v17 =	vadd.s32 v10, v18;
	v18 =	vadd.s32 v22, v9;
	v9 =	vadd.s32 v10, v9;
	v22 =	vld [tilespmem:s29+$0xFFFFFE70]  }
0x85: {  	v27 =	vadd.s32 v10, v27;
	v9 =	vor.u32 $0x7, v9;
	v15 =	vmul.f32 $8.000000000e+00, v36;
	v63 =	vld [tilespmem:s29+$0xFFFFFFF0];
	[tilespmem:v13+s21+$0x0] =	vst.idx.msk $0xffff, v7  }
0x86: {  	v24 =	vadd.s32 v10, v19;
	v19 =	vor.u32 $0x7, v18;
	[tilespmem:v29+s21+$0x0] =	vst.idx.msk $0xffff, v26;
	v28 =	vld [tilespmem:s29+$0xFFFFFE20];
	v23 =	vmul.f32 $8.000000000e+00, v23  }
0x87: {  	v18 =	vor.u32 $0x1, v12;
	v12 =	vor.u32 $0x5, v42;
	[tilespmem:v32+s21+$0x0] =	vst.idx.msk $0xffff, v15;
	v25 =	vld [tilespmem:s29+$0xFFFFFEE0];
	v26 =	vmul.f32 $8.000000000e+00, v41  }
0x88: {  	v10 =	vadd.s32 v10, v30;
	v34 =	vmul.f32 $8.000000000e+00, v60;
	v15 =	vor.u32 $0x2, v27;
	v27 =	vld [tilespmem:s29+$0xFFFFFFB0];
	[tilespmem:v21+s21+$0x0] =	vst.idx.msk $0xffff, v23  }
0x89: {  	v7 =	vor.u32 $0x1, v14;
	v14 =	vor.u32 $0x4, v40;
	v29 =	vor.u32 $0x3, v31;
	[tilespmem:v62+s21+$0x0] =	vst.idx.msk $0xffff, v26;
	v23 =	vld [tilespmem:s29+$0xFFFFFF70]  }
0x8a: {  	s31 =	simm.s32 $0x46F0;
	v13 =	vor.u32 $0x4, v24;
	v24 =	vor.u32 $0x6, v59;
	[tilespmem:v39+s21+$0x0] =	vst.idx.msk $0xffff, v34;
	v21 =	vmul.f32 $8.000000000e+00, v63;
	v26 =	vld [tilespmem:s29+$0xFFFFFEB0]  }
.LBB2_22:
0x8b: {  	s0 =	sadd.s32 $0x9, s30  }
0x8c: {  	s6 =	sadd.s32 $0xA, s30;
	v22 =	vmul.f32 $8.000000000e+00, v22;
	v25 =	vmul.f32 $8.000000000e+00, v25;
	v30 =	vld [tilespmem:s29+$0xFFFFFF30];
	v31 =	vor.u32 $0x6, v10;
	s1 =	smov.u32 s30;
	s30 =	sadd.s32 $0x8, s30  }
0x8d: {  	v16 =	vor.u32 $0x3, v16;
	v11 =	vor.u32 $0x5, v11;
	s8 =	sshrl.u32 s30, $0x7;
	s19 =	sand.u32 $0x78, s30;
	s0 =	sand.u32 $0x78, s0;
	v32 =	vld [tilespmem:s31+$0xFFFFFFD0];
	v10 =	vmul.f32 $8.000000000e+00, v28  }
0x8e: {  	s23 =	sadd.s32 $0xF, s1;
	v28 =	vmov s8;
	v33 =	vmov s0;
	v34 =	vld [tilespmem:s31+$0xFFFFFE50];
	s0 =	sadd.s32 $0xB, s1;
	s8 =	sadd.s32 $0xE, s1;
	[tilespmem:v29+s21+$0x0] =	vst.idx.msk $0xffff, v25;
	v25 =	vmul.f32 $8.000000000e+00, v27  }
0x8f: {  	v27 =	vmov s19;
	s19 =	sadd.s32 $0xD, s1;
	s23 =	sand.u32 $0x78, s23;
	v28 =	vmul.u32 $0x2200, v28;
	v29 =	vld [tilespmem:s31+$0xFFFFFF10];
	s8 =	sand.u32 $0x78, s8;
	[tilespmem:v20+s21+$0x0] =	vst.idx.msk $0xffff, v10;
	v10 =	vmul.f32 $8.000000000e+00, v26  }
0x90: {  	v35 =	vor.u32 $0x3, v17;
	s6 =	sand.u32 $0x78, s6;
	s0 =	sand.u32 $0x78, s0;
	s19 =	sand.u32 $0x78, s19;
	v20 =	vmov s23;
	v26 =	vld [tilespmem:s29+$0xFFFFFEF0];
	v17 =	vmul.f32 $8.000000000e+00, v23;
	[tilespmem:v24+s21+$0x0] =	vst.idx.msk $0xffff, v25  }
0x91: {  	p0 =	slt.u32 s30, $0xF8;
	v24 =	vshrl.u32 v33, $0x3;
	v23 =	vbroadcast v28, $0x0;
	v25 =	vld [tilespmem:s29+$0xFFFFFE30];
	[tilespmem:v8+s21+$0x0] =	vst.idx.msk $0xffff, v10;
	v8 =	vmul.f32 $8.000000000e+00, v30  }
0x92: {  	v20 =	vshrl.u32 v20, $0x3;
	v24 =	vshll.u32 v24, v1;
	v28 =	vmov s8;
	v30 =	vld [tilespmem:s29+$0xFFFFFEC0];
	[tilespmem:v11+s21+$0x0] =	vst.idx.msk $0xffff, v17  }
0x93: {  	v17 =	vbroadcast v24, $0x0;
	v11 =	vshll.u32 v20, v1;
	v10 =	vadd.s32 v4, v23;
	[tilespmem:v14+s21+$0x0] =	vst.idx.msk $0xffff, v8;
	v8 =	vld [tilespmem:s29+$0xFFFFFF80]  }
0x94: {  	v24 =	vshrl.u32 v28, $0x3;
	v20 =	vadd.s32 v0, v23;
	v14 =	vbroadcast v11, $0x0;
	[tilespmem:v18+s21+$0x0] =	vst.idx.msk $0xffff, v22;
	v11 =	vld [tilespmem:s29+$0xFFFFFF40]  }
0x95: {  	v18 =	vadd.s32 v20, v17;
	v22 =	vmov s6;
	v28 =	vmul.f32 $8.000000000e+00, v29;
	v29 =	vld [tilespmem:s29+$0xFFFFFFC0]  }
0x96: {  	s1 =	sadd.s32 $0xC, s1;
	v33 =	vor.u32 $0x1, v18;
	v18 =	vadd.s32 v10, v17;
	v36 =	vadd.s32 v20, v14;
	v37 =	vld [tilespmem:s29+$0xFFFFFE80]  }
0x97: {  	s1 =	sand.u32 $0x78, s1;
	v38 =	vmov s19;
	v26 =	vmul.f32 $8.000000000e+00, v26;
	v36 =	vor.u32 $0x7, v36  }
0x98: {  	v39 =	vmov s1;
	v34 =	vmul.f32 $8.000000000e+00, v34;
	v30 =	vmul.f32 $8.000000000e+00, v30;
	[tilespmem:v19+s21+$0x0] =	vst.idx.msk $0xffff, v21  }
0x99: {  	v38 =	vshrl.u32 v38, $0x3;
	v25 =	vmul.f32 $8.000000000e+00, v25;
	v21 =	vadd.s32 v2, v23;
	[tilespmem:v16+s21+$0x0] =	vst.idx.msk $0xffff, v26;
	v16 =	vld [tilespmem:s29+$0x0]  }
0x9a: {  	v19 =	vadd.s32 v3, v23;
	v23 =	vshrl.u32 v39, $0x3;
	v26 =	vmul.f32 $8.000000000e+00, v32;
	[tilespmem:v15+s21+$0x0] =	vst.idx.msk $0xffff, v30;
	v15 =	vld [tilespmem:s29+$0xFFFFFF00]  }
0x9b: {  	v23 =	vshll.u32 v23, v1;
	v30 =	vmov s0;
	[tilespmem:v6+s21+$0x0] =	vst.idx.msk $0xffff, v25;
	v6 =	vmul.f32 $8.000000000e+00, v11  }
0x9c: {  	v8 =	vmul.f32 $8.000000000e+00, v8;
	v23 =	vbroadcast v23, $0x0;
	v25 =	vadd.s32 v21, v14;
	v11 =	vld [tilespmem:s31+$0xFFFFFF50]  }
0x9d: {  	v22 =	vshrl.u32 v22, $0x3;
	v32 =	vshll.u32 v38, v1;
	v38 =	vld [tilespmem:s29+$0xFFFFFE40];
	[tilespmem:v13+s21+$0x0] =	vst.idx.msk $0xffff, v6;
	v6 =	vmul.f32 $8.000000000e+00, v29;
	s29 =	smov.u32 s31  }
0x9e: {  	v13 =	vadd.s32 v20, v23;
	v29 =	vadd.s32 v21, v23;
	[tilespmem:v33+s21+$0x0] =	vst.idx.msk $0xffff, v34;
	v33 =	vmul.f32 $8.000000000e+00, v37  }
0x9f: {  	v30 =	vshrl.u32 v30, $0x3;
	v13 =	vor.u32 $0x4, v13;
	v15 =	vmul.f32 $8.000000000e+00, v15;
	[tilespmem:v31+s21+$0x0] =	vst.idx.msk $0xffff, v6  }
0xa0: {  	v22 =	vshll.u32 v22, v1;
	v6 =	vshrl.u32 v27, $0x3;
	v27 =	vld [tilespmem:s31+$0xFFFFFE60];
	[tilespmem:v12+s21+$0x0] =	vst.idx.msk $0xffff, v8;
	v8 =	vmul.f32 $8.000000000e+00, v16  }
0xa1: {  	v6 =	vshll.u32 v6, v1;
	v12 =	vadd.s32 v21, v17;
	v31 =	vmul.f32 $8.000000000e+00, v11;
	[tilespmem:v35+s21+$0x0] =	vst.idx.msk $0xffff, v15  }
0xa2: {  	v15 =	vbroadcast v22, $0x0;
	v11 =	vshll.u32 v24, v1;
	v16 =	vmul.f32 $8.000000000e+00, v38;
	[tilespmem:v9+s21+$0x0] =	vst.idx.msk $0xffff, v8  }
0xa3: {  	v22 =	vor.u32 $0x7, v25;
	v9 =	vshll.u32 v30, v1;
	v30 =	vbroadcast v11, $0x0;
	[tilespmem:v7+s21+$0x0] =	vst.idx.msk $0xffff, v33  }
0xa4: {  	v24 =	vbroadcast v32, $0x0;
	v7 =	vadd.s32 v21, v15;
	v8 =	vadd.s32 v19, v15;
	v25 =	vld [tilespmem:s31+$0xFFFFFF90];
	[tilespmem:v5+s21+$0x0] =	vst.idx.msk $0xffff, v16  }
0xa5: {  	v11 =	vadd.s32 v20, v15;
	v16 =	vadd.s32 v20, v30;
	v27 =	vmul.f32 $8.000000000e+00, v27;
	v5 =	vld [tilespmem:s31+$0xFFFFFE90]  }
0xa6: {  	v32 =	vor.u32 $0x2, v11;
	v8 =	vor.u32 $0x2, v8;
	v34 =	vor.u32 $0x6, v16;
	v33 =	vld [tilespmem:s31+$0xFFFFFED0]  }
0xa7: {  	v35 =	vbroadcast v6, $0x0;
	v6 =	vadd.s32 v20, v24;
	v11 =	vadd.s32 v19, v24;
	[tilespmem:v36+s21+$0x0] =	vst.idx.msk $0xffff, v26  }
0xa8: {  	v9 =	vbroadcast v9, $0x0;
	v36 =	vadd.s32 v19, v30;
	[tilespmem:v13+s21+$0x0] =	vst.idx.msk $0xffff, v28;
	v13 =	vor.u32 $0x5, v6  }
0xa9: {  	v26 =	vadd.s32 v21, v24;
	v6 =	vadd.s32 v35, v19;
	v25 =	vmul.f32 $8.000000000e+00, v25;
	v28 =	vld [tilespmem:s31+$0xFFFFFFE0]  }
0xaa: {  	v38 =	vor.u32 $0x4, v29;
	v16 =	vadd.s32 v19, v9;
	v37 =	vld [tilespmem:s31+$0xFFFFFE10];
	v5 =	vmul.f32 $8.000000000e+00, v5  }
0xab: {  	v29 =	vmul.f32 $8.000000000e+00, v33;
	v33 =	vadd.s32 v20, v9;
	v39 =	vld [tilespmem:s31+$0xFFFFFF20];
	[tilespmem:v34+s21+$0x0] =	vst.idx.msk $0xffff, v25;
	v25 =	vadd.s32 v21, v30  }
0xac: {  	v34 =	vadd.s32 v19, v23;
	[tilespmem:v32+s21+$0x0] =	vst.idx.msk $0xffff, v5;
	v32 =	vor.u32 $0x3, v33;
	v33 =	vadd.s32 v21, v9;
	v40 =	vld [tilespmem:s31+$0xFFFFFFA0]  }
0xad: {  	v12 =	vor.u32 $0x1, v12;
	v41 =	vadd.s32 v35, v20;
	v24 =	vadd.s32 v10, v24;
	v42 =	vld [tilespmem:s31+$0xFFFFFEA0];
	[tilespmem:v13+s21+$0x0] =	vst.idx.msk $0xffff, v31  }
0xae: {  	v20 =	vadd.s32 v35, v21;
	v21 =	vor.u32 $0x6, v25;
	v13 =	vld [tilespmem:s31+$0xFFFFFF60];
	v25 =	vmul.f32 $8.000000000e+00, v28  }
0xaf: {  	v5 =	vadd.s32 v35, v10;
	v35 =	vor.u32 $0x2, v7;
	v31 =	vadd.s32 v19, v17  }
0xb0: {  	v43 =	vor.u32 $0x5, v26;
	v17 =	vadd.s32 v10, v9;
	v39 =	vmul.f32 $8.000000000e+00, v39;
	[tilespmem:v22+s21+$0x0] =	vst.idx.msk $0xffff, v25  }
0xb1: {  	v23 =	vadd.s32 v10, v23;
	v7 =	vmul.f32 $8.000000000e+00, v37;
	[tilespmem:v32+s21+$0x0] =	vst.idx.msk $0xffff, v29;
	v9 =	vmul.f32 $8.000000000e+00, v40;
	v32 =	vld [tilespmem:s31+$0xFFFFFFF0]  }
0xb2: {  	v15 =	vadd.s32 v10, v15;
	v19 =	vadd.s32 v19, v14;
	[tilespmem:v12+s21+$0x0] =	vst.idx.msk $0xffff, v27;
	v12 =	vmul.f32 $8.000000000e+00, v42;
	v25 =	vld [tilespmem:s31+$0xFFFFFEE0]  }
.Ltmp14:
0xb3: {  	[tilespmem:v41+s21+$0x0] =	vst.idx.msk $0xffff, v7;
	v22 =	vld [tilespmem:s31+$0xFFFFFE70];
	v7 =	vor.u32 $0x1, v18;
	v37 =	vmul.f32 $8.000000000e+00, v13;
	v13 =	vadd.s32 v10, v14;
	(pc) =	sbr.rel @p0 .LBB2_22-.Ltmp14, $4  }
0xb4: {  	v19 =	vor.u32 $0x7, v19;
	v28 =	vld [tilespmem:s31+$0xFFFFFE20];
	[tilespmem:v21+s21+$0x0] =	vst.idx.msk $0xffff, v9;
	v9 =	vor.u32 $0x7, v13  }
0xb5: {  	v15 =	vor.u32 $0x2, v15;
	v29 =	vor.u32 $0x3, v33;
	v18 =	vor.u32 $0x1, v31;
	[tilespmem:v35+s21+$0x0] =	vst.idx.msk $0xffff, v12;
	v27 =	vld [tilespmem:s31+$0xFFFFFFB0]  }
0xb6: {  	v14 =	vor.u32 $0x4, v34;
	v13 =	vor.u32 $0x4, v23;
	v26 =	vld [tilespmem:s31+$0xFFFFFEB0];
	[tilespmem:v43+s21+$0x0] =	vst.idx.msk $0xffff, v37;
	v21 =	vmul.f32 $8.000000000e+00, v32  }
0xb7: {  	v10 =	vadd.s32 v10, v30;
	v12 =	vor.u32 $0x5, v24;
	v24 =	vor.u32 $0x6, v36;
	s31 =	sadd.s32 $0x200, s31;
	[tilespmem:v38+s21+$0x0] =	vst.idx.msk $0xffff, v39;
	v23 =	vld [tilespmem:s29+$0xFFFFFF70]  }
0xb8: {  	_ =	sdelay $0x1  }
0xb9: {  	v25 =	vmul.f32 $8.000000000e+00, v25  }
0xba: {  	v30 =	vld [tilespmem:s29+$0xFFFFFF30]  }
0xbb: {  	v44 =	vmul.f32 $8.000000000e+00, v28;
	[tilespmem:v29+s21+$0x0] =	vst.idx.msk $0xffff, v25  }
0xbc: {  	v45 =	vld [tilespmem:s29+$0xFFFFFEF0]  }
0xbd: {  	v53 =	vmul.f32 $8.000000000e+00, v22;
	[tilespmem:v20+s21+$0x0] =	vst.idx.msk $0xffff, v44  }
0xbe: {  	v16 =	vor.u32 $0x3, v16;
	[tilespmem:v19+s21+$0x0] =	vst.idx.msk $0xffff, v21;
	v47 =	vmul.f32 $8.000000000e+00, v27;
	v48 =	vld [tilespmem:s29+$0xFFFFFE30]  }
0xbf: {  	v11 =	vor.u32 $0x5, v11;
	v58 =	vld [tilespmem:s29+$0x0];
	[tilespmem:v18+s21+$0x0] =	vst.idx.msk $0xffff, v53;
	v46 =	vmul.f32 $8.000000000e+00, v30  }
0xc0: {  	v26 =	vmul.f32 $8.000000000e+00, v26;
	v59 =	vld [tilespmem:s29+$0xFFFFFE80];
	[tilespmem:v24+s21+$0x0] =	vst.idx.msk $0xffff, v47  }
0xc1: {  	v52 =	vld [tilespmem:s29+$0xFFFFFFC0];
	[tilespmem:v14+s21+$0x0] =	vst.idx.msk $0xffff, v46;
	v51 =	vmul.f32 $8.000000000e+00, v45  }
0xc2: {  	v49 =	vmul.f32 $8.000000000e+00, v23;
	[tilespmem:v8+s21+$0x0] =	vst.idx.msk $0xffff, v26;
	v14 =	vld [tilespmem:s29+$0xFFFFFF40]  }
0xc3: {  	v10 =	vor.u32 $0x6, v10;
	v50 =	vld [tilespmem:s29+$0xFFFFFEC0];
	v55 =	vmul.f32 $8.000000000e+00, v48;
	[tilespmem:v16+s21+$0x0] =	vst.idx.msk $0xffff, v51  }
0xc4: {  	[tilespmem:v11+s21+$0x0] =	vst.idx.msk $0xffff, v49;
	v62 =	vmul.f32 $8.000000000e+00, v58;
	v56 =	vld [tilespmem:s29+$0xFFFFFF00]  }
0xc5: {  	v54 =	vld [tilespmem:s29+$0xFFFFFF80];
	v63 =	vmul.f32 $8.000000000e+00, v59;
	[tilespmem:v6+s21+$0x0] =	vst.idx.msk $0xffff, v55  }
0xc6: {  	v17 =	vor.u32 $0x3, v17;
	[tilespmem:v9+s21+$0x0] =	vst.idx.msk $0xffff, v62;
	v8 =	vmul.f32 $8.000000000e+00, v52;
	v60 =	vld [tilespmem:s29+$0xFFFFFE40]  }
0xc7: {  	[tilespmem:v7+s21+$0x0] =	vst.idx.msk $0xffff, v63;
	v6 =	vmul.f32 $8.000000000e+00, v14  }
0xc8: {  	s0 =	sshll.u32 s28, $0x10;
	s1 =	sshll.u32 s28, $0x13;
	v57 =	vmul.f32 $8.000000000e+00, v50;
	[tilespmem:v10+s21+$0x0] =	vst.idx.msk $0xffff, v8  }
0xc9: {  	s0 =	sand.u32 $0x10000, s0;
	s1 =	sand.u32 $0x3F00000, s1;
	[tilespmem:v13+s21+$0x0] =	vst.idx.msk $0xffff, v6;
	v6 =	vmul.f32 $8.000000000e+00, v56  }
0xca: {  	s0 =	sor.u32 s1, s0;
	v61 =	vmul.f32 $8.000000000e+00, v54;
	[tilespmem:v15+s21+$0x0] =	vst.idx.msk $0xffff, v57  }
0xcb: {  	s0 =	sor.u32 s7, s0;
	[tilespmem:v17+s21+$0x0] =	vst.idx.msk $0xffff, v6;
	v6 =	vmul.f32 $8.000000000e+00, v60  }
0xcc: {  	s29 =	sshrl.u32 s0, $0x3;
	[tilespmem:v12+s21+$0x0] =	vst.idx.msk $0xffff, v61  }
0xcd: {  	s23 =	simm.s32 $0x10700;
	s8 =	sadd.s32 s2, s29;
	[tilespmem:v5+s21+$0x0] =	vst.idx.msk $0xffff, v6  }
0xce: {  	[hbm4b:s8+s3] =	stream.linear.scatter [tilespmem:s23], [sflag:$0x8], $0x80, $0x38;
	[tilespmem:$0x18F00] =	vst v63  }
0xcf: {  	s1 =	simm.s32 $0x10788;
	s6 =	sadd.s32 $0x10, s8  }
0xd0: {  	[hbm4b:s6+s3] =	stream.linear.scatter [tilespmem:s1], [sflag:$0x8], $0x80, $0x38;
	[tilespmem:$0x18F00] =	vst v63  }
0xd1: {  	s19 =	simm.s32 $0x10810;
	s30 =	simm.s32 $0x440;
	s23 =	sadd.s32 $0x20, s8  }
0xd2: {  	[hbm4b:s23+s3] =	stream.linear.scatter [tilespmem:s19], [sflag:$0x8], $0x80, $0x38;
	[tilespmem:$0x18F00] =	vst v63  }
0xd3: {  	s0 =	simm.s32 $0x2200;
	s1 =	simm.s32 $0x10898;
	s6 =	sadd.s32 $0x30, s8  }
0xd4: {  	[hbm4b:s6+s3] =	stream.linear.scatter [tilespmem:s1], [sflag:$0x8], $0x80, $0x38;
	[tilespmem:$0x18F00] =	vst v63  }
0xd5: {  	s31 =	sadd.s32 $0x4000, s8;
	s19 =	simm.s32 $0x10920;
	s23 =	sadd.s32 $0x40, s8  }
0xd6: {  	[hbm4b:s23+s3] =	stream.linear.scatter [tilespmem:s19], [sflag:$0x8], $0x80, $0x38;
	[tilespmem:$0x18F00] =	vst v63  }
0xd7: {  	s1 =	simm.s32 $0x109A8;
	s6 =	sadd.s32 $0x50, s8;
	s19 =	simm.s32 $0x10A30  }
0xd8: {  	[hbm4b:s6+s3] =	stream.linear.scatter [tilespmem:s1], [sflag:$0x8], $0x80, $0x38;
	[tilespmem:$0x18F00] =	vst v63  }
0xd9: {  	s23 =	sadd.s32 $0x60, s8;
	s1 =	simm.s32 $0x10AB8;
	s6 =	sadd.s32 $0x70, s8  }
0xda: {  	[hbm4b:s23+s3] =	stream.linear.scatter [tilespmem:s19], [sflag:$0x8], $0x80, $0x38;
	[tilespmem:$0x18F00] =	vst v63  }
.LBB2_24:
0xdb: {  	[hbm4b:s6+s3] =	stream.linear.scatter [tilespmem:s1], [sflag:$0x8], $0x80, $0x38;
	[tilespmem:$0x18F00] =	vst v63  }
0xdc: {  	s1 =	smov.u32 s30;
	s6 =	smov.u32 s0  }
0xdd: {  	s8 =	sadd.s32 $0x1100, s0;
	s30 =	sshra.s32 s6, $0x2;
	s6 =	sadd.s32 $0x10700, s1  }
0xde: {  	[hbm4b:s31+s3] =	stream.linear.scatter [tilespmem:s6], [sflag:$0x8], $0x80, $0x38;
	[tilespmem:$0x18F00] =	vst v63  }
0xdf: {  	p0 =	sne.s32 s0, $0x7700;
	s0 =	sadd.s32 $0x10788, s1;
	s6 =	sadd.s32 $0x10, s31  }
0xe0: {  	[hbm4b:s6+s3] =	stream.linear.scatter [tilespmem:s0], [sflag:$0x8], $0x80, $0x38;
	[tilespmem:$0x18F00] =	vst v63  }
0xe1: {  	s0 =	sadd.s32 $0x10810, s1;
	s6 =	sadd.s32 $0x20, s31  }
0xe2: {  	[hbm4b:s6+s3] =	stream.linear.scatter [tilespmem:s0], [sflag:$0x8], $0x80, $0x38;
	[tilespmem:$0x18F00] =	vst v63  }
0xe3: {  	s0 =	sadd.s32 $0x10898, s1;
	s6 =	sadd.s32 $0x30, s31  }
0xe4: {  	[hbm4b:s6+s3] =	stream.linear.scatter [tilespmem:s0], [sflag:$0x8], $0x80, $0x38;
	[tilespmem:$0x18F00] =	vst v63  }
0xe5: {  	s0 =	sadd.s32 $0x10920, s1;
	s6 =	sadd.s32 $0x40, s31  }
0xe6: {  	[hbm4b:s6+s3] =	stream.linear.scatter [tilespmem:s0], [sflag:$0x8], $0x80, $0x38;
	[tilespmem:$0x18F00] =	vst v63  }
.Ltmp15:
0xe7: {  	s0 =	sadd.s32 $0x109A8, s1;
	s6 =	sadd.s32 $0x50, s31;
	(pc) =	sbr.rel @p0 .LBB2_24-.Ltmp15, $4  }
0xe8: {  	[hbm4b:s6+s3] =	stream.linear.scatter [tilespmem:s0], [sflag:$0x8], $0x80, $0x38;
	[tilespmem:$0x18F00] =	vst v63  }
0xe9: {  	s0 =	sadd.s32 $0x10A30, s1;
	s6 =	sadd.s32 $0x60, s31;
	s1 =	sadd.s32 $0x10AB8, s1  }
0xea: {  	[hbm4b:s6+s3] =	stream.linear.scatter [tilespmem:s0], [sflag:$0x8], $0x80, $0x38;
	[tilespmem:$0x18F00] =	vst v63  }
0xeb: {  	s6 =	sadd.s32 $0x70, s31;
	s31 =	sadd.s32 $0x4000, s31;
	s0 =	smov.u32 s8  }
0xec: {  	[hbm4b:s6+s3] =	stream.linear.scatter [tilespmem:s1], [sflag:$0x8], $0x80, $0x38;
	[tilespmem:$0x18F00] =	vst v63  }
0xed: {  	s0 =	sadd.s32 $0x10700, s30  }
0xee: {  	[hbm4b:s31+s3] =	stream.linear.scatter [tilespmem:s0], [sflag:$0x8], $0x80, $0x38;
	[tilespmem:$0x18F00] =	vst v63  }
0xef: {  	s19 =	sadd.s32 $0x10788, s30;
	s23 =	sadd.s32 $0x10, s31  }
0xf0: {  	[hbm4b:s23+s3] =	stream.linear.scatter [tilespmem:s19], [sflag:$0x8], $0x80, $0x38;
	[tilespmem:$0x18F00] =	vst v63  }
0xf1: {  	s6 =	sadd.s32 $0x10810, s30;
	s8 =	sadd.s32 $0x20, s31  }
0xf2: {  	[hbm4b:s8+s3] =	stream.linear.scatter [tilespmem:s6], [sflag:$0x8], $0x80, $0x38;
	[tilespmem:$0x18F00] =	vst v63  }
0xf3: {  	s19 =	sadd.s32 $0x10898, s30;
	s23 =	sadd.s32 $0x30, s31  }
0xf4: {  	[hbm4b:s23+s3] =	stream.linear.scatter [tilespmem:s19], [sflag:$0x8], $0x80, $0x38;
	[tilespmem:$0x18F00] =	vst v63  }
0xf5: {  	s6 =	sadd.s32 $0x10920, s30;
	s8 =	sadd.s32 $0x40, s31  }
0xf6: {  	[hbm4b:s8+s3] =	stream.linear.scatter [tilespmem:s6], [sflag:$0x8], $0x80, $0x38;
	[tilespmem:$0x18F00] =	vst v63  }
0xf7: {  	s19 =	sadd.s32 $0x109A8, s30;
	s23 =	sadd.s32 $0x50, s31  }
0xf8: {  	[hbm4b:s23+s3] =	stream.linear.scatter [tilespmem:s19], [sflag:$0x8], $0x80, $0x38;
	[tilespmem:$0x18F00] =	vst v63  }
0xf9: {  	s6 =	sadd.s32 $0x10A30, s30;
	s8 =	sadd.s32 $0x60, s31  }
0xfa: {  	[hbm4b:s8+s3] =	stream.linear.scatter [tilespmem:s6], [sflag:$0x8], $0x80, $0x38;
	[tilespmem:$0x18F00] =	vst v63  }
0xfb: {  	s19 =	sadd.s32 $0x10AB8, s30;
	s23 =	sadd.s32 $0x70, s31;
	s31 =	sadd.s32 s29, s2  }
0xfc: {  	[hbm4b:s23+s3] =	stream.linear.scatter [tilespmem:s19], [sflag:$0x8], $0x80, $0x38;
	[tilespmem:$0x18F00] =	vst v63  }
0xfd: {  	s1 =	simm.s32 $0x12900;
	s8 =	sadd.s32 $0x80, s31  }
0xfe: {  	[hbm4b:s8+s3] =	stream.linear.scatter [tilespmem:s1], [sflag:$0x8], $0x80, $0x38;
	[tilespmem:$0x18F00] =	vst v63  }
0xff: {  	s6 =	simm.s32 $0x12988;
	s19 =	sadd.s32 $0x10, s8  }
0x100: {  	[hbm4b:s19+s3] =	stream.linear.scatter [tilespmem:s6], [sflag:$0x8], $0x80, $0x38;
	[tilespmem:$0x18F00] =	vst v63  }
0x101: {  	s0 =	simm.s32 $0x2200;
	s31 =	sadd.s32 $0x20, s8;
	s23 =	simm.s32 $0x12A10  }
0x102: {  	[hbm4b:s31+s3] =	stream.linear.scatter [tilespmem:s23], [sflag:$0x8], $0x80, $0x38;
	[tilespmem:$0x18F00] =	vst v63  }
0x103: {  	s29 =	simm.s32 $0x440;
	s6 =	simm.s32 $0x12A98;
	s19 =	sadd.s32 $0x30, s8  }
0x104: {  	[hbm4b:s19+s3] =	stream.linear.scatter [tilespmem:s6], [sflag:$0x8], $0x80, $0x38;
	[tilespmem:$0x18F00] =	vst v63  }
0x105: {  	s30 =	sadd.s32 $0x4000, s8;
	s23 =	simm.s32 $0x12B20;
	s31 =	sadd.s32 $0x40, s8  }
0x106: {  	[hbm4b:s31+s3] =	stream.linear.scatter [tilespmem:s23], [sflag:$0x8], $0x80, $0x38;
	[tilespmem:$0x18F00] =	vst v63  }
0x107: {  	s1 =	simm.s32 $0x12CB8;
	s6 =	simm.s32 $0x12BA8;
	s19 =	sadd.s32 $0x50, s8  }
0x108: {  	[hbm4b:s19+s3] =	stream.linear.scatter [tilespmem:s6], [sflag:$0x8], $0x80, $0x38;
	[tilespmem:$0x18F00] =	vst v63  }
0x109: {  	s23 =	simm.s32 $0x12C30;
	s31 =	sadd.s32 $0x60, s8;
	s6 =	sadd.s32 $0x70, s8  }
0x10a: {  	[hbm4b:s31+s3] =	stream.linear.scatter [tilespmem:s23], [sflag:$0x8], $0x80, $0x38;
	[tilespmem:$0x18F00] =	vst v63  }
.LBB2_26:
0x10b: {  	[hbm4b:s6+s3] =	stream.linear.scatter [tilespmem:s1], [sflag:$0x8], $0x80, $0x38;
	[tilespmem:$0x18F00] =	vst v63  }
0x10c: {  	s1 =	smov.u32 s29;
	s6 =	smov.u32 s0  }
0x10d: {  	s8 =	sadd.s32 $0x1100, s0;
	s29 =	sshra.s32 s6, $0x2;
	s6 =	sadd.s32 $0x12900, s1  }
0x10e: {  	[hbm4b:s30+s3] =	stream.linear.scatter [tilespmem:s6], [sflag:$0x8], $0x80, $0x38;
	[tilespmem:$0x18F00] =	vst v63  }
0x10f: {  	p0 =	seq.s32 s0, $0x7700;
	s0 =	sadd.s32 $0x12988, s1;
	s6 =	sadd.s32 $0x10, s30  }
0x110: {  	[hbm4b:s6+s3] =	stream.linear.scatter [tilespmem:s0], [sflag:$0x8], $0x80, $0x38;
	[tilespmem:$0x18F00] =	vst v63  }
0x111: {  	s0 =	sadd.s32 $0x12A10, s1;
	s6 =	sadd.s32 $0x20, s30  }
0x112: {  	[hbm4b:s6+s3] =	stream.linear.scatter [tilespmem:s0], [sflag:$0x8], $0x80, $0x38;
	[tilespmem:$0x18F00] =	vst v63  }
0x113: {  	s0 =	sadd.s32 $0x12A98, s1;
	s6 =	sadd.s32 $0x30, s30  }
0x114: {  	[hbm4b:s6+s3] =	stream.linear.scatter [tilespmem:s0], [sflag:$0x8], $0x80, $0x38;
	[tilespmem:$0x18F00] =	vst v63  }
0x115: {  	s0 =	sadd.s32 $0x12B20, s1;
	s6 =	sadd.s32 $0x40, s30  }
0x116: {  	[hbm4b:s6+s3] =	stream.linear.scatter [tilespmem:s0], [sflag:$0x8], $0x80, $0x38;
	[tilespmem:$0x18F00] =	vst v63  }
.Ltmp16:
0x117: {  	s0 =	sadd.s32 $0x12BA8, s1;
	s6 =	sadd.s32 $0x50, s30;
	(pc) =	sbr.rel @!p0 .LBB2_26-.Ltmp16, $4  }
0x118: {  	[hbm4b:s6+s3] =	stream.linear.scatter [tilespmem:s0], [sflag:$0x8], $0x80, $0x38;
	[tilespmem:$0x18F00] =	vst v63  }
0x119: {  	s0 =	sadd.s32 $0x12C30, s1;
	s6 =	sadd.s32 $0x60, s30;
	s1 =	sadd.s32 $0x12CB8, s1  }
0x11a: {  	[hbm4b:s6+s3] =	stream.linear.scatter [tilespmem:s0], [sflag:$0x8], $0x80, $0x38;
	[tilespmem:$0x18F00] =	vst v63  }
0x11b: {  	s6 =	sadd.s32 $0x70, s30;
	s30 =	sadd.s32 $0x4000, s30;
	s0 =	smov.u32 s8  }
0x11c: {  	[hbm4b:s6+s3] =	stream.linear.scatter [tilespmem:s1], [sflag:$0x8], $0x80, $0x38;
	[tilespmem:$0x18F00] =	vst v63  }
0x11d: {  	s0 =	sadd.s32 $0x12900, s29  }
0x11e: {  	[hbm4b:s30+s3] =	stream.linear.scatter [tilespmem:s0], [sflag:$0x8], $0x80, $0x38;
	[tilespmem:$0x18F00] =	vst v63  }
0x11f: {  	s23 =	sadd.s32 $0x12988, s29;
	s31 =	sadd.s32 $0x10, s30  }
0x120: {  	[hbm4b:s31+s3] =	stream.linear.scatter [tilespmem:s23], [sflag:$0x8], $0x80, $0x38;
	[tilespmem:$0x18F00] =	vst v63  }
0x121: {  	s1 =	sadd.s32 $0x12A10, s29;
	s6 =	sadd.s32 $0x20, s30  }
0x122: {  	[hbm4b:s6+s3] =	stream.linear.scatter [tilespmem:s1], [sflag:$0x8], $0x80, $0x38;
	[tilespmem:$0x18F00] =	vst v63  }
0x123: {  	s8 =	sadd.s32 $0x12A98, s29;
	s19 =	sadd.s32 $0x30, s30  }
0x124: {  	[hbm4b:s19+s3] =	stream.linear.scatter [tilespmem:s8], [sflag:$0x8], $0x80, $0x38;
	[tilespmem:$0x18F00] =	vst v63  }
0x125: {  	s23 =	sadd.s32 $0x12B20, s29;
	s31 =	sadd.s32 $0x40, s30  }
0x126: {  	[hbm4b:s31+s3] =	stream.linear.scatter [tilespmem:s23], [sflag:$0x8], $0x80, $0x38;
	[tilespmem:$0x18F00] =	vst v63  }
0x127: {  	s6 =	sadd.s32 $0x12BA8, s29;
	s8 =	sadd.s32 $0x50, s30  }
0x128: {  	[hbm4b:s8+s3] =	stream.linear.scatter [tilespmem:s6], [sflag:$0x8], $0x80, $0x38;
	[tilespmem:$0x18F00] =	vst v63  }
.Ltmp17:
0x129: {  	_ = 	snop;
	(pc) =	sbr.rel .LBB2_40-.Ltmp17, $4  }
0x12a: {  	s19 =	sadd.s32 $0x12C30, s29;
	s23 =	sadd.s32 $0x60, s30  }
0x12b: {  	[hbm4b:s23+s3] =	stream.linear.scatter [tilespmem:s19], [sflag:$0x8], $0x80, $0x38;
	[tilespmem:$0x18F00] =	vst v63  }
0x12c: {  	s29 =	sadd.s32 $0x12CB8, s29;
	s31 =	sadd.s32 $0x70, s30  }
0x12d: {  	[hbm4b:s31+s3] =	stream.linear.scatter [tilespmem:s29], [sflag:$0x8], $0x80, $0x38;
	[tilespmem:$0x18F00] =	vst v63  }
.LBB2_30:
0x12e: {  	p0 =	seq.s32 s28, $0x63  }
.Ltmp18:
0x12f: {  	_ = 	snop;
	(pc) =	sbr.rel @p0 .LBB2_32-.Ltmp18, $1  }
0x130: {  	_ =	sdelay $0x3  }
.LBB2_31:
0x131: {  	p0 =	slt.u32 s28, $0x3  }
.Ltmp19:
0x132: {  	_ = 	snop;
	(pc) =	sbr.rel @p0 .LBB2_33-.Ltmp19, $4  }
0x133: {  	_ =	swait.ge [sflag:s9], $0x100  }
0x134: {  	[sflag:s9] =	ssyncset.done $0x0  }
0x135: {  	[sflag:s9] =	ssyncadd.s32 $0xFFFFFF00  }
0x136: {  	[tilespmem:s11], [sflag:$0x4] =	stream.indirect.gather [hbm4b:s4+s10], $0x40, s3, s10, $0xb8;
	[tilespmem:$0x18F00] =	vst v63  }
.LBB2_32:
0x137: {  	_ =	swait.ge [sflag:s12], $0x2000  }
0x138: {  	[sflag:s12] =	ssyncset.done $0x0  }
0x139: {  	[sflag:s12] =	ssyncadd.s32 $0xFFFFE000  }
0x13a: {  	_ =	swait.ge [sflag:s12], $0x2000  }
0x13b: {  	[sflag:s12] =	ssyncset.done $0x0  }
0x13c: {  	[sflag:s12] =	ssyncadd.s32 $0xFFFFE000  }
.LBB2_33:
0x13d: {  	s0 =	simm.s32 $0x1;
	s1 =	simm.s32 $0x0  }
0x13e: {  	s30 =	simm.s32 $0x0;
	s6 =	simm.s32 $0x6;
	s0 =	sand.u32 $0x78, s0  }
0x13f: {  	s23 =	simm.s32 $0x7;
	v5 =	vmov s1;
	s19 =	sand.u32 $0x78, s30;
	s6 =	sand.u32 $0x78, s6;
	v6 =	vmov s0  }
0x140: {  	v5 =	vmul.u32 $0x2200, v5;
	v7 =	vmov s19;
	s0 =	sand.u32 $0x78, s23;
	v11 =	vmov s6  }
0x141: {  	s8 =	simm.s32 $0x2;
	s19 =	simm.s32 $0x4;
	v6 =	vshrl.u32 v6, $0x3;
	v9 =	vmov s0;
	v11 =	vshrl.u32 v11, $0x3  }
0x142: {  	s23 =	simm.s32 $0x5;
	s0 =	sand.u32 $0x78, s8;
	s8 =	sand.u32 $0x78, s19;
	v7 =	vshrl.u32 v7, $0x3;
	v5 =	vbroadcast v5, $0x0;
	v6 =	vshll.u32 v6, v1  }
0x143: {  	s19 =	sand.u32 $0x78, s23;
	v9 =	vshrl.u32 v9, $0x3;
	v16 =	vmov s0;
	v19 =	vmov s8  }
0x144: {  	_ =	swait.ge [sflag:s13], $0x4000;
	v20 =	vmov s19;
	v7 =	vshll.u32 v7, v1;
	v11 =	vshll.u32 v11, v1  }
0x145: {  	[sflag:s13] =	ssyncset.done $0x0;
	v12 =	vbroadcast v6, $0x0;
	v9 =	vshll.u32 v9, v1;
	v19 =	vshrl.u32 v19, $0x3  }
0x146: {  	s29 =	simm.s32 $0x84F0;
	[sflag:s13] =	ssyncadd.s32 $0xFFFFC000;
	v20 =	vshrl.u32 v20, $0x3;
	v16 =	vshrl.u32 v16, $0x3;
	v30 =	vbroadcast v11, $0x0  }
0x147: {  	v8 =	vld [tilespmem:s29+$0xFFFFFF10];
	v7 =	vbroadcast v7, $0x0;
	v10 =	vadd.s32 v4, v5;
	v13 =	vadd.s32 v0, v5  }
0x148: {  	v15 =	vld [tilespmem:s29+$0xFFFFFFD0];
	v9 =	vbroadcast v9, $0x0;
	v21 =	vadd.s32 v2, v5;
	v19 =	vshll.u32 v19, v1  }
0x149: {  	v23 =	vld [tilespmem:s29+$0xFFFFFF50];
	v22 =	vadd.s32 v3, v5;
	v20 =	vshll.u32 v20, v1;
	v16 =	vshll.u32 v16, v1  }
0x14a: {  	v14 =	vadd.s32 v13, v12;
	v19 =	vbroadcast v19, $0x0;
	v27 =	vbroadcast v16, $0x0  }
0x14b: {  	v6 =	vld [tilespmem:s29+$0xFFFFFE50];
	v20 =	vbroadcast v20, $0x0;
	v32 =	vadd.s32 v13, v30;
	v59 =	vadd.s32 v22, v30  }
0x14c: {  	s23 =	simm.s32 $0x3;
	v61 =	vadd.s32 v21, v30;
	v17 =	vmul.f32 $8.000000000e+00, v8;
	v8 =	vor.u32 $0x1, v14  }
0x14d: {  	s0 =	sand.u32 $0x78, s23;
	v14 =	vadd.s32 v10, v12;
	v18 =	vadd.s32 v13, v9;
	v5 =	vmul.f32 $8.000000000e+00, v15  }
0x14e: {  	v15 =	vmov s0;
	v24 =	vadd.s32 v21, v9;
	v23 =	vmul.f32 $8.000000000e+00, v23  }
0x14f: {  	v34 =	vld [tilespmem:s29+$0xFFFFFED0];
	v32 =	vor.u32 $0x6, v32;
	v18 =	vor.u32 $0x7, v18;
	v25 =	vadd.s32 v13, v19  }
0x150: {  	v26 =	vadd.s32 v21, v19;
	v24 =	vor.u32 $0x7, v24;
	v6 =	vmul.f32 $8.000000000e+00, v6  }
0x151: {  	v16 =	vld [tilespmem:s29+$0xFFFFFF90];
	v28 =	vadd.s32 v21, v27;
	v11 =	vadd.s32 v22, v27;
	v31 =	vadd.s32 v13, v27  }
0x152: {  	v29 =	vld [tilespmem:s29+$0xFFFFFE90];
	v35 =	vadd.s32 v13, v20;
	[tilespmem:v8+s14+$0x0] =	vst.idx.msk $0xffff, v6;
	v6 =	vshrl.u32 v15, $0x3;
	v15 =	vor.u32 $0x4, v25  }
0x153: {  	v40 =	vadd.s32 v22, v19;
	v42 =	vadd.s32 v10, v20;
	v31 =	vor.u32 $0x2, v31;
	v8 =	vld [tilespmem:s29+$0xFFFFFE60]  }
0x154: {  	v39 =	vor.u32 $0x4, v26;
	v26 =	vmul.f32 $8.000000000e+00, v34;
	[tilespmem:v18+s14+$0x0] =	vst.idx.msk $0xffff, v5;
	v5 =	vor.u32 $0x5, v35  }
0x155: {  	v62 =	vor.u32 $0x2, v28;
	v25 =	vadd.s32 v21, v12;
	v6 =	vshll.u32 v6, v1;
	v37 =	vld [tilespmem:s29+$0xFFFFFFE0]  }
0x156: {  	v36 =	vmul.f32 $8.000000000e+00, v16;
	v25 =	vor.u32 $0x1, v25;
	v18 =	vbroadcast v6, $0x0  }
0x157: {  	v38 =	vld [tilespmem:s29+$0xFFFFFE10];
	v12 =	vadd.s32 v22, v12;
	[tilespmem:v15+s14+$0x0] =	vst.idx.msk $0xffff, v17;
	v15 =	vadd.s32 v21, v20;
	v17 =	vmul.f32 $8.000000000e+00, v29  }
0x158: {  	[tilespmem:v32+s14+$0x0] =	vst.idx.msk $0xffff, v36;
	v29 =	vadd.s32 v13, v18;
	v13 =	vadd.s32 v7, v13;
	v33 =	vmul.f32 $8.000000000e+00, v8  }
0x159: {  	v36 =	vld [tilespmem:s29+$0xFFFFFFA0];
	v8 =	vor.u32 $0x2, v11;
	v11 =	vadd.s32 v22, v20;
	v29 =	vor.u32 $0x3, v29;
	[tilespmem:v5+s14+$0x0] =	vst.idx.msk $0xffff, v23  }
0x15a: {  	v20 =	vadd.s32 v7, v21;
	[tilespmem:v31+s14+$0x0] =	vst.idx.msk $0xffff, v17;
	v31 =	vadd.s32 v21, v18;
	v21 =	vmul.f32 $8.000000000e+00, v37;
	v23 =	vld [tilespmem:s29+$0xFFFFFF60]  }
0x15b: {  	v32 =	vor.u32 $0x6, v61;
	v6 =	vadd.s32 v7, v22;
	v16 =	vadd.s32 v22, v18;
	v41 =	vld [tilespmem:s29+$0xFFFFFEA0];
	[tilespmem:v25+s14+$0x0] =	vst.idx.msk $0xffff, v33  }
0x15c: {  	v60 =	vld [tilespmem:s29+$0xFFFFFF20];
	v5 =	vadd.s32 v7, v10;
	v7 =	vmul.f32 $8.000000000e+00, v38;
	[tilespmem:v24+s14+$0x0] =	vst.idx.msk $0xffff, v21;
	v21 =	vor.u32 $0x5, v15  }
0x15d: {  	v17 =	vadd.s32 v10, v18;
	v18 =	vadd.s32 v22, v9;
	v9 =	vadd.s32 v10, v9;
	v22 =	vld [tilespmem:s29+$0xFFFFFE70]  }
0x15e: {  	v27 =	vadd.s32 v10, v27;
	v9 =	vor.u32 $0x7, v9;
	v15 =	vmul.f32 $8.000000000e+00, v36;
	v63 =	vld [tilespmem:s29+$0xFFFFFFF0];
	[tilespmem:v13+s14+$0x0] =	vst.idx.msk $0xffff, v7  }
0x15f: {  	v24 =	vadd.s32 v10, v19;
	v19 =	vor.u32 $0x7, v18;
	[tilespmem:v29+s14+$0x0] =	vst.idx.msk $0xffff, v26;
	v28 =	vld [tilespmem:s29+$0xFFFFFE20];
	v23 =	vmul.f32 $8.000000000e+00, v23  }
0x160: {  	v18 =	vor.u32 $0x1, v12;
	v12 =	vor.u32 $0x5, v42;
	[tilespmem:v32+s14+$0x0] =	vst.idx.msk $0xffff, v15;
	v25 =	vld [tilespmem:s29+$0xFFFFFEE0];
	v26 =	vmul.f32 $8.000000000e+00, v41  }
0x161: {  	v10 =	vadd.s32 v10, v30;
	v34 =	vmul.f32 $8.000000000e+00, v60;
	v15 =	vor.u32 $0x2, v27;
	v27 =	vld [tilespmem:s29+$0xFFFFFFB0];
	[tilespmem:v21+s14+$0x0] =	vst.idx.msk $0xffff, v23  }
0x162: {  	v7 =	vor.u32 $0x1, v14;
	v14 =	vor.u32 $0x4, v40;
	v29 =	vor.u32 $0x3, v31;
	[tilespmem:v62+s14+$0x0] =	vst.idx.msk $0xffff, v26;
	v23 =	vld [tilespmem:s29+$0xFFFFFF70]  }
0x163: {  	s31 =	simm.s32 $0x86F0;
	v13 =	vor.u32 $0x4, v24;
	v24 =	vor.u32 $0x6, v59;
	[tilespmem:v39+s14+$0x0] =	vst.idx.msk $0xffff, v34;
	v21 =	vmul.f32 $8.000000000e+00, v63;
	v26 =	vld [tilespmem:s29+$0xFFFFFEB0]  }
.LBB2_34:
0x164: {  	s0 =	sadd.s32 $0x9, s30  }
0x165: {  	s6 =	sadd.s32 $0xA, s30;
	v22 =	vmul.f32 $8.000000000e+00, v22;
	v25 =	vmul.f32 $8.000000000e+00, v25;
	v30 =	vld [tilespmem:s29+$0xFFFFFF30];
	v31 =	vor.u32 $0x6, v10;
	s1 =	smov.u32 s30;
	s30 =	sadd.s32 $0x8, s30  }
0x166: {  	v16 =	vor.u32 $0x3, v16;
	v11 =	vor.u32 $0x5, v11;
	s8 =	sshrl.u32 s30, $0x7;
	s19 =	sand.u32 $0x78, s30;
	s0 =	sand.u32 $0x78, s0;
	v32 =	vld [tilespmem:s31+$0xFFFFFFD0];
	v10 =	vmul.f32 $8.000000000e+00, v28  }
0x167: {  	s23 =	sadd.s32 $0xF, s1;
	v28 =	vmov s8;
	v33 =	vmov s0;
	v34 =	vld [tilespmem:s31+$0xFFFFFE50];
	s0 =	sadd.s32 $0xB, s1;
	s8 =	sadd.s32 $0xE, s1;
	[tilespmem:v29+s14+$0x0] =	vst.idx.msk $0xffff, v25;
	v25 =	vmul.f32 $8.000000000e+00, v27  }
0x168: {  	v27 =	vmov s19;
	s19 =	sadd.s32 $0xD, s1;
	s23 =	sand.u32 $0x78, s23;
	v28 =	vmul.u32 $0x2200, v28;
	v29 =	vld [tilespmem:s31+$0xFFFFFF10];
	s8 =	sand.u32 $0x78, s8;
	[tilespmem:v20+s14+$0x0] =	vst.idx.msk $0xffff, v10;
	v10 =	vmul.f32 $8.000000000e+00, v26  }
0x169: {  	v35 =	vor.u32 $0x3, v17;
	s6 =	sand.u32 $0x78, s6;
	s0 =	sand.u32 $0x78, s0;
	s19 =	sand.u32 $0x78, s19;
	v20 =	vmov s23;
	v26 =	vld [tilespmem:s29+$0xFFFFFEF0];
	v17 =	vmul.f32 $8.000000000e+00, v23;
	[tilespmem:v24+s14+$0x0] =	vst.idx.msk $0xffff, v25  }
0x16a: {  	p0 =	slt.u32 s30, $0xF8;
	v24 =	vshrl.u32 v33, $0x3;
	v23 =	vbroadcast v28, $0x0;
	v25 =	vld [tilespmem:s29+$0xFFFFFE30];
	[tilespmem:v8+s14+$0x0] =	vst.idx.msk $0xffff, v10;
	v8 =	vmul.f32 $8.000000000e+00, v30  }
0x16b: {  	v20 =	vshrl.u32 v20, $0x3;
	v24 =	vshll.u32 v24, v1;
	v28 =	vmov s8;
	v30 =	vld [tilespmem:s29+$0xFFFFFEC0];
	[tilespmem:v11+s14+$0x0] =	vst.idx.msk $0xffff, v17  }
0x16c: {  	v17 =	vbroadcast v24, $0x0;
	v11 =	vshll.u32 v20, v1;
	v10 =	vadd.s32 v4, v23;
	[tilespmem:v14+s14+$0x0] =	vst.idx.msk $0xffff, v8;
	v8 =	vld [tilespmem:s29+$0xFFFFFF80]  }
0x16d: {  	v24 =	vshrl.u32 v28, $0x3;
	v20 =	vadd.s32 v0, v23;
	v14 =	vbroadcast v11, $0x0;
	[tilespmem:v18+s14+$0x0] =	vst.idx.msk $0xffff, v22;
	v11 =	vld [tilespmem:s29+$0xFFFFFF40]  }
0x16e: {  	v18 =	vadd.s32 v20, v17;
	v22 =	vmov s6;
	v28 =	vmul.f32 $8.000000000e+00, v29;
	v29 =	vld [tilespmem:s29+$0xFFFFFFC0]  }
0x16f: {  	s1 =	sadd.s32 $0xC, s1;
	v33 =	vor.u32 $0x1, v18;
	v18 =	vadd.s32 v10, v17;
	v36 =	vadd.s32 v20, v14;
	v37 =	vld [tilespmem:s29+$0xFFFFFE80]  }
0x170: {  	s1 =	sand.u32 $0x78, s1;
	v38 =	vmov s19;
	v26 =	vmul.f32 $8.000000000e+00, v26;
	v36 =	vor.u32 $0x7, v36  }
0x171: {  	v39 =	vmov s1;
	v34 =	vmul.f32 $8.000000000e+00, v34;
	v30 =	vmul.f32 $8.000000000e+00, v30;
	[tilespmem:v19+s14+$0x0] =	vst.idx.msk $0xffff, v21  }
0x172: {  	v38 =	vshrl.u32 v38, $0x3;
	v25 =	vmul.f32 $8.000000000e+00, v25;
	v21 =	vadd.s32 v2, v23;
	[tilespmem:v16+s14+$0x0] =	vst.idx.msk $0xffff, v26;
	v16 =	vld [tilespmem:s29+$0x0]  }
0x173: {  	v19 =	vadd.s32 v3, v23;
	v23 =	vshrl.u32 v39, $0x3;
	v26 =	vmul.f32 $8.000000000e+00, v32;
	[tilespmem:v15+s14+$0x0] =	vst.idx.msk $0xffff, v30;
	v15 =	vld [tilespmem:s29+$0xFFFFFF00]  }
0x174: {  	v23 =	vshll.u32 v23, v1;
	v30 =	vmov s0;
	[tilespmem:v6+s14+$0x0] =	vst.idx.msk $0xffff, v25;
	v6 =	vmul.f32 $8.000000000e+00, v11  }
0x175: {  	v8 =	vmul.f32 $8.000000000e+00, v8;
	v23 =	vbroadcast v23, $0x0;
	v25 =	vadd.s32 v21, v14;
	v11 =	vld [tilespmem:s31+$0xFFFFFF50]  }
0x176: {  	v22 =	vshrl.u32 v22, $0x3;
	v32 =	vshll.u32 v38, v1;
	v38 =	vld [tilespmem:s29+$0xFFFFFE40];
	[tilespmem:v13+s14+$0x0] =	vst.idx.msk $0xffff, v6;
	v6 =	vmul.f32 $8.000000000e+00, v29;
	s29 =	smov.u32 s31  }
0x177: {  	v13 =	vadd.s32 v20, v23;
	v29 =	vadd.s32 v21, v23;
	[tilespmem:v33+s14+$0x0] =	vst.idx.msk $0xffff, v34;
	v33 =	vmul.f32 $8.000000000e+00, v37  }
0x178: {  	v30 =	vshrl.u32 v30, $0x3;
	v13 =	vor.u32 $0x4, v13;
	v15 =	vmul.f32 $8.000000000e+00, v15;
	[tilespmem:v31+s14+$0x0] =	vst.idx.msk $0xffff, v6  }
0x179: {  	v22 =	vshll.u32 v22, v1;
	v6 =	vshrl.u32 v27, $0x3;
	v27 =	vld [tilespmem:s31+$0xFFFFFE60];
	[tilespmem:v12+s14+$0x0] =	vst.idx.msk $0xffff, v8;
	v8 =	vmul.f32 $8.000000000e+00, v16  }
0x17a: {  	v6 =	vshll.u32 v6, v1;
	v12 =	vadd.s32 v21, v17;
	v31 =	vmul.f32 $8.000000000e+00, v11;
	[tilespmem:v35+s14+$0x0] =	vst.idx.msk $0xffff, v15  }
0x17b: {  	v15 =	vbroadcast v22, $0x0;
	v11 =	vshll.u32 v24, v1;
	v16 =	vmul.f32 $8.000000000e+00, v38;
	[tilespmem:v9+s14+$0x0] =	vst.idx.msk $0xffff, v8  }
0x17c: {  	v22 =	vor.u32 $0x7, v25;
	v9 =	vshll.u32 v30, v1;
	v30 =	vbroadcast v11, $0x0;
	[tilespmem:v7+s14+$0x0] =	vst.idx.msk $0xffff, v33  }
0x17d: {  	v24 =	vbroadcast v32, $0x0;
	v7 =	vadd.s32 v21, v15;
	v8 =	vadd.s32 v19, v15;
	v25 =	vld [tilespmem:s31+$0xFFFFFF90];
	[tilespmem:v5+s14+$0x0] =	vst.idx.msk $0xffff, v16  }
0x17e: {  	v11 =	vadd.s32 v20, v15;
	v16 =	vadd.s32 v20, v30;
	v27 =	vmul.f32 $8.000000000e+00, v27;
	v5 =	vld [tilespmem:s31+$0xFFFFFE90]  }
0x17f: {  	v32 =	vor.u32 $0x2, v11;
	v8 =	vor.u32 $0x2, v8;
	v34 =	vor.u32 $0x6, v16;
	v33 =	vld [tilespmem:s31+$0xFFFFFED0]  }
0x180: {  	v35 =	vbroadcast v6, $0x0;
	v6 =	vadd.s32 v20, v24;
	v11 =	vadd.s32 v19, v24;
	[tilespmem:v36+s14+$0x0] =	vst.idx.msk $0xffff, v26  }
0x181: {  	v9 =	vbroadcast v9, $0x0;
	v36 =	vadd.s32 v19, v30;
	[tilespmem:v13+s14+$0x0] =	vst.idx.msk $0xffff, v28;
	v13 =	vor.u32 $0x5, v6  }
0x182: {  	v26 =	vadd.s32 v21, v24;
	v6 =	vadd.s32 v35, v19;
	v25 =	vmul.f32 $8.000000000e+00, v25;
	v28 =	vld [tilespmem:s31+$0xFFFFFFE0]  }
0x183: {  	v38 =	vor.u32 $0x4, v29;
	v16 =	vadd.s32 v19, v9;
	v37 =	vld [tilespmem:s31+$0xFFFFFE10];
	v5 =	vmul.f32 $8.000000000e+00, v5  }
0x184: {  	v29 =	vmul.f32 $8.000000000e+00, v33;
	v33 =	vadd.s32 v20, v9;
	v39 =	vld [tilespmem:s31+$0xFFFFFF20];
	[tilespmem:v34+s14+$0x0] =	vst.idx.msk $0xffff, v25;
	v25 =	vadd.s32 v21, v30  }
0x185: {  	v34 =	vadd.s32 v19, v23;
	[tilespmem:v32+s14+$0x0] =	vst.idx.msk $0xffff, v5;
	v32 =	vor.u32 $0x3, v33;
	v33 =	vadd.s32 v21, v9;
	v40 =	vld [tilespmem:s31+$0xFFFFFFA0]  }
0x186: {  	v12 =	vor.u32 $0x1, v12;
	v41 =	vadd.s32 v35, v20;
	v24 =	vadd.s32 v10, v24;
	v42 =	vld [tilespmem:s31+$0xFFFFFEA0];
	[tilespmem:v13+s14+$0x0] =	vst.idx.msk $0xffff, v31  }
0x187: {  	v20 =	vadd.s32 v35, v21;
	v21 =	vor.u32 $0x6, v25;
	v13 =	vld [tilespmem:s31+$0xFFFFFF60];
	v25 =	vmul.f32 $8.000000000e+00, v28  }
0x188: {  	v5 =	vadd.s32 v35, v10;
	v35 =	vor.u32 $0x2, v7;
	v31 =	vadd.s32 v19, v17  }
0x189: {  	v43 =	vor.u32 $0x5, v26;
	v17 =	vadd.s32 v10, v9;
	v39 =	vmul.f32 $8.000000000e+00, v39;
	[tilespmem:v22+s14+$0x0] =	vst.idx.msk $0xffff, v25  }
0x18a: {  	v23 =	vadd.s32 v10, v23;
	v7 =	vmul.f32 $8.000000000e+00, v37;
	[tilespmem:v32+s14+$0x0] =	vst.idx.msk $0xffff, v29;
	v9 =	vmul.f32 $8.000000000e+00, v40;
	v32 =	vld [tilespmem:s31+$0xFFFFFFF0]  }
0x18b: {  	v15 =	vadd.s32 v10, v15;
	v19 =	vadd.s32 v19, v14;
	[tilespmem:v12+s14+$0x0] =	vst.idx.msk $0xffff, v27;
	v12 =	vmul.f32 $8.000000000e+00, v42;
	v25 =	vld [tilespmem:s31+$0xFFFFFEE0]  }
.Ltmp20:
0x18c: {  	[tilespmem:v41+s14+$0x0] =	vst.idx.msk $0xffff, v7;
	v22 =	vld [tilespmem:s31+$0xFFFFFE70];
	v7 =	vor.u32 $0x1, v18;
	v37 =	vmul.f32 $8.000000000e+00, v13;
	v13 =	vadd.s32 v10, v14;
	(pc) =	sbr.rel @p0 .LBB2_34-.Ltmp20, $4  }
0x18d: {  	v19 =	vor.u32 $0x7, v19;
	v28 =	vld [tilespmem:s31+$0xFFFFFE20];
	[tilespmem:v21+s14+$0x0] =	vst.idx.msk $0xffff, v9;
	v9 =	vor.u32 $0x7, v13  }
0x18e: {  	v15 =	vor.u32 $0x2, v15;
	v29 =	vor.u32 $0x3, v33;
	v18 =	vor.u32 $0x1, v31;
	[tilespmem:v35+s14+$0x0] =	vst.idx.msk $0xffff, v12;
	v27 =	vld [tilespmem:s31+$0xFFFFFFB0]  }
0x18f: {  	v14 =	vor.u32 $0x4, v34;
	v13 =	vor.u32 $0x4, v23;
	v26 =	vld [tilespmem:s31+$0xFFFFFEB0];
	[tilespmem:v43+s14+$0x0] =	vst.idx.msk $0xffff, v37;
	v21 =	vmul.f32 $8.000000000e+00, v32  }
0x190: {  	v10 =	vadd.s32 v10, v30;
	v12 =	vor.u32 $0x5, v24;
	v24 =	vor.u32 $0x6, v36;
	s31 =	sadd.s32 $0x200, s31;
	[tilespmem:v38+s14+$0x0] =	vst.idx.msk $0xffff, v39;
	v23 =	vld [tilespmem:s29+$0xFFFFFF70]  }
0x191: {  	_ =	sdelay $0x1  }
0x192: {  	v25 =	vmul.f32 $8.000000000e+00, v25  }
0x193: {  	v30 =	vld [tilespmem:s29+$0xFFFFFF30]  }
0x194: {  	v44 =	vmul.f32 $8.000000000e+00, v28;
	[tilespmem:v29+s14+$0x0] =	vst.idx.msk $0xffff, v25  }
0x195: {  	v45 =	vld [tilespmem:s29+$0xFFFFFEF0]  }
0x196: {  	v53 =	vmul.f32 $8.000000000e+00, v22;
	[tilespmem:v20+s14+$0x0] =	vst.idx.msk $0xffff, v44  }
0x197: {  	v16 =	vor.u32 $0x3, v16;
	[tilespmem:v19+s14+$0x0] =	vst.idx.msk $0xffff, v21;
	v47 =	vmul.f32 $8.000000000e+00, v27;
	v48 =	vld [tilespmem:s29+$0xFFFFFE30]  }
0x198: {  	v11 =	vor.u32 $0x5, v11;
	v58 =	vld [tilespmem:s29+$0x0];
	[tilespmem:v18+s14+$0x0] =	vst.idx.msk $0xffff, v53;
	v46 =	vmul.f32 $8.000000000e+00, v30  }
0x199: {  	v26 =	vmul.f32 $8.000000000e+00, v26;
	v59 =	vld [tilespmem:s29+$0xFFFFFE80];
	[tilespmem:v24+s14+$0x0] =	vst.idx.msk $0xffff, v47  }
0x19a: {  	v52 =	vld [tilespmem:s29+$0xFFFFFFC0];
	[tilespmem:v14+s14+$0x0] =	vst.idx.msk $0xffff, v46;
	v51 =	vmul.f32 $8.000000000e+00, v45  }
0x19b: {  	v49 =	vmul.f32 $8.000000000e+00, v23;
	[tilespmem:v8+s14+$0x0] =	vst.idx.msk $0xffff, v26;
	v14 =	vld [tilespmem:s29+$0xFFFFFF40]  }
0x19c: {  	v10 =	vor.u32 $0x6, v10;
	v50 =	vld [tilespmem:s29+$0xFFFFFEC0];
	v55 =	vmul.f32 $8.000000000e+00, v48;
	[tilespmem:v16+s14+$0x0] =	vst.idx.msk $0xffff, v51  }
0x19d: {  	[tilespmem:v11+s14+$0x0] =	vst.idx.msk $0xffff, v49;
	v62 =	vmul.f32 $8.000000000e+00, v58;
	v56 =	vld [tilespmem:s29+$0xFFFFFF00]  }
0x19e: {  	v54 =	vld [tilespmem:s29+$0xFFFFFF80];
	v63 =	vmul.f32 $8.000000000e+00, v59;
	[tilespmem:v6+s14+$0x0] =	vst.idx.msk $0xffff, v55  }
0x19f: {  	v17 =	vor.u32 $0x3, v17;
	[tilespmem:v9+s14+$0x0] =	vst.idx.msk $0xffff, v62;
	v8 =	vmul.f32 $8.000000000e+00, v52;
	v60 =	vld [tilespmem:s29+$0xFFFFFE40]  }
0x1a0: {  	[tilespmem:v7+s14+$0x0] =	vst.idx.msk $0xffff, v63;
	v6 =	vmul.f32 $8.000000000e+00, v14  }
0x1a1: {  	s0 =	sshll.u32 s28, $0x10;
	s1 =	sshll.u32 s28, $0x13;
	v57 =	vmul.f32 $8.000000000e+00, v50;
	[tilespmem:v10+s14+$0x0] =	vst.idx.msk $0xffff, v8  }
0x1a2: {  	s0 =	sand.u32 $0x10000, s0;
	s1 =	sand.u32 $0x3F00000, s1;
	[tilespmem:v13+s14+$0x0] =	vst.idx.msk $0xffff, v6;
	v6 =	vmul.f32 $8.000000000e+00, v56  }
0x1a3: {  	s0 =	sor.u32 s1, s0;
	v61 =	vmul.f32 $8.000000000e+00, v54;
	[tilespmem:v15+s14+$0x0] =	vst.idx.msk $0xffff, v57  }
0x1a4: {  	s0 =	sor.u32 s7, s0;
	[tilespmem:v17+s14+$0x0] =	vst.idx.msk $0xffff, v6;
	v6 =	vmul.f32 $8.000000000e+00, v60  }
0x1a5: {  	s29 =	sshrl.u32 s0, $0x3;
	[tilespmem:v12+s14+$0x0] =	vst.idx.msk $0xffff, v61  }
0x1a6: {  	s23 =	simm.s32 $0x14B00;
	s8 =	sadd.s32 s2, s29;
	[tilespmem:v5+s14+$0x0] =	vst.idx.msk $0xffff, v6  }
0x1a7: {  	[hbm4b:s8+s3] =	stream.linear.scatter [tilespmem:s23], [sflag:$0x9], $0x80, $0x38;
	[tilespmem:$0x18F00] =	vst v63  }
0x1a8: {  	s1 =	simm.s32 $0x14B88;
	s6 =	sadd.s32 $0x10, s8  }
0x1a9: {  	[hbm4b:s6+s3] =	stream.linear.scatter [tilespmem:s1], [sflag:$0x9], $0x80, $0x38;
	[tilespmem:$0x18F00] =	vst v63  }
0x1aa: {  	s19 =	simm.s32 $0x14C10;
	s30 =	simm.s32 $0x440;
	s23 =	sadd.s32 $0x20, s8  }
0x1ab: {  	[hbm4b:s23+s3] =	stream.linear.scatter [tilespmem:s19], [sflag:$0x9], $0x80, $0x38;
	[tilespmem:$0x18F00] =	vst v63  }
0x1ac: {  	s0 =	simm.s32 $0x2200;
	s1 =	simm.s32 $0x14C98;
	s6 =	sadd.s32 $0x30, s8  }
0x1ad: {  	[hbm4b:s6+s3] =	stream.linear.scatter [tilespmem:s1], [sflag:$0x9], $0x80, $0x38;
	[tilespmem:$0x18F00] =	vst v63  }
0x1ae: {  	s31 =	sadd.s32 $0x4000, s8;
	s19 =	simm.s32 $0x14D20;
	s23 =	sadd.s32 $0x40, s8  }
0x1af: {  	[hbm4b:s23+s3] =	stream.linear.scatter [tilespmem:s19], [sflag:$0x9], $0x80, $0x38;
	[tilespmem:$0x18F00] =	vst v63  }
0x1b0: {  	s1 =	simm.s32 $0x14DA8;
	s6 =	sadd.s32 $0x50, s8;
	s19 =	simm.s32 $0x14E30  }
0x1b1: {  	[hbm4b:s6+s3] =	stream.linear.scatter [tilespmem:s1], [sflag:$0x9], $0x80, $0x38;
	[tilespmem:$0x18F00] =	vst v63  }
0x1b2: {  	s23 =	sadd.s32 $0x60, s8;
	s1 =	simm.s32 $0x14EB8;
	s6 =	sadd.s32 $0x70, s8  }
0x1b3: {  	[hbm4b:s23+s3] =	stream.linear.scatter [tilespmem:s19], [sflag:$0x9], $0x80, $0x38;
	[tilespmem:$0x18F00] =	vst v63  }
.LBB2_36:
0x1b4: {  	[hbm4b:s6+s3] =	stream.linear.scatter [tilespmem:s1], [sflag:$0x9], $0x80, $0x38;
	[tilespmem:$0x18F00] =	vst v63  }
0x1b5: {  	s1 =	smov.u32 s30;
	s6 =	smov.u32 s0  }
0x1b6: {  	s8 =	sadd.s32 $0x1100, s0;
	s30 =	sshra.s32 s6, $0x2;
	s6 =	sadd.s32 $0x14B00, s1  }
0x1b7: {  	[hbm4b:s31+s3] =	stream.linear.scatter [tilespmem:s6], [sflag:$0x9], $0x80, $0x38;
	[tilespmem:$0x18F00] =	vst v63  }
0x1b8: {  	p0 =	sne.s32 s0, $0x7700;
	s0 =	sadd.s32 $0x14B88, s1;
	s6 =	sadd.s32 $0x10, s31  }
0x1b9: {  	[hbm4b:s6+s3] =	stream.linear.scatter [tilespmem:s0], [sflag:$0x9], $0x80, $0x38;
	[tilespmem:$0x18F00] =	vst v63  }
0x1ba: {  	s0 =	sadd.s32 $0x14C10, s1;
	s6 =	sadd.s32 $0x20, s31  }
0x1bb: {  	[hbm4b:s6+s3] =	stream.linear.scatter [tilespmem:s0], [sflag:$0x9], $0x80, $0x38;
	[tilespmem:$0x18F00] =	vst v63  }
0x1bc: {  	s0 =	sadd.s32 $0x14C98, s1;
	s6 =	sadd.s32 $0x30, s31  }
0x1bd: {  	[hbm4b:s6+s3] =	stream.linear.scatter [tilespmem:s0], [sflag:$0x9], $0x80, $0x38;
	[tilespmem:$0x18F00] =	vst v63  }
0x1be: {  	s0 =	sadd.s32 $0x14D20, s1;
	s6 =	sadd.s32 $0x40, s31  }
0x1bf: {  	[hbm4b:s6+s3] =	stream.linear.scatter [tilespmem:s0], [sflag:$0x9], $0x80, $0x38;
	[tilespmem:$0x18F00] =	vst v63  }
.Ltmp21:
0x1c0: {  	s0 =	sadd.s32 $0x14DA8, s1;
	s6 =	sadd.s32 $0x50, s31;
	(pc) =	sbr.rel @p0 .LBB2_36-.Ltmp21, $4  }
0x1c1: {  	[hbm4b:s6+s3] =	stream.linear.scatter [tilespmem:s0], [sflag:$0x9], $0x80, $0x38;
	[tilespmem:$0x18F00] =	vst v63  }
0x1c2: {  	s0 =	sadd.s32 $0x14E30, s1;
	s6 =	sadd.s32 $0x60, s31;
	s1 =	sadd.s32 $0x14EB8, s1  }
0x1c3: {  	[hbm4b:s6+s3] =	stream.linear.scatter [tilespmem:s0], [sflag:$0x9], $0x80, $0x38;
	[tilespmem:$0x18F00] =	vst v63  }
0x1c4: {  	s6 =	sadd.s32 $0x70, s31;
	s31 =	sadd.s32 $0x4000, s31;
	s0 =	smov.u32 s8  }
0x1c5: {  	[hbm4b:s6+s3] =	stream.linear.scatter [tilespmem:s1], [sflag:$0x9], $0x80, $0x38;
	[tilespmem:$0x18F00] =	vst v63  }
0x1c6: {  	s0 =	sadd.s32 $0x14B00, s30  }
0x1c7: {  	[hbm4b:s31+s3] =	stream.linear.scatter [tilespmem:s0], [sflag:$0x9], $0x80, $0x38;
	[tilespmem:$0x18F00] =	vst v63  }
0x1c8: {  	s19 =	sadd.s32 $0x14B88, s30;
	s23 =	sadd.s32 $0x10, s31  }
0x1c9: {  	[hbm4b:s23+s3] =	stream.linear.scatter [tilespmem:s19], [sflag:$0x9], $0x80, $0x38;
	[tilespmem:$0x18F00] =	vst v63  }
0x1ca: {  	s6 =	sadd.s32 $0x14C10, s30;
	s8 =	sadd.s32 $0x20, s31  }
0x1cb: {  	[hbm4b:s8+s3] =	stream.linear.scatter [tilespmem:s6], [sflag:$0x9], $0x80, $0x38;
	[tilespmem:$0x18F00] =	vst v63  }
0x1cc: {  	s19 =	sadd.s32 $0x14C98, s30;
	s23 =	sadd.s32 $0x30, s31  }
0x1cd: {  	[hbm4b:s23+s3] =	stream.linear.scatter [tilespmem:s19], [sflag:$0x9], $0x80, $0x38;
	[tilespmem:$0x18F00] =	vst v63  }
0x1ce: {  	s6 =	sadd.s32 $0x14D20, s30;
	s8 =	sadd.s32 $0x40, s31  }
0x1cf: {  	[hbm4b:s8+s3] =	stream.linear.scatter [tilespmem:s6], [sflag:$0x9], $0x80, $0x38;
	[tilespmem:$0x18F00] =	vst v63  }
0x1d0: {  	s19 =	sadd.s32 $0x14DA8, s30;
	s23 =	sadd.s32 $0x50, s31  }
0x1d1: {  	[hbm4b:s23+s3] =	stream.linear.scatter [tilespmem:s19], [sflag:$0x9], $0x80, $0x38;
	[tilespmem:$0x18F00] =	vst v63  }
0x1d2: {  	s6 =	sadd.s32 $0x14E30, s30;
	s8 =	sadd.s32 $0x60, s31  }
0x1d3: {  	[hbm4b:s8+s3] =	stream.linear.scatter [tilespmem:s6], [sflag:$0x9], $0x80, $0x38;
	[tilespmem:$0x18F00] =	vst v63  }
0x1d4: {  	s19 =	sadd.s32 $0x14EB8, s30;
	s23 =	sadd.s32 $0x70, s31;
	s31 =	sadd.s32 s29, s2  }
0x1d5: {  	[hbm4b:s23+s3] =	stream.linear.scatter [tilespmem:s19], [sflag:$0x9], $0x80, $0x38;
	[tilespmem:$0x18F00] =	vst v63  }
0x1d6: {  	s1 =	simm.s32 $0x16D00;
	s8 =	sadd.s32 $0x80, s31  }
0x1d7: {  	[hbm4b:s8+s3] =	stream.linear.scatter [tilespmem:s1], [sflag:$0x9], $0x80, $0x38;
	[tilespmem:$0x18F00] =	vst v63  }
0x1d8: {  	s6 =	simm.s32 $0x16D88;
	s19 =	sadd.s32 $0x10, s8  }
0x1d9: {  	[hbm4b:s19+s3] =	stream.linear.scatter [tilespmem:s6], [sflag:$0x9], $0x80, $0x38;
	[tilespmem:$0x18F00] =	vst v63  }
0x1da: {  	s0 =	simm.s32 $0x2200;
	s31 =	sadd.s32 $0x20, s8;
	s23 =	simm.s32 $0x16E10  }
0x1db: {  	[hbm4b:s31+s3] =	stream.linear.scatter [tilespmem:s23], [sflag:$0x9], $0x80, $0x38;
	[tilespmem:$0x18F00] =	vst v63  }
0x1dc: {  	s29 =	simm.s32 $0x440;
	s6 =	simm.s32 $0x16E98;
	s19 =	sadd.s32 $0x30, s8  }
0x1dd: {  	[hbm4b:s19+s3] =	stream.linear.scatter [tilespmem:s6], [sflag:$0x9], $0x80, $0x38;
	[tilespmem:$0x18F00] =	vst v63  }
0x1de: {  	s30 =	sadd.s32 $0x4000, s8;
	s23 =	simm.s32 $0x16F20;
	s31 =	sadd.s32 $0x40, s8  }
0x1df: {  	[hbm4b:s31+s3] =	stream.linear.scatter [tilespmem:s23], [sflag:$0x9], $0x80, $0x38;
	[tilespmem:$0x18F00] =	vst v63  }
0x1e0: {  	s1 =	simm.s32 $0x170B8;
	s6 =	simm.s32 $0x16FA8;
	s19 =	sadd.s32 $0x50, s8  }
0x1e1: {  	[hbm4b:s19+s3] =	stream.linear.scatter [tilespmem:s6], [sflag:$0x9], $0x80, $0x38;
	[tilespmem:$0x18F00] =	vst v63  }
0x1e2: {  	s23 =	simm.s32 $0x17030;
	s31 =	sadd.s32 $0x60, s8;
	s6 =	sadd.s32 $0x70, s8  }
0x1e3: {  	[hbm4b:s31+s3] =	stream.linear.scatter [tilespmem:s23], [sflag:$0x9], $0x80, $0x38;
	[tilespmem:$0x18F00] =	vst v63  }
.LBB2_38:
0x1e4: {  	[hbm4b:s6+s3] =	stream.linear.scatter [tilespmem:s1], [sflag:$0x9], $0x80, $0x38;
	[tilespmem:$0x18F00] =	vst v63  }
0x1e5: {  	s1 =	smov.u32 s29;
	s6 =	smov.u32 s0  }
0x1e6: {  	s8 =	sadd.s32 $0x1100, s0;
	s29 =	sshra.s32 s6, $0x2;
	s6 =	sadd.s32 $0x16D00, s1  }
0x1e7: {  	[hbm4b:s30+s3] =	stream.linear.scatter [tilespmem:s6], [sflag:$0x9], $0x80, $0x38;
	[tilespmem:$0x18F00] =	vst v63  }
0x1e8: {  	p0 =	seq.s32 s0, $0x7700;
	s0 =	sadd.s32 $0x16D88, s1;
	s6 =	sadd.s32 $0x10, s30  }
0x1e9: {  	[hbm4b:s6+s3] =	stream.linear.scatter [tilespmem:s0], [sflag:$0x9], $0x80, $0x38;
	[tilespmem:$0x18F00] =	vst v63  }
0x1ea: {  	s0 =	sadd.s32 $0x16E10, s1;
	s6 =	sadd.s32 $0x20, s30  }
0x1eb: {  	[hbm4b:s6+s3] =	stream.linear.scatter [tilespmem:s0], [sflag:$0x9], $0x80, $0x38;
	[tilespmem:$0x18F00] =	vst v63  }
0x1ec: {  	s0 =	sadd.s32 $0x16E98, s1;
	s6 =	sadd.s32 $0x30, s30  }
0x1ed: {  	[hbm4b:s6+s3] =	stream.linear.scatter [tilespmem:s0], [sflag:$0x9], $0x80, $0x38;
	[tilespmem:$0x18F00] =	vst v63  }
0x1ee: {  	s0 =	sadd.s32 $0x16F20, s1;
	s6 =	sadd.s32 $0x40, s30  }
0x1ef: {  	[hbm4b:s6+s3] =	stream.linear.scatter [tilespmem:s0], [sflag:$0x9], $0x80, $0x38;
	[tilespmem:$0x18F00] =	vst v63  }
.Ltmp22:
0x1f0: {  	s0 =	sadd.s32 $0x16FA8, s1;
	s6 =	sadd.s32 $0x50, s30;
	(pc) =	sbr.rel @!p0 .LBB2_38-.Ltmp22, $4  }
0x1f1: {  	[hbm4b:s6+s3] =	stream.linear.scatter [tilespmem:s0], [sflag:$0x9], $0x80, $0x38;
	[tilespmem:$0x18F00] =	vst v63  }
0x1f2: {  	s0 =	sadd.s32 $0x17030, s1;
	s6 =	sadd.s32 $0x60, s30;
	s1 =	sadd.s32 $0x170B8, s1  }
0x1f3: {  	[hbm4b:s6+s3] =	stream.linear.scatter [tilespmem:s0], [sflag:$0x9], $0x80, $0x38;
	[tilespmem:$0x18F00] =	vst v63  }
0x1f4: {  	s6 =	sadd.s32 $0x70, s30;
	s30 =	sadd.s32 $0x4000, s30;
	s0 =	smov.u32 s8  }
0x1f5: {  	[hbm4b:s6+s3] =	stream.linear.scatter [tilespmem:s1], [sflag:$0x9], $0x80, $0x38;
	[tilespmem:$0x18F00] =	vst v63  }
0x1f6: {  	s0 =	sadd.s32 $0x16D00, s29  }
0x1f7: {  	[hbm4b:s30+s3] =	stream.linear.scatter [tilespmem:s0], [sflag:$0x9], $0x80, $0x38;
	[tilespmem:$0x18F00] =	vst v63  }
0x1f8: {  	s23 =	sadd.s32 $0x16D88, s29;
	s31 =	sadd.s32 $0x10, s30  }
0x1f9: {  	[hbm4b:s31+s3] =	stream.linear.scatter [tilespmem:s23], [sflag:$0x9], $0x80, $0x38;
	[tilespmem:$0x18F00] =	vst v63  }
0x1fa: {  	s1 =	sadd.s32 $0x16E10, s29;
	s6 =	sadd.s32 $0x20, s30  }
0x1fb: {  	[hbm4b:s6+s3] =	stream.linear.scatter [tilespmem:s1], [sflag:$0x9], $0x80, $0x38;
	[tilespmem:$0x18F00] =	vst v63  }
0x1fc: {  	s8 =	sadd.s32 $0x16E98, s29;
	s19 =	sadd.s32 $0x30, s30  }
0x1fd: {  	[hbm4b:s19+s3] =	stream.linear.scatter [tilespmem:s8], [sflag:$0x9], $0x80, $0x38;
	[tilespmem:$0x18F00] =	vst v63  }
0x1fe: {  	s23 =	sadd.s32 $0x16F20, s29;
	s31 =	sadd.s32 $0x40, s30  }
0x1ff: {  	[hbm4b:s31+s3] =	stream.linear.scatter [tilespmem:s23], [sflag:$0x9], $0x80, $0x38;
	[tilespmem:$0x18F00] =	vst v63  }
0x200: {  	s6 =	sadd.s32 $0x16FA8, s29;
	s8 =	sadd.s32 $0x50, s30  }
0x201: {  	[hbm4b:s8+s3] =	stream.linear.scatter [tilespmem:s6], [sflag:$0x9], $0x80, $0x38;
	[tilespmem:$0x18F00] =	vst v63  }
.Ltmp23:
0x202: {  	_ = 	snop;
	(pc) =	sbr.rel .LBB2_40-.Ltmp23, $4  }
0x203: {  	s19 =	sadd.s32 $0x17030, s29;
	s23 =	sadd.s32 $0x60, s30  }
0x204: {  	[hbm4b:s23+s3] =	stream.linear.scatter [tilespmem:s19], [sflag:$0x9], $0x80, $0x38;
	[tilespmem:$0x18F00] =	vst v63  }
0x205: {  	s29 =	sadd.s32 $0x170B8, s29;
	s31 =	sadd.s32 $0x70, s30  }
0x206: {  	[hbm4b:s31+s3] =	stream.linear.scatter [tilespmem:s29], [sflag:$0x9], $0x80, $0x38;
	[tilespmem:$0x18F00] =	vst v63  }
.LBB2_6:
0x207: {  	p0 =	seq.s32 s28, $0x63  }
.Ltmp24:
0x208: {  	_ = 	snop;
	(pc) =	sbr.rel @p0 .LBB2_8-.Ltmp24, $1  }
0x209: {  	_ =	sdelay $0x3  }
.LBB2_7:
0x20a: {  	p0 =	slt.u32 s28, $0x3  }
.Ltmp25:
0x20b: {  	_ = 	snop;
	(pc) =	sbr.rel @p0 .LBB2_9-.Ltmp25, $4  }
0x20c: {  	_ =	swait.ge [sflag:s22], $0x100  }
0x20d: {  	[sflag:s22] =	ssyncset.done $0x0  }
0x20e: {  	s0 =	simm.s32 $0x4300;
	[sflag:s22] =	ssyncadd.s32 $0xFFFFFF00  }
0x20f: {  	[tilespmem:s0], [sflag:$0x5] =	stream.indirect.gather [hbm4b:s4+s10], $0x40, s10, s10, $0xb8;
	[tilespmem:$0x18F00] =	vst v63  }
.LBB2_8:
0x210: {  	_ =	swait.ge [sflag:s16], $0x2000  }
0x211: {  	[sflag:s16] =	ssyncset.done $0x0  }
0x212: {  	[sflag:s16] =	ssyncadd.s32 $0xFFFFE000  }
0x213: {  	_ =	swait.ge [sflag:s16], $0x2000  }
0x214: {  	[sflag:s16] =	ssyncset.done $0x0  }
0x215: {  	[sflag:s16] =	ssyncadd.s32 $0xFFFFE000  }
.LBB2_9:
0x216: {  	s0 =	simm.s32 $0x1;
	s1 =	simm.s32 $0x0  }
0x217: {  	s30 =	simm.s32 $0x0;
	s6 =	simm.s32 $0x6;
	s0 =	sand.u32 $0x78, s0  }
0x218: {  	s23 =	simm.s32 $0x7;
	v5 =	vmov s1;
	s19 =	sand.u32 $0x78, s30;
	s6 =	sand.u32 $0x78, s6;
	v6 =	vmov s0  }
0x219: {  	v5 =	vmul.u32 $0x2200, v5;
	v7 =	vmov s19;
	s0 =	sand.u32 $0x78, s23;
	v11 =	vmov s6  }
0x21a: {  	s8 =	simm.s32 $0x2;
	s19 =	simm.s32 $0x4;
	v6 =	vshrl.u32 v6, $0x3;
	v9 =	vmov s0;
	v11 =	vshrl.u32 v11, $0x3  }
0x21b: {  	s23 =	simm.s32 $0x5;
	s0 =	sand.u32 $0x78, s8;
	s8 =	sand.u32 $0x78, s19;
	v7 =	vshrl.u32 v7, $0x3;
	v5 =	vbroadcast v5, $0x0;
	v6 =	vshll.u32 v6, v1  }
0x21c: {  	s19 =	sand.u32 $0x78, s23;
	v9 =	vshrl.u32 v9, $0x3;
	v16 =	vmov s0;
	v19 =	vmov s8  }
0x21d: {  	_ =	swait.ge [sflag:s24], $0x4000;
	v20 =	vmov s19;
	v7 =	vshll.u32 v7, v1;
	v11 =	vshll.u32 v11, v1  }
0x21e: {  	[sflag:s24] =	ssyncset.done $0x0;
	v12 =	vbroadcast v6, $0x0;
	v9 =	vshll.u32 v9, v1;
	v19 =	vshrl.u32 v19, $0x3  }
0x21f: {  	s29 =	simm.s32 $0x400;
	[sflag:s24] =	ssyncadd.s32 $0xFFFFC000;
	v20 =	vshrl.u32 v20, $0x3;
	v16 =	vshrl.u32 v16, $0x3;
	v30 =	vbroadcast v11, $0x0  }
0x220: {  	v8 =	vld [tilespmem:s29+$0x0];
	v7 =	vbroadcast v7, $0x0;
	v10 =	vadd.s32 v4, v5;
	v13 =	vadd.s32 v0, v5  }
0x221: {  	v15 =	vld [tilespmem:s29+$0xC0];
	v9 =	vbroadcast v9, $0x0;
	v21 =	vadd.s32 v2, v5;
	v19 =	vshll.u32 v19, v1  }
0x222: {  	v23 =	vld [tilespmem:s29+$0x40];
	v22 =	vadd.s32 v3, v5;
	v20 =	vshll.u32 v20, v1;
	v16 =	vshll.u32 v16, v1  }
0x223: {  	v14 =	vadd.s32 v13, v12;
	v19 =	vbroadcast v19, $0x0;
	v27 =	vbroadcast v16, $0x0  }
0x224: {  	v6 =	vld [tilespmem:s29+$0xFFFFFF40];
	v20 =	vbroadcast v20, $0x0;
	v32 =	vadd.s32 v13, v30;
	v59 =	vadd.s32 v22, v30  }
0x225: {  	s23 =	simm.s32 $0x3;
	v61 =	vadd.s32 v21, v30;
	v17 =	vmul.f32 $8.000000000e+00, v8;
	v8 =	vor.u32 $0x1, v14  }
0x226: {  	s0 =	sand.u32 $0x78, s23;
	v14 =	vadd.s32 v10, v12;
	v18 =	vadd.s32 v13, v9;
	v5 =	vmul.f32 $8.000000000e+00, v15  }
0x227: {  	v15 =	vmov s0;
	v24 =	vadd.s32 v21, v9;
	v23 =	vmul.f32 $8.000000000e+00, v23  }
0x228: {  	v34 =	vld [tilespmem:s29+$0xFFFFFFC0];
	v32 =	vor.u32 $0x6, v32;
	v18 =	vor.u32 $0x7, v18;
	v25 =	vadd.s32 v13, v19  }
0x229: {  	v26 =	vadd.s32 v21, v19;
	v24 =	vor.u32 $0x7, v24;
	v6 =	vmul.f32 $8.000000000e+00, v6  }
0x22a: {  	v16 =	vld [tilespmem:s29+$0x80];
	v28 =	vadd.s32 v21, v27;
	v11 =	vadd.s32 v22, v27;
	v31 =	vadd.s32 v13, v27  }
0x22b: {  	v29 =	vld [tilespmem:s29+$0xFFFFFF80];
	v35 =	vadd.s32 v13, v20;
	[tilespmem:v8+s25+$0x0] =	vst.idx.msk $0xffff, v6;
	v6 =	vshrl.u32 v15, $0x3;
	v15 =	vor.u32 $0x4, v25  }
0x22c: {  	v40 =	vadd.s32 v22, v19;
	v42 =	vadd.s32 v10, v20;
	v31 =	vor.u32 $0x2, v31;
	v8 =	vld [tilespmem:s29+$0xFFFFFF50]  }
0x22d: {  	v39 =	vor.u32 $0x4, v26;
	v26 =	vmul.f32 $8.000000000e+00, v34;
	[tilespmem:v18+s25+$0x0] =	vst.idx.msk $0xffff, v5;
	v5 =	vor.u32 $0x5, v35  }
0x22e: {  	v62 =	vor.u32 $0x2, v28;
	v25 =	vadd.s32 v21, v12;
	v6 =	vshll.u32 v6, v1;
	v37 =	vld [tilespmem:s29+$0xD0]  }
0x22f: {  	v36 =	vmul.f32 $8.000000000e+00, v16;
	v25 =	vor.u32 $0x1, v25;
	v18 =	vbroadcast v6, $0x0  }
0x230: {  	v38 =	vld [tilespmem:s29+$0xFFFFFF00];
	v12 =	vadd.s32 v22, v12;
	[tilespmem:v15+s25+$0x0] =	vst.idx.msk $0xffff, v17;
	v15 =	vadd.s32 v21, v20;
	v17 =	vmul.f32 $8.000000000e+00, v29  }
0x231: {  	[tilespmem:v32+s25+$0x0] =	vst.idx.msk $0xffff, v36;
	v29 =	vadd.s32 v13, v18;
	v13 =	vadd.s32 v7, v13;
	v33 =	vmul.f32 $8.000000000e+00, v8  }
0x232: {  	v36 =	vld [tilespmem:s29+$0x90];
	v8 =	vor.u32 $0x2, v11;
	v11 =	vadd.s32 v22, v20;
	v29 =	vor.u32 $0x3, v29;
	[tilespmem:v5+s25+$0x0] =	vst.idx.msk $0xffff, v23  }
0x233: {  	v20 =	vadd.s32 v7, v21;
	[tilespmem:v31+s25+$0x0] =	vst.idx.msk $0xffff, v17;
	v31 =	vadd.s32 v21, v18;
	v21 =	vmul.f32 $8.000000000e+00, v37;
	v23 =	vld [tilespmem:s29+$0x50]  }
0x234: {  	v32 =	vor.u32 $0x6, v61;
	v6 =	vadd.s32 v7, v22;
	v16 =	vadd.s32 v22, v18;
	v41 =	vld [tilespmem:s29+$0xFFFFFF90];
	[tilespmem:v25+s25+$0x0] =	vst.idx.msk $0xffff, v33  }
0x235: {  	v60 =	vld [tilespmem:s29+$0x10];
	v5 =	vadd.s32 v7, v10;
	v7 =	vmul.f32 $8.000000000e+00, v38;
	[tilespmem:v24+s25+$0x0] =	vst.idx.msk $0xffff, v21;
	v21 =	vor.u32 $0x5, v15  }
0x236: {  	v17 =	vadd.s32 v10, v18;
	v18 =	vadd.s32 v22, v9;
	v9 =	vadd.s32 v10, v9;
	v22 =	vld [tilespmem:s29+$0xFFFFFF60]  }
0x237: {  	v27 =	vadd.s32 v10, v27;
	v9 =	vor.u32 $0x7, v9;
	v15 =	vmul.f32 $8.000000000e+00, v36;
	v63 =	vld [tilespmem:s29+$0xE0];
	[tilespmem:v13+s25+$0x0] =	vst.idx.msk $0xffff, v7  }
0x238: {  	v24 =	vadd.s32 v10, v19;
	v19 =	vor.u32 $0x7, v18;
	[tilespmem:v29+s25+$0x0] =	vst.idx.msk $0xffff, v26;
	v28 =	vld [tilespmem:s29+$0xFFFFFF10];
	v23 =	vmul.f32 $8.000000000e+00, v23  }
0x239: {  	v18 =	vor.u32 $0x1, v12;
	v12 =	vor.u32 $0x5, v42;
	[tilespmem:v32+s25+$0x0] =	vst.idx.msk $0xffff, v15;
	v25 =	vld [tilespmem:s29+$0xFFFFFFD0];
	v26 =	vmul.f32 $8.000000000e+00, v41  }
0x23a: {  	v10 =	vadd.s32 v10, v30;
	v34 =	vmul.f32 $8.000000000e+00, v60;
	v15 =	vor.u32 $0x2, v27;
	v27 =	vld [tilespmem:s29+$0xA0];
	[tilespmem:v21+s25+$0x0] =	vst.idx.msk $0xffff, v23  }
0x23b: {  	v7 =	vor.u32 $0x1, v14;
	v14 =	vor.u32 $0x4, v40;
	v29 =	vor.u32 $0x3, v31;
	[tilespmem:v62+s25+$0x0] =	vst.idx.msk $0xffff, v26;
	v23 =	vld [tilespmem:s29+$0x60]  }
0x23c: {  	s31 =	simm.s32 $0x600;
	v13 =	vor.u32 $0x4, v24;
	v24 =	vor.u32 $0x6, v59;
	[tilespmem:v39+s25+$0x0] =	vst.idx.msk $0xffff, v34;
	v21 =	vmul.f32 $8.000000000e+00, v63;
	v26 =	vld [tilespmem:s29+$0xFFFFFFA0]  }
.LBB2_10:
0x23d: {  	s0 =	sadd.s32 $0x9, s30  }
0x23e: {  	s6 =	sadd.s32 $0xA, s30;
	v22 =	vmul.f32 $8.000000000e+00, v22;
	v25 =	vmul.f32 $8.000000000e+00, v25;
	v30 =	vld [tilespmem:s29+$0x20];
	v31 =	vor.u32 $0x6, v10;
	s1 =	smov.u32 s30;
	s30 =	sadd.s32 $0x8, s30  }
0x23f: {  	v16 =	vor.u32 $0x3, v16;
	v11 =	vor.u32 $0x5, v11;
	s8 =	sshrl.u32 s30, $0x7;
	s19 =	sand.u32 $0x78, s30;
	s0 =	sand.u32 $0x78, s0;
	v32 =	vld [tilespmem:s31+$0xC0];
	v10 =	vmul.f32 $8.000000000e+00, v28  }
0x240: {  	s23 =	sadd.s32 $0xF, s1;
	v28 =	vmov s8;
	v33 =	vmov s0;
	v34 =	vld [tilespmem:s31+$0xFFFFFF40];
	s0 =	sadd.s32 $0xB, s1;
	s8 =	sadd.s32 $0xE, s1;
	[tilespmem:v29+s25+$0x0] =	vst.idx.msk $0xffff, v25;
	v25 =	vmul.f32 $8.000000000e+00, v27  }
0x241: {  	v27 =	vmov s19;
	s19 =	sadd.s32 $0xD, s1;
	s23 =	sand.u32 $0x78, s23;
	v28 =	vmul.u32 $0x2200, v28;
	v29 =	vld [tilespmem:s31+$0x0];
	s8 =	sand.u32 $0x78, s8;
	[tilespmem:v20+s25+$0x0] =	vst.idx.msk $0xffff, v10;
	v10 =	vmul.f32 $8.000000000e+00, v26  }
0x242: {  	v35 =	vor.u32 $0x3, v17;
	s6 =	sand.u32 $0x78, s6;
	s0 =	sand.u32 $0x78, s0;
	s19 =	sand.u32 $0x78, s19;
	v20 =	vmov s23;
	v26 =	vld [tilespmem:s29+$0xFFFFFFE0];
	v17 =	vmul.f32 $8.000000000e+00, v23;
	[tilespmem:v24+s25+$0x0] =	vst.idx.msk $0xffff, v25  }
0x243: {  	p0 =	slt.u32 s30, $0xF8;
	v24 =	vshrl.u32 v33, $0x3;
	v23 =	vbroadcast v28, $0x0;
	v25 =	vld [tilespmem:s29+$0xFFFFFF20];
	[tilespmem:v8+s25+$0x0] =	vst.idx.msk $0xffff, v10;
	v8 =	vmul.f32 $8.000000000e+00, v30  }
0x244: {  	v20 =	vshrl.u32 v20, $0x3;
	v24 =	vshll.u32 v24, v1;
	v28 =	vmov s8;
	v30 =	vld [tilespmem:s29+$0xFFFFFFB0];
	[tilespmem:v11+s25+$0x0] =	vst.idx.msk $0xffff, v17  }
0x245: {  	v17 =	vbroadcast v24, $0x0;
	v11 =	vshll.u32 v20, v1;
	v10 =	vadd.s32 v4, v23;
	[tilespmem:v14+s25+$0x0] =	vst.idx.msk $0xffff, v8;
	v8 =	vld [tilespmem:s29+$0x70]  }
0x246: {  	v24 =	vshrl.u32 v28, $0x3;
	v20 =	vadd.s32 v0, v23;
	v14 =	vbroadcast v11, $0x0;
	[tilespmem:v18+s25+$0x0] =	vst.idx.msk $0xffff, v22;
	v11 =	vld [tilespmem:s29+$0x30]  }
0x247: {  	v18 =	vadd.s32 v20, v17;
	v22 =	vmov s6;
	v28 =	vmul.f32 $8.000000000e+00, v29;
	v29 =	vld [tilespmem:s29+$0xB0]  }
0x248: {  	s1 =	sadd.s32 $0xC, s1;
	v33 =	vor.u32 $0x1, v18;
	v18 =	vadd.s32 v10, v17;
	v36 =	vadd.s32 v20, v14;
	v37 =	vld [tilespmem:s29+$0xFFFFFF70]  }
0x249: {  	s1 =	sand.u32 $0x78, s1;
	v38 =	vmov s19;
	v26 =	vmul.f32 $8.000000000e+00, v26;
	v36 =	vor.u32 $0x7, v36  }
0x24a: {  	v39 =	vmov s1;
	v34 =	vmul.f32 $8.000000000e+00, v34;
	v30 =	vmul.f32 $8.000000000e+00, v30;
	[tilespmem:v19+s25+$0x0] =	vst.idx.msk $0xffff, v21  }
0x24b: {  	v38 =	vshrl.u32 v38, $0x3;
	v25 =	vmul.f32 $8.000000000e+00, v25;
	v21 =	vadd.s32 v2, v23;
	[tilespmem:v16+s25+$0x0] =	vst.idx.msk $0xffff, v26;
	v16 =	vld [tilespmem:s29+$0xF0]  }
0x24c: {  	v19 =	vadd.s32 v3, v23;
	v23 =	vshrl.u32 v39, $0x3;
	v26 =	vmul.f32 $8.000000000e+00, v32;
	[tilespmem:v15+s25+$0x0] =	vst.idx.msk $0xffff, v30;
	v15 =	vld [tilespmem:s29+$0xFFFFFFF0]  }
0x24d: {  	v23 =	vshll.u32 v23, v1;
	v30 =	vmov s0;
	[tilespmem:v6+s25+$0x0] =	vst.idx.msk $0xffff, v25;
	v6 =	vmul.f32 $8.000000000e+00, v11  }
0x24e: {  	v8 =	vmul.f32 $8.000000000e+00, v8;
	v23 =	vbroadcast v23, $0x0;
	v25 =	vadd.s32 v21, v14;
	v11 =	vld [tilespmem:s31+$0x40]  }
0x24f: {  	v22 =	vshrl.u32 v22, $0x3;
	v32 =	vshll.u32 v38, v1;
	v38 =	vld [tilespmem:s29+$0xFFFFFF30];
	[tilespmem:v13+s25+$0x0] =	vst.idx.msk $0xffff, v6;
	v6 =	vmul.f32 $8.000000000e+00, v29;
	s29 =	smov.u32 s31  }
0x250: {  	v13 =	vadd.s32 v20, v23;
	v29 =	vadd.s32 v21, v23;
	[tilespmem:v33+s25+$0x0] =	vst.idx.msk $0xffff, v34;
	v33 =	vmul.f32 $8.000000000e+00, v37  }
0x251: {  	v30 =	vshrl.u32 v30, $0x3;
	v13 =	vor.u32 $0x4, v13;
	v15 =	vmul.f32 $8.000000000e+00, v15;
	[tilespmem:v31+s25+$0x0] =	vst.idx.msk $0xffff, v6  }
0x252: {  	v22 =	vshll.u32 v22, v1;
	v6 =	vshrl.u32 v27, $0x3;
	v27 =	vld [tilespmem:s31+$0xFFFFFF50];
	[tilespmem:v12+s25+$0x0] =	vst.idx.msk $0xffff, v8;
	v8 =	vmul.f32 $8.000000000e+00, v16  }
0x253: {  	v6 =	vshll.u32 v6, v1;
	v12 =	vadd.s32 v21, v17;
	v31 =	vmul.f32 $8.000000000e+00, v11;
	[tilespmem:v35+s25+$0x0] =	vst.idx.msk $0xffff, v15  }
0x254: {  	v15 =	vbroadcast v22, $0x0;
	v11 =	vshll.u32 v24, v1;
	v16 =	vmul.f32 $8.000000000e+00, v38;
	[tilespmem:v9+s25+$0x0] =	vst.idx.msk $0xffff, v8  }
0x255: {  	v22 =	vor.u32 $0x7, v25;
	v9 =	vshll.u32 v30, v1;
	v30 =	vbroadcast v11, $0x0;
	[tilespmem:v7+s25+$0x0] =	vst.idx.msk $0xffff, v33  }
0x256: {  	v24 =	vbroadcast v32, $0x0;
	v7 =	vadd.s32 v21, v15;
	v8 =	vadd.s32 v19, v15;
	v25 =	vld [tilespmem:s31+$0x80];
	[tilespmem:v5+s25+$0x0] =	vst.idx.msk $0xffff, v16  }
0x257: {  	v11 =	vadd.s32 v20, v15;
	v16 =	vadd.s32 v20, v30;
	v27 =	vmul.f32 $8.000000000e+00, v27;
	v5 =	vld [tilespmem:s31+$0xFFFFFF80]  }
0x258: {  	v32 =	vor.u32 $0x2, v11;
	v8 =	vor.u32 $0x2, v8;
	v34 =	vor.u32 $0x6, v16;
	v33 =	vld [tilespmem:s31+$0xFFFFFFC0]  }
0x259: {  	v35 =	vbroadcast v6, $0x0;
	v6 =	vadd.s32 v20, v24;
	v11 =	vadd.s32 v19, v24;
	[tilespmem:v36+s25+$0x0] =	vst.idx.msk $0xffff, v26  }
0x25a: {  	v9 =	vbroadcast v9, $0x0;
	v36 =	vadd.s32 v19, v30;
	[tilespmem:v13+s25+$0x0] =	vst.idx.msk $0xffff, v28;
	v13 =	vor.u32 $0x5, v6  }
0x25b: {  	v26 =	vadd.s32 v21, v24;
	v6 =	vadd.s32 v35, v19;
	v25 =	vmul.f32 $8.000000000e+00, v25;
	v28 =	vld [tilespmem:s31+$0xD0]  }
0x25c: {  	v38 =	vor.u32 $0x4, v29;
	v16 =	vadd.s32 v19, v9;
	v37 =	vld [tilespmem:s31+$0xFFFFFF00];
	v5 =	vmul.f32 $8.000000000e+00, v5  }
0x25d: {  	v29 =	vmul.f32 $8.000000000e+00, v33;
	v33 =	vadd.s32 v20, v9;
	v39 =	vld [tilespmem:s31+$0x10];
	[tilespmem:v34+s25+$0x0] =	vst.idx.msk $0xffff, v25;
	v25 =	vadd.s32 v21, v30  }
0x25e: {  	v34 =	vadd.s32 v19, v23;
	[tilespmem:v32+s25+$0x0] =	vst.idx.msk $0xffff, v5;
	v32 =	vor.u32 $0x3, v33;
	v33 =	vadd.s32 v21, v9;
	v40 =	vld [tilespmem:s31+$0x90]  }
0x25f: {  	v12 =	vor.u32 $0x1, v12;
	v41 =	vadd.s32 v35, v20;
	v24 =	vadd.s32 v10, v24;
	v42 =	vld [tilespmem:s31+$0xFFFFFF90];
	[tilespmem:v13+s25+$0x0] =	vst.idx.msk $0xffff, v31  }
0x260: {  	v20 =	vadd.s32 v35, v21;
	v21 =	vor.u32 $0x6, v25;
	v13 =	vld [tilespmem:s31+$0x50];
	v25 =	vmul.f32 $8.000000000e+00, v28  }
0x261: {  	v5 =	vadd.s32 v35, v10;
	v35 =	vor.u32 $0x2, v7;
	v31 =	vadd.s32 v19, v17  }
0x262: {  	v43 =	vor.u32 $0x5, v26;
	v17 =	vadd.s32 v10, v9;
	v39 =	vmul.f32 $8.000000000e+00, v39;
	[tilespmem:v22+s25+$0x0] =	vst.idx.msk $0xffff, v25  }
0x263: {  	v23 =	vadd.s32 v10, v23;
	v7 =	vmul.f32 $8.000000000e+00, v37;
	[tilespmem:v32+s25+$0x0] =	vst.idx.msk $0xffff, v29;
	v9 =	vmul.f32 $8.000000000e+00, v40;
	v32 =	vld [tilespmem:s31+$0xE0]  }
0x264: {  	v15 =	vadd.s32 v10, v15;
	v19 =	vadd.s32 v19, v14;
	[tilespmem:v12+s25+$0x0] =	vst.idx.msk $0xffff, v27;
	v12 =	vmul.f32 $8.000000000e+00, v42;
	v25 =	vld [tilespmem:s31+$0xFFFFFFD0]  }
.Ltmp26:
0x265: {  	[tilespmem:v41+s25+$0x0] =	vst.idx.msk $0xffff, v7;
	v22 =	vld [tilespmem:s31+$0xFFFFFF60];
	v7 =	vor.u32 $0x1, v18;
	v37 =	vmul.f32 $8.000000000e+00, v13;
	v13 =	vadd.s32 v10, v14;
	(pc) =	sbr.rel @p0 .LBB2_10-.Ltmp26, $4  }
0x266: {  	v19 =	vor.u32 $0x7, v19;
	v28 =	vld [tilespmem:s31+$0xFFFFFF10];
	[tilespmem:v21+s25+$0x0] =	vst.idx.msk $0xffff, v9;
	v9 =	vor.u32 $0x7, v13  }
0x267: {  	v15 =	vor.u32 $0x2, v15;
	v29 =	vor.u32 $0x3, v33;
	v18 =	vor.u32 $0x1, v31;
	[tilespmem:v35+s25+$0x0] =	vst.idx.msk $0xffff, v12;
	v27 =	vld [tilespmem:s31+$0xA0]  }
0x268: {  	v14 =	vor.u32 $0x4, v34;
	v13 =	vor.u32 $0x4, v23;
	v26 =	vld [tilespmem:s31+$0xFFFFFFA0];
	[tilespmem:v43+s25+$0x0] =	vst.idx.msk $0xffff, v37;
	v21 =	vmul.f32 $8.000000000e+00, v32  }
0x269: {  	v10 =	vadd.s32 v10, v30;
	v12 =	vor.u32 $0x5, v24;
	v24 =	vor.u32 $0x6, v36;
	s31 =	sadd.s32 $0x200, s31;
	[tilespmem:v38+s25+$0x0] =	vst.idx.msk $0xffff, v39;
	v23 =	vld [tilespmem:s29+$0x60]  }
0x26a: {  	_ =	sdelay $0x1  }
0x26b: {  	v25 =	vmul.f32 $8.000000000e+00, v25  }
0x26c: {  	v30 =	vld [tilespmem:s29+$0x20]  }
0x26d: {  	v44 =	vmul.f32 $8.000000000e+00, v28;
	[tilespmem:v29+s25+$0x0] =	vst.idx.msk $0xffff, v25  }
0x26e: {  	v45 =	vld [tilespmem:s29+$0xFFFFFFE0]  }
0x26f: {  	v53 =	vmul.f32 $8.000000000e+00, v22;
	[tilespmem:v20+s25+$0x0] =	vst.idx.msk $0xffff, v44  }
0x270: {  	v16 =	vor.u32 $0x3, v16;
	[tilespmem:v19+s25+$0x0] =	vst.idx.msk $0xffff, v21;
	v47 =	vmul.f32 $8.000000000e+00, v27;
	v48 =	vld [tilespmem:s29+$0xFFFFFF20]  }
0x271: {  	v11 =	vor.u32 $0x5, v11;
	v58 =	vld [tilespmem:s29+$0xF0];
	[tilespmem:v18+s25+$0x0] =	vst.idx.msk $0xffff, v53;
	v46 =	vmul.f32 $8.000000000e+00, v30  }
0x272: {  	v26 =	vmul.f32 $8.000000000e+00, v26;
	v59 =	vld [tilespmem:s29+$0xFFFFFF70];
	[tilespmem:v24+s25+$0x0] =	vst.idx.msk $0xffff, v47  }
0x273: {  	v52 =	vld [tilespmem:s29+$0xB0];
	[tilespmem:v14+s25+$0x0] =	vst.idx.msk $0xffff, v46;
	v51 =	vmul.f32 $8.000000000e+00, v45  }
0x274: {  	v49 =	vmul.f32 $8.000000000e+00, v23;
	[tilespmem:v8+s25+$0x0] =	vst.idx.msk $0xffff, v26;
	v14 =	vld [tilespmem:s29+$0x30]  }
0x275: {  	v10 =	vor.u32 $0x6, v10;
	v50 =	vld [tilespmem:s29+$0xFFFFFFB0];
	v55 =	vmul.f32 $8.000000000e+00, v48;
	[tilespmem:v16+s25+$0x0] =	vst.idx.msk $0xffff, v51  }
0x276: {  	[tilespmem:v11+s25+$0x0] =	vst.idx.msk $0xffff, v49;
	v62 =	vmul.f32 $8.000000000e+00, v58;
	v56 =	vld [tilespmem:s29+$0xFFFFFFF0]  }
0x277: {  	v54 =	vld [tilespmem:s29+$0x70];
	v63 =	vmul.f32 $8.000000000e+00, v59;
	[tilespmem:v6+s25+$0x0] =	vst.idx.msk $0xffff, v55  }
0x278: {  	v17 =	vor.u32 $0x3, v17;
	[tilespmem:v9+s25+$0x0] =	vst.idx.msk $0xffff, v62;
	v8 =	vmul.f32 $8.000000000e+00, v52;
	v60 =	vld [tilespmem:s29+$0xFFFFFF30]  }
0x279: {  	[tilespmem:v7+s25+$0x0] =	vst.idx.msk $0xffff, v63;
	v6 =	vmul.f32 $8.000000000e+00, v14  }
0x27a: {  	s0 =	sshll.u32 s28, $0x10;
	s1 =	sshll.u32 s28, $0x13;
	v57 =	vmul.f32 $8.000000000e+00, v50;
	[tilespmem:v10+s25+$0x0] =	vst.idx.msk $0xffff, v8  }
0x27b: {  	s0 =	sand.u32 $0x10000, s0;
	s1 =	sand.u32 $0x3F00000, s1;
	[tilespmem:v13+s25+$0x0] =	vst.idx.msk $0xffff, v6;
	v6 =	vmul.f32 $8.000000000e+00, v56  }
0x27c: {  	s0 =	sor.u32 s1, s0;
	v61 =	vmul.f32 $8.000000000e+00, v54;
	[tilespmem:v15+s25+$0x0] =	vst.idx.msk $0xffff, v57  }
0x27d: {  	s0 =	sor.u32 s7, s0;
	[tilespmem:v17+s25+$0x0] =	vst.idx.msk $0xffff, v6;
	v6 =	vmul.f32 $8.000000000e+00, v60  }
0x27e: {  	s29 =	sshrl.u32 s0, $0x3;
	[tilespmem:v12+s25+$0x0] =	vst.idx.msk $0xffff, v61  }
0x27f: {  	s23 =	simm.s32 $0xC300;
	s8 =	sadd.s32 s2, s29;
	[tilespmem:v5+s25+$0x0] =	vst.idx.msk $0xffff, v6  }
0x280: {  	[hbm4b:s8+s3] =	stream.linear.scatter [tilespmem:s23], [sflag:$0x7], $0x80, $0x38;
	[tilespmem:$0x18F00] =	vst v63  }
0x281: {  	s1 =	simm.s32 $0xC388;
	s6 =	sadd.s32 $0x10, s8  }
0x282: {  	[hbm4b:s6+s3] =	stream.linear.scatter [tilespmem:s1], [sflag:$0x7], $0x80, $0x38;
	[tilespmem:$0x18F00] =	vst v63  }
0x283: {  	s19 =	simm.s32 $0xC410;
	s30 =	simm.s32 $0x440;
	s23 =	sadd.s32 $0x20, s8  }
0x284: {  	[hbm4b:s23+s3] =	stream.linear.scatter [tilespmem:s19], [sflag:$0x7], $0x80, $0x38;
	[tilespmem:$0x18F00] =	vst v63  }
0x285: {  	s0 =	simm.s32 $0x2200;
	s1 =	simm.s32 $0xC498;
	s6 =	sadd.s32 $0x30, s8  }
0x286: {  	[hbm4b:s6+s3] =	stream.linear.scatter [tilespmem:s1], [sflag:$0x7], $0x80, $0x38;
	[tilespmem:$0x18F00] =	vst v63  }
0x287: {  	s31 =	sadd.s32 $0x4000, s8;
	s19 =	simm.s32 $0xC520;
	s23 =	sadd.s32 $0x40, s8  }
0x288: {  	[hbm4b:s23+s3] =	stream.linear.scatter [tilespmem:s19], [sflag:$0x7], $0x80, $0x38;
	[tilespmem:$0x18F00] =	vst v63  }
0x289: {  	s1 =	simm.s32 $0xC5A8;
	s6 =	sadd.s32 $0x50, s8;
	s19 =	simm.s32 $0xC630  }
0x28a: {  	[hbm4b:s6+s3] =	stream.linear.scatter [tilespmem:s1], [sflag:$0x7], $0x80, $0x38;
	[tilespmem:$0x18F00] =	vst v63  }
0x28b: {  	s23 =	sadd.s32 $0x60, s8;
	s1 =	simm.s32 $0xC6B8;
	s6 =	sadd.s32 $0x70, s8  }
0x28c: {  	[hbm4b:s23+s3] =	stream.linear.scatter [tilespmem:s19], [sflag:$0x7], $0x80, $0x38;
	[tilespmem:$0x18F00] =	vst v63  }
.LBB2_12:
0x28d: {  	[hbm4b:s6+s3] =	stream.linear.scatter [tilespmem:s1], [sflag:$0x7], $0x80, $0x38;
	[tilespmem:$0x18F00] =	vst v63  }
0x28e: {  	s1 =	smov.u32 s30;
	s6 =	smov.u32 s0  }
0x28f: {  	s8 =	sadd.s32 $0x1100, s0;
	s30 =	sshra.s32 s6, $0x2;
	s6 =	sadd.s32 $0xC300, s1  }
0x290: {  	[hbm4b:s31+s3] =	stream.linear.scatter [tilespmem:s6], [sflag:$0x7], $0x80, $0x38;
	[tilespmem:$0x18F00] =	vst v63  }
0x291: {  	p0 =	sne.s32 s0, $0x7700;
	s0 =	sadd.s32 $0xC388, s1;
	s6 =	sadd.s32 $0x10, s31  }
0x292: {  	[hbm4b:s6+s3] =	stream.linear.scatter [tilespmem:s0], [sflag:$0x7], $0x80, $0x38;
	[tilespmem:$0x18F00] =	vst v63  }
0x293: {  	s0 =	sadd.s32 $0xC410, s1;
	s6 =	sadd.s32 $0x20, s31  }
0x294: {  	[hbm4b:s6+s3] =	stream.linear.scatter [tilespmem:s0], [sflag:$0x7], $0x80, $0x38;
	[tilespmem:$0x18F00] =	vst v63  }
0x295: {  	s0 =	sadd.s32 $0xC498, s1;
	s6 =	sadd.s32 $0x30, s31  }
0x296: {  	[hbm4b:s6+s3] =	stream.linear.scatter [tilespmem:s0], [sflag:$0x7], $0x80, $0x38;
	[tilespmem:$0x18F00] =	vst v63  }
0x297: {  	s0 =	sadd.s32 $0xC520, s1;
	s6 =	sadd.s32 $0x40, s31  }
0x298: {  	[hbm4b:s6+s3] =	stream.linear.scatter [tilespmem:s0], [sflag:$0x7], $0x80, $0x38;
	[tilespmem:$0x18F00] =	vst v63  }
.Ltmp27:
0x299: {  	s0 =	sadd.s32 $0xC5A8, s1;
	s6 =	sadd.s32 $0x50, s31;
	(pc) =	sbr.rel @p0 .LBB2_12-.Ltmp27, $4  }
0x29a: {  	[hbm4b:s6+s3] =	stream.linear.scatter [tilespmem:s0], [sflag:$0x7], $0x80, $0x38;
	[tilespmem:$0x18F00] =	vst v63  }
0x29b: {  	s0 =	sadd.s32 $0xC630, s1;
	s6 =	sadd.s32 $0x60, s31;
	s1 =	sadd.s32 $0xC6B8, s1  }
0x29c: {  	[hbm4b:s6+s3] =	stream.linear.scatter [tilespmem:s0], [sflag:$0x7], $0x80, $0x38;
	[tilespmem:$0x18F00] =	vst v63  }
0x29d: {  	s6 =	sadd.s32 $0x70, s31;
	s31 =	sadd.s32 $0x4000, s31;
	s0 =	smov.u32 s8  }
0x29e: {  	[hbm4b:s6+s3] =	stream.linear.scatter [tilespmem:s1], [sflag:$0x7], $0x80, $0x38;
	[tilespmem:$0x18F00] =	vst v63  }
0x29f: {  	s0 =	sadd.s32 $0xC300, s30  }
0x2a0: {  	[hbm4b:s31+s3] =	stream.linear.scatter [tilespmem:s0], [sflag:$0x7], $0x80, $0x38;
	[tilespmem:$0x18F00] =	vst v63  }
0x2a1: {  	s19 =	sadd.s32 $0xC388, s30;
	s23 =	sadd.s32 $0x10, s31  }
0x2a2: {  	[hbm4b:s23+s3] =	stream.linear.scatter [tilespmem:s19], [sflag:$0x7], $0x80, $0x38;
	[tilespmem:$0x18F00] =	vst v63  }
0x2a3: {  	s6 =	sadd.s32 $0xC410, s30;
	s8 =	sadd.s32 $0x20, s31  }
0x2a4: {  	[hbm4b:s8+s3] =	stream.linear.scatter [tilespmem:s6], [sflag:$0x7], $0x80, $0x38;
	[tilespmem:$0x18F00] =	vst v63  }
0x2a5: {  	s19 =	sadd.s32 $0xC498, s30;
	s23 =	sadd.s32 $0x30, s31  }
0x2a6: {  	[hbm4b:s23+s3] =	stream.linear.scatter [tilespmem:s19], [sflag:$0x7], $0x80, $0x38;
	[tilespmem:$0x18F00] =	vst v63  }
0x2a7: {  	s6 =	sadd.s32 $0xC520, s30;
	s8 =	sadd.s32 $0x40, s31  }
0x2a8: {  	[hbm4b:s8+s3] =	stream.linear.scatter [tilespmem:s6], [sflag:$0x7], $0x80, $0x38;
	[tilespmem:$0x18F00] =	vst v63  }
0x2a9: {  	s19 =	sadd.s32 $0xC5A8, s30;
	s23 =	sadd.s32 $0x50, s31  }
0x2aa: {  	[hbm4b:s23+s3] =	stream.linear.scatter [tilespmem:s19], [sflag:$0x7], $0x80, $0x38;
	[tilespmem:$0x18F00] =	vst v63  }
0x2ab: {  	s6 =	sadd.s32 $0xC630, s30;
	s8 =	sadd.s32 $0x60, s31  }
0x2ac: {  	[hbm4b:s8+s3] =	stream.linear.scatter [tilespmem:s6], [sflag:$0x7], $0x80, $0x38;
	[tilespmem:$0x18F00] =	vst v63  }
0x2ad: {  	s19 =	sadd.s32 $0xC6B8, s30;
	s23 =	sadd.s32 $0x70, s31;
	s31 =	sadd.s32 s29, s2  }
0x2ae: {  	[hbm4b:s23+s3] =	stream.linear.scatter [tilespmem:s19], [sflag:$0x7], $0x80, $0x38;
	[tilespmem:$0x18F00] =	vst v63  }
0x2af: {  	s1 =	simm.s32 $0xE500;
	s8 =	sadd.s32 $0x80, s31  }
0x2b0: {  	[hbm4b:s8+s3] =	stream.linear.scatter [tilespmem:s1], [sflag:$0x7], $0x80, $0x38;
	[tilespmem:$0x18F00] =	vst v63  }
0x2b1: {  	s6 =	simm.s32 $0xE588;
	s19 =	sadd.s32 $0x10, s8  }
0x2b2: {  	[hbm4b:s19+s3] =	stream.linear.scatter [tilespmem:s6], [sflag:$0x7], $0x80, $0x38;
	[tilespmem:$0x18F00] =	vst v63  }
0x2b3: {  	s0 =	simm.s32 $0x2200;
	s31 =	sadd.s32 $0x20, s8;
	s23 =	simm.s32 $0xE610  }
0x2b4: {  	[hbm4b:s31+s3] =	stream.linear.scatter [tilespmem:s23], [sflag:$0x7], $0x80, $0x38;
	[tilespmem:$0x18F00] =	vst v63  }
0x2b5: {  	s29 =	simm.s32 $0x440;
	s6 =	simm.s32 $0xE698;
	s19 =	sadd.s32 $0x30, s8  }
0x2b6: {  	[hbm4b:s19+s3] =	stream.linear.scatter [tilespmem:s6], [sflag:$0x7], $0x80, $0x38;
	[tilespmem:$0x18F00] =	vst v63  }
0x2b7: {  	s30 =	sadd.s32 $0x4000, s8;
	s23 =	simm.s32 $0xE720;
	s31 =	sadd.s32 $0x40, s8  }
0x2b8: {  	[hbm4b:s31+s3] =	stream.linear.scatter [tilespmem:s23], [sflag:$0x7], $0x80, $0x38;
	[tilespmem:$0x18F00] =	vst v63  }
0x2b9: {  	s1 =	simm.s32 $0xE8B8;
	s6 =	simm.s32 $0xE7A8;
	s19 =	sadd.s32 $0x50, s8  }
0x2ba: {  	[hbm4b:s19+s3] =	stream.linear.scatter [tilespmem:s6], [sflag:$0x7], $0x80, $0x38;
	[tilespmem:$0x18F00] =	vst v63  }
0x2bb: {  	s23 =	simm.s32 $0xE830;
	s31 =	sadd.s32 $0x60, s8;
	s6 =	sadd.s32 $0x70, s8  }
0x2bc: {  	[hbm4b:s31+s3] =	stream.linear.scatter [tilespmem:s23], [sflag:$0x7], $0x80, $0x38;
	[tilespmem:$0x18F00] =	vst v63  }
.LBB2_14:
0x2bd: {  	[hbm4b:s6+s3] =	stream.linear.scatter [tilespmem:s1], [sflag:$0x7], $0x80, $0x38;
	[tilespmem:$0x18F00] =	vst v63  }
0x2be: {  	s1 =	smov.u32 s29;
	s6 =	smov.u32 s0  }
0x2bf: {  	s8 =	sadd.s32 $0x1100, s0;
	s29 =	sshra.s32 s6, $0x2;
	s6 =	sadd.s32 $0xE500, s1  }
0x2c0: {  	[hbm4b:s30+s3] =	stream.linear.scatter [tilespmem:s6], [sflag:$0x7], $0x80, $0x38;
	[tilespmem:$0x18F00] =	vst v63  }
0x2c1: {  	p0 =	seq.s32 s0, $0x7700;
	s0 =	sadd.s32 $0xE588, s1;
	s6 =	sadd.s32 $0x10, s30  }
0x2c2: {  	[hbm4b:s6+s3] =	stream.linear.scatter [tilespmem:s0], [sflag:$0x7], $0x80, $0x38;
	[tilespmem:$0x18F00] =	vst v63  }
0x2c3: {  	s0 =	sadd.s32 $0xE610, s1;
	s6 =	sadd.s32 $0x20, s30  }
0x2c4: {  	[hbm4b:s6+s3] =	stream.linear.scatter [tilespmem:s0], [sflag:$0x7], $0x80, $0x38;
	[tilespmem:$0x18F00] =	vst v63  }
0x2c5: {  	s0 =	sadd.s32 $0xE698, s1;
	s6 =	sadd.s32 $0x30, s30  }
0x2c6: {  	[hbm4b:s6+s3] =	stream.linear.scatter [tilespmem:s0], [sflag:$0x7], $0x80, $0x38;
	[tilespmem:$0x18F00] =	vst v63  }
0x2c7: {  	s0 =	sadd.s32 $0xE720, s1;
	s6 =	sadd.s32 $0x40, s30  }
0x2c8: {  	[hbm4b:s6+s3] =	stream.linear.scatter [tilespmem:s0], [sflag:$0x7], $0x80, $0x38;
	[tilespmem:$0x18F00] =	vst v63  }
.Ltmp28:
0x2c9: {  	s0 =	sadd.s32 $0xE7A8, s1;
	s6 =	sadd.s32 $0x50, s30;
	(pc) =	sbr.rel @!p0 .LBB2_14-.Ltmp28, $4  }
0x2ca: {  	[hbm4b:s6+s3] =	stream.linear.scatter [tilespmem:s0], [sflag:$0x7], $0x80, $0x38;
	[tilespmem:$0x18F00] =	vst v63  }
0x2cb: {  	s0 =	sadd.s32 $0xE830, s1;
	s6 =	sadd.s32 $0x60, s30;
	s1 =	sadd.s32 $0xE8B8, s1  }
0x2cc: {  	[hbm4b:s6+s3] =	stream.linear.scatter [tilespmem:s0], [sflag:$0x7], $0x80, $0x38;
	[tilespmem:$0x18F00] =	vst v63  }
0x2cd: {  	s6 =	sadd.s32 $0x70, s30;
	s30 =	sadd.s32 $0x4000, s30;
	s0 =	smov.u32 s8  }
0x2ce: {  	[hbm4b:s6+s3] =	stream.linear.scatter [tilespmem:s1], [sflag:$0x7], $0x80, $0x38;
	[tilespmem:$0x18F00] =	vst v63  }
0x2cf: {  	s0 =	sadd.s32 $0xE500, s29  }
0x2d0: {  	[hbm4b:s30+s3] =	stream.linear.scatter [tilespmem:s0], [sflag:$0x7], $0x80, $0x38;
	[tilespmem:$0x18F00] =	vst v63  }
0x2d1: {  	s23 =	sadd.s32 $0xE588, s29;
	s31 =	sadd.s32 $0x10, s30  }
0x2d2: {  	[hbm4b:s31+s3] =	stream.linear.scatter [tilespmem:s23], [sflag:$0x7], $0x80, $0x38;
	[tilespmem:$0x18F00] =	vst v63  }
0x2d3: {  	s1 =	sadd.s32 $0xE610, s29;
	s6 =	sadd.s32 $0x20, s30  }
0x2d4: {  	[hbm4b:s6+s3] =	stream.linear.scatter [tilespmem:s1], [sflag:$0x7], $0x80, $0x38;
	[tilespmem:$0x18F00] =	vst v63  }
0x2d5: {  	s8 =	sadd.s32 $0xE698, s29;
	s19 =	sadd.s32 $0x30, s30  }
0x2d6: {  	[hbm4b:s19+s3] =	stream.linear.scatter [tilespmem:s8], [sflag:$0x7], $0x80, $0x38;
	[tilespmem:$0x18F00] =	vst v63  }
0x2d7: {  	s23 =	sadd.s32 $0xE720, s29;
	s31 =	sadd.s32 $0x40, s30  }
0x2d8: {  	[hbm4b:s31+s3] =	stream.linear.scatter [tilespmem:s23], [sflag:$0x7], $0x80, $0x38;
	[tilespmem:$0x18F00] =	vst v63  }
0x2d9: {  	s6 =	sadd.s32 $0xE7A8, s29;
	s8 =	sadd.s32 $0x50, s30  }
0x2da: {  	[hbm4b:s8+s3] =	stream.linear.scatter [tilespmem:s6], [sflag:$0x7], $0x80, $0x38;
	[tilespmem:$0x18F00] =	vst v63  }
.Ltmp29:
0x2db: {  	_ = 	snop;
	(pc) =	sbr.rel .LBB2_40-.Ltmp29, $4  }
0x2dc: {  	s19 =	sadd.s32 $0xE830, s29;
	s23 =	sadd.s32 $0x60, s30  }
0x2dd: {  	[hbm4b:s23+s3] =	stream.linear.scatter [tilespmem:s19], [sflag:$0x7], $0x80, $0x38;
	[tilespmem:$0x18F00] =	vst v63  }
0x2de: {  	s29 =	sadd.s32 $0xE8B8, s29;
	s31 =	sadd.s32 $0x70, s30  }
0x2df: {  	[hbm4b:s31+s3] =	stream.linear.scatter [tilespmem:s29], [sflag:$0x7], $0x80, $0x38;
	[tilespmem:$0x18F00] =	vst v63  }
.LBB2_42:
0x2e0: {  	_ =	sfence.sel $0x180000  }
0x2e1: {  	[bflag:$0x0] =	sbarrier.arrive $0xFFFF  }
0x2e2: {  	_ =	strace $0x90000047  }
0x2e3: {  	s0 =	stileid.u32;
	[bflag:$0x2] =	sbarrier.arrive $0xFFFF  }
0x2e4: {  	p0 =	sne.s32 s0, $0x0;
	s0 =	rddreg [dreg:$0x2]  }
0x2e5: {  	s0 =	sadd.s32 @!p0 $0x100000, s0  }
0x2e6: {  	[sflag:s0] =	ssyncadd.tile.s32 @!p0 $0x1;
	_ =	shalt  }
.Lfunc_end2:
_tile_overlayer_lowered:
.L_overlay_start_2:
0x2e7: {  	(tag) =	ssettag $0x2  }
0x2e8: {  	s0 =	rddreg [dreg:$0x0];
	s2 =	stileid.u32  }
0x2e9: {  	s1 =	rddreg [dreg:$0x1];
	p0 =	sne.s32 s2, $0x0  }
0x2ea: {  	s3 =	rddreg [dreg:$0x2];
	[bflag:$0x3] =	sbarrier.arrive $0xFFFF;
	s2 =	simm.s32 @!p0 $0x1C0A  }
0x2eb: {  	[timem:s3], [sflag:s2] =	dma.local @!p0 [hbm:s0], s1  }
0x2ec: {  	s0 =	simm.s32 @!p0 $0xA  }
0x2ed: {  	_ =	swait.ge @!p0 [sflag:s0], s1  }
0x2ee: {  	s1 =	ssub.s32 @!p0 $0x0, s1;
	[sflag:s0] =	ssyncset.done @!p0 $0x0  }
0x2ef: {  	[sflag:s0] =	ssyncadd.s32 @!p0 s1  }
0x2f0: {  	[bflag:$0x3] =	sbarrier.arrive $0xFFFF  }
0x2f1: {  	_ =	shalt  }

</sc_bundles>
